<compile_context>
chip_gen: v7x
topology: tpu7x:2x2x1
jax: 0.10.2.dev20260603
libtpu: 0.0.44.dev20260713+nightly
codegen_flags: <defaults>
</compile_context>

<pallas_src>
import functools

import jax
import jax.numpy as jnp
from jax import lax
from jax.experimental import pallas as pl
from jax.experimental.pallas import tpu as pltpu
from jax.experimental.pallas import tpu_sc as plsc

N_NODES = 10000
D = 128
DH = D // 2
N_LAYERS = 8
N_PAD = 10240
DUMMY = N_NODES

NC, NS = 2, 16
NW = NC * NS
CHUNK = 128
NCHUNK = 84
HALF = NCHUNK // 2
NCHUNK_DEG = 84
E_PAD = NW * NCHUNK * CHUNK
ROWS_PER_TILE = N_PAD // NS
NBUF = 2

_mesh = plsc.VectorSubcoreMesh(core_axis_name="c", subcore_axis_name="s")


@functools.partial(
    pl.kernel,
    mesh=_mesh,
    out_type=jax.ShapeDtypeStruct((NC, N_PAD), jnp.float32),
    scratch_types=[
        pltpu.VMEM((NCHUNK_DEG, CHUNK), jnp.int32),
        pltpu.VMEM((CHUNK,), jnp.float32),
        pltpu.VMEM((ROWS_PER_TILE,), jnp.float32),
        pltpu.VMEM_SHARED((N_PAD,), jnp.float32),
        pltpu.SemaphoreType.DMA,
    ],
)
def _deg_kernel(dst_hbm, out_hbm, didx_v, ones_v, node_v, acc, sem):
    c = lax.axis_index("c")
    s = lax.axis_index("s")
    for i in range(ROWS_PER_TILE // 16):
        node_v[pl.ds(16 * i, 16)] = jnp.zeros((16,), jnp.float32)
    for i in range(CHUNK // 16):
        ones_v[pl.ds(16 * i, 16)] = jnp.ones((16,), jnp.float32)

    nbase = s * ROWS_PER_TILE
    pltpu.sync_copy(node_v, acc.at[pl.ds(nbase, ROWS_PER_TILE)])
    w = c * NS + s
    pltpu.sync_copy(dst_hbm.at[w], didx_v)
    plsc.subcore_barrier()

    def chunk_body(j, carry):
        pltpu.async_copy(ones_v, acc.at[didx_v.at[j]], sem, add=True)

        @pl.when(j >= 4)
        def _():
            pltpu.make_async_copy(ones_v, acc.at[didx_v.at[j]], sem).wait()

        return carry

    lax.fori_loop(0, NCHUNK_DEG, chunk_body, 0)
    for j in range(4):
        pltpu.make_async_copy(ones_v, acc.at[didx_v.at[j]], sem).wait()
    plsc.subcore_barrier()
    pltpu.sync_copy(acc.at[pl.ds(nbase, ROWS_PER_TILE)], node_v)
    pltpu.sync_copy(node_v, out_hbm.at[c, pl.ds(nbase, ROWS_PER_TILE)])


@functools.partial(
    pl.kernel,
    mesh=_mesh,
    out_type=jax.ShapeDtypeStruct((NC, N_PAD, D), jnp.bfloat16),
    scratch_types=[
        pltpu.VMEM((HALF, CHUNK), jnp.int32),
        pltpu.VMEM((HALF, CHUNK), jnp.int32),
        pltpu.VMEM((NBUF, CHUNK, D), jnp.bfloat16),
        pltpu.VMEM_SHARED((N_PAD, D), jnp.bfloat16),
        pltpu.SemaphoreType.DMA((NBUF,)),
        pltpu.SemaphoreType.DMA((NBUF,)),
    ],
    compiler_params=pltpu.CompilerParams(use_tc_tiling_on_sc=False),
)
def _agg_kernel(y_hbm, src_hbm, dst_hbm, out_hbm, sidx_v, didx_v, rows_v, acc,
                gsem, ssem):
    c = lax.axis_index("c")
    s = lax.axis_index("s")
    w = c * NS + s

    def zero_row(i, carry):
        ri = pl.multiple_of(2 * i, 2)
        for k in range(D // 16):
            rows_v[0, pl.ds(ri, 2), pl.ds(16 * k, 16)] = jnp.zeros(
                (2, 16), jnp.bfloat16)
        return carry

    lax.fori_loop(0, CHUNK // 2, zero_row, 0)

    nbase = s * ROWS_PER_TILE
    for k in range(ROWS_PER_TILE // CHUNK):
        pltpu.sync_copy(rows_v.at[0], acc.at[pl.ds(nbase + k * CHUNK, CHUNK)])
    plsc.subcore_barrier()

    def start_gather(j, b):
        pltpu.async_copy(y_hbm.at[sidx_v.at[j]], rows_v.at[b], gsem.at[b])

    def wait_gather(j, b):
        pltpu.make_async_copy(
            y_hbm.at[sidx_v.at[j]], rows_v.at[b], gsem.at[b]).wait()

    def start_scatter(j, b):
        pltpu.async_copy(rows_v.at[b], acc.at[didx_v.at[j]], ssem.at[b],
                         add=True)

    def wait_scatter(j, b):
        pltpu.make_async_copy(
            rows_v.at[b], acc.at[didx_v.at[j]], ssem.at[b]).wait()

    for p in range(2):
        pltpu.sync_copy(src_hbm.at[w, p], sidx_v)
        pltpu.sync_copy(dst_hbm.at[w, p], didx_v)
        start_gather(0, 0)
        start_gather(1, 1)
        wait_gather(0, 0)
        start_scatter(0, 0)

        def pipe_body(i, carry):
            for b in range(NBUF):
                j = NBUF * i + NBUF + b
                nb = 1 - b
                wait_scatter(j - 2, b)
                start_gather(j, b)
                wait_gather(j - 1, nb)
                start_scatter(j - 1, nb)
            return carry

        lax.fori_loop(0, (HALF - NBUF) // NBUF, pipe_body, 0)
        wait_gather(HALF - 1, (HALF - 1) % NBUF)
        start_scatter(HALF - 1, (HALF - 1) % NBUF)
        wait_scatter(HALF - 2, (HALF - 2) % NBUF)
        wait_scatter(HALF - 1, (HALF - 1) % NBUF)

    plsc.subcore_barrier()
    for k in range(ROWS_PER_TILE // CHUNK):
        pltpu.sync_copy(acc.at[pl.ds(nbase + k * CHUNK, CHUNK)], rows_v.at[0])
        pltpu.sync_copy(rows_v.at[0],
                        out_hbm.at[c, pl.ds(nbase + k * CHUNK, CHUNK)])


def _dis(deg):
    return jnp.where(deg > 0, lax.rsqrt(jnp.maximum(deg, 1e-12)), 0.0)


def _scale_body(x_ref, d0_ref, d1_ref, y_ref):
    deg = d0_ref[...] + d1_ref[...]
    y_ref[...] = (x_ref[...] * _dis(deg)).astype(jnp.bfloat16)


_ROW_BLK = 400
_N_BLKS = N_NODES // _ROW_BLK


def _scale_call(xp, d0, d1):
    return pl.pallas_call(
        _scale_body,
        grid=(_N_BLKS,),
        in_specs=[
            pl.BlockSpec((_ROW_BLK, D), lambda i: (i, 0)),
            pl.BlockSpec((_ROW_BLK, 1), lambda i: (i, 0)),
            pl.BlockSpec((_ROW_BLK, 1), lambda i: (i, 0)),
        ],
        out_specs=pl.BlockSpec((_ROW_BLK, D), lambda i: (i, 0)),
        out_shape=jax.ShapeDtypeStruct((N_NODES, D), jnp.bfloat16),
    )(xp, d0, d1)


def _mm_body(z0_ref, z1_ref, d0_ref, d1_ref, w_ref, b_ref, o_ref):
    deg = d0_ref[...] + d1_ref[...]
    dis = _dis(deg)
    zsum = z0_ref[...].astype(jnp.float32) + z1_ref[...].astype(jnp.float32)
    xa = zsum * dis
    acc = lax.dot_general(
        xa, w_ref[...], (((1,), (0,)), ((), ())),
        preferred_element_type=jnp.float32,
    )
    o_ref[...] = jax.nn.sigmoid(acc + b_ref[...])


def _mm_call(z0, z1, d0, d1, w_cat, b_cat):
    return pl.pallas_call(
        _mm_body,
        grid=(_N_BLKS,),
        in_specs=[
            pl.BlockSpec((_ROW_BLK, D), lambda i: (i, 0)),
            pl.BlockSpec((_ROW_BLK, D), lambda i: (i, 0)),
            pl.BlockSpec((_ROW_BLK, 1), lambda i: (i, 0)),
            pl.BlockSpec((_ROW_BLK, 1), lambda i: (i, 0)),
            pl.BlockSpec((D, N_LAYERS * D), lambda i: (0, 0)),
            pl.BlockSpec((1, N_LAYERS * D), lambda i: (0, 0)),
        ],
        out_specs=pl.BlockSpec((_ROW_BLK, N_LAYERS * D), lambda i: (i, 0)),
        out_shape=jax.ShapeDtypeStruct((N_NODES, N_LAYERS * D), jnp.float32),
    )(z0, z1, d0, d1, w_cat, b_cat)


@jax.jit
def kernel(x, edge_index, W, b):
    loop = jnp.arange(N_NODES, dtype=edge_index.dtype)
    n_extra = E_PAD - edge_index.shape[1] - N_NODES
    pad_idx = jnp.arange(n_extra, dtype=edge_index.dtype)
    pad_src = pad_idx % N_NODES
    pad_dst = DUMMY + pad_idx % (N_PAD - N_NODES)
    src = jnp.concatenate([edge_index[0], loop, pad_src])
    dst = jnp.concatenate([edge_index[1], loop, pad_dst])
    src_agg = src.reshape(NW, 2, HALF, CHUNK)
    dst_agg = dst.reshape(NW, 2, HALF, CHUNK)
    dst_deg = dst.reshape(NW, NCHUNK_DEG, CHUNK)

    degp = _deg_kernel(dst_deg)
    d0 = degp[0].reshape(N_PAD, 1)
    d1 = degp[1].reshape(N_PAD, 1)

    y = _scale_call(x, d0, d1)

    z = _agg_kernel(y, src_agg, dst_agg)

    w_cat = jnp.transpose(W, (1, 0, 2)).reshape(D, N_LAYERS * D)
    b_cat = b.reshape(1, N_LAYERS * D)
    return _mm_call(z[0], z[1], d0, d1, w_cat, b_cat)

# --- scband reference (transcript-rebuilt; emitter-appended) ---
"""Pipeline reference for scband-gcnelayer-33517924778605 (READ-ONLY COPY).

The authoritative reference and input builder live on the scoring server;
editing this copy changes nothing except your own understanding.
"""

import jax, jax.numpy as jnp
import numpy as np

N = 10000
E = 320000
D_IN = 128
D_OUT = 128
L = 8


def setup_inputs(seed: int = 0) -> dict:
    key = jax.random.key(seed)
    k1, k2, k3, k4 = jax.random.split(key, 4)
    x = jax.random.normal(k1, (N, D_IN), dtype=jnp.float32)
    edge_index = jax.random.randint(k2, (2, E), 0, N, dtype=jnp.int32)
    # 8 parallel GCNConv layers: weight [L, D_IN, D_OUT], bias [L, D_OUT]
    W = jax.random.normal(k3, (L, D_IN, D_OUT), dtype=jnp.float32) * (1.0 / np.sqrt(D_IN))
    b = jnp.zeros((L, D_OUT), dtype=jnp.float32)
    return {"x": x, "edge_index": edge_index, "W": W, "b": b}


def _gcn_conv(x, src, dst, norm, W, b):
    # PyG GCNConv: h = x @ W; out[dst] += norm * h[src]; out += b
    h = x @ W
    msg = h[src] * norm[:, None]
    out = jax.ops.segment_sum(msg, dst, num_segments=N)
    return out + b


def reference(x, edge_index, W, b):
    # add self-loops (PyG default add_self_loops=True)
    loop = jnp.arange(N, dtype=edge_index.dtype)
    src = jnp.concatenate([edge_index[0], loop])
    dst = jnp.concatenate([edge_index[1], loop])
    # symmetric normalization D^{-1/2} (A+I) D^{-1/2}
    ones = jnp.ones(src.shape[0], dtype=x.dtype)
    deg = jax.ops.segment_sum(ones, dst, num_segments=N)
    dis = jnp.where(deg > 0, jax.lax.rsqrt(jnp.maximum(deg, 1e-12)), 0.0)
    norm = dis[src] * dis[dst]
    outs = []
    for i in range(L):
        z = _gcn_conv(x, src, dst, norm, W[i], b[i])
        outs.append(jax.nn.sigmoid(z))
    return jnp.concatenate(outs, axis=1)

if __name__ == "__main__":
    import jax
    _d = setup_inputs()
    print(jax.jit(kernel)(*tuple(_d.values())))

</pallas_src>

<mosaic_0001>
#map = affine_map<(d0, d1) -> (0, 0, 0)>
#map1 = affine_map<(d0, d1) -> (0, 0)>
module attributes {stable_mosaic.version = 14 : i64} {
  func.func @_deg_kernel(%arg0: i32, %arg1: i32, %arg2: memref<32x84x128xi32, #tpu.memory_space<hbm>>, %arg3: memref<2x10240xf32, #tpu.memory_space<hbm>>, %arg4: memref<84x128xi32, #tpu.memory_space<vmem>>, %arg5: memref<128xf32, #tpu.memory_space<vmem>>, %arg6: memref<640xf32, #tpu.memory_space<vmem>>, %arg7: memref<10240xf32, #tpu.memory_space<vmem_shared>>, %arg8: memref<!tpu.dma_semaphore, #tpu.memory_space<semaphore_mem>>) attributes {dimension_semantics = [#tpu.dimension_semantics<core_parallel>, #tpu.dimension_semantics<subcore_parallel>], iteration_bounds = array<i64: 2, 16>, scalar_prefetch = 0 : i64, scratch_operands = 5 : i64, tpu.core_type = #tpu.core_type<sc_vector_subcore>, window_params = [{transform_indices = #map}, {transform_indices = #map1}]} {
    %broadcast_in_dim3A = arith.constant 0.000000e+00 : f32
    %broadcast_in_dim3A_0 = vector.broadcast %broadcast_in_dim3A : f32 to vector<16xf32>
    %swap3A = arith.constant 0 : index
    %swap3A_1 = tpu.vector_load %arg6[%swap3A] {strides = array<i32>} : memref<640xf32, #tpu.memory_space<vmem>>, vector<16xf32>,
    %swap3A_2 = vector.shape_cast %swap3A_1 : vector<16xf32> to vector<16xf32>
    %swap3A_3 = vector.shape_cast %broadcast_in_dim3A_0 : vector<16xf32> to vector<16xf32>
    tpu.vector_store %arg6[%swap3A], %swap3A_3 {strides = array<i32>} : memref<640xf32, #tpu.memory_space<vmem>>, vector<16xf32>,
    %broadcast_in_dim3A_4 = arith.constant 0.000000e+00 : f32
    %broadcast_in_dim3A_5 = vector.broadcast %broadcast_in_dim3A_4 : f32 to vector<16xf32>
    %swap3A_6 = arith.constant 16 : index
    %swap3A_7 = tpu.vector_load %arg6[%swap3A_6] {strides = array<i32>} : memref<640xf32, #tpu.memory_space<vmem>>, vector<16xf32>,
    %swap3A_8 = vector.shape_cast %swap3A_7 : vector<16xf32> to vector<16xf32>
    %swap3A_9 = vector.shape_cast %broadcast_in_dim3A_5 : vector<16xf32> to vector<16xf32>
    tpu.vector_store %arg6[%swap3A_6], %swap3A_9 {strides = array<i32>} : memref<640xf32, #tpu.memory_space<vmem>>, vector<16xf32>,
    %broadcast_in_dim3A_10 = arith.constant 0.000000e+00 : f32
    %broadcast_in_dim3A_11 = vector.broadcast %broadcast_in_dim3A_10 : f32 to vector<16xf32>
    %swap3A_12 = arith.constant 32 : index
    %swap3A_13 = tpu.vector_load %arg6[%swap3A_12] {strides = array<i32>} : memref<640xf32, #tpu.memory_space<vmem>>, vector<16xf32>,
    %swap3A_14 = vector.shape_cast %swap3A_13 : vector<16xf32> to vector<16xf32>
    %swap3A_15 = vector.shape_cast %broadcast_in_dim3A_11 : vector<16xf32> to vector<16xf32>
    tpu.vector_store %arg6[%swap3A_12], %swap3A_15 {strides = array<i32>} : memref<640xf32, #tpu.memory_space<vmem>>, vector<16xf32>,
    %broadcast_in_dim3A_16 = arith.constant 0.000000e+00 : f32
    %broadcast_in_dim3A_17 = vector.broadcast %broadcast_in_dim3A_16 : f32 to vector<16xf32>
    %swap3A_18 = arith.constant 48 : index
    %swap3A_19 = tpu.vector_load %arg6[%swap3A_18] {strides = array<i32>} : memref<640xf32, #tpu.memory_space<vmem>>, vector<16xf32>,
    %swap3A_20 = vector.shape_cast %swap3A_19 : vector<16xf32> to vector<16xf32>
    %swap3A_21 = vector.shape_cast %broadcast_in_dim3A_17 : vector<16xf32> to vector<16xf32>
    tpu.vector_store %arg6[%swap3A_18], %swap3A_21 {strides = array<i32>} : memref<640xf32, #tpu.memory_space<vmem>>, vector<16xf32>,
    %broadcast_in_dim3A_22 = arith.constant 0.000000e+00 : f32
    %broadcast_in_dim3A_23 = vector.broadcast %broadcast_in_dim3A_22 : f32 to vector<16xf32>
    %swap3A_24 = arith.constant 64 : index
    %swap3A_25 = tpu.vector_load %arg6[%swap3A_24] {strides = array<i32>} : memref<640xf32, #tpu.memory_space<vmem>>, vector<16xf32>,
    %swap3A_26 = vector.shape_cast %swap3A_25 : vector<16xf32> to vector<16xf32>
    %swap3A_27 = vector.shape_cast %broadcast_in_dim3A_23 : vector<16xf32> to vector<16xf32>
    tpu.vector_store %arg6[%swap3A_24], %swap3A_27 {strides = array<i32>} : memref<640xf32, #tpu.memory_space<vmem>>, vector<16xf32>,
    %broadcast_in_dim3A_28 = arith.constant 0.000000e+00 : f32
    %broadcast_in_dim3A_29 = vector.broadcast %broadcast_in_dim3A_28 : f32 to vector<16xf32>
    %swap3A_30 = arith.constant 80 : index
    %swap3A_31 = tpu.vector_load %arg6[%swap3A_30] {strides = array<i32>} : memref<640xf32, #tpu.memory_space<vmem>>, vector<16xf32>,
    %swap3A_32 = vector.shape_cast %swap3A_31 : vector<16xf32> to vector<16xf32>
    %swap3A_33 = vector.shape_cast %broadcast_in_dim3A_29 : vector<16xf32> to vector<16xf32>
    tpu.vector_store %arg6[%swap3A_30], %swap3A_33 {strides = array<i32>} : memref<640xf32, #tpu.memory_space<vmem>>, vector<16xf32>,
    %broadcast_in_dim3A_34 = arith.constant 0.000000e+00 : f32
    %broadcast_in_dim3A_35 = vector.broadcast %broadcast_in_dim3A_34 : f32 to vector<16xf32>
    %swap3A_36 = arith.constant 96 : index
    %swap3A_37 = tpu.vector_load %arg6[%swap3A_36] {strides = array<i32>} : memref<640xf32, #tpu.memory_space<vmem>>, vector<16xf32>,
    %swap3A_38 = vector.shape_cast %swap3A_37 : vector<16xf32> to vector<16xf32>
    %swap3A_39 = vector.shape_cast %broadcast_in_dim3A_35 : vector<16xf32> to vector<16xf32>
    tpu.vector_store %arg6[%swap3A_36], %swap3A_39 {strides = array<i32>} : memref<640xf32, #tpu.memory_space<vmem>>, vector<16xf32>,
    %broadcast_in_dim3A_40 = arith.constant 0.000000e+00 : f32
    %broadcast_in_dim3A_41 = vector.broadcast %broadcast_in_dim3A_40 : f32 to vector<16xf32>
    %swap3A_42 = arith.constant 112 : index
    %swap3A_43 = tpu.vector_load %arg6[%swap3A_42] {strides = array<i32>} : memref<640xf32, #tpu.memory_space<vmem>>, vector<16xf32>,
    %swap3A_44 = vector.shape_cast %swap3A_43 : vector<16xf32> to vector<16xf32>
    %swap3A_45 = vector.shape_cast %broadcast_in_dim3A_41 : vector<16xf32> to vector<16xf32>
    tpu.vector_store %arg6[%swap3A_42], %swap3A_45 {strides = array<i32>} : memref<640xf32, #tpu.memory_space<vmem>>, vector<16xf32>,
    %broadcast_in_dim3A_46 = arith.constant 0.000000e+00 : f32
    %broadcast_in_dim3A_47 = vector.broadcast %broadcast_in_dim3A_46 : f32 to vector<16xf32>
    %swap3A_48 = arith.constant 128 : index
    %swap3A_49 = tpu.vector_load %arg6[%swap3A_48] {strides = array<i32>} : memref<640xf32, #tpu.memory_space<vmem>>, vector<16xf32>,
    %swap3A_50 = vector.shape_cast %swap3A_49 : vector<16xf32> to vector<16xf32>
    %swap3A_51 = vector.shape_cast %broadcast_in_dim3A_47 : vector<16xf32> to vector<16xf32>
    tpu.vector_store %arg6[%swap3A_48], %swap3A_51 {strides = array<i32>} : memref<640xf32, #tpu.memory_space<vmem>>, vector<16xf32>,
    %broadcast_in_dim3A_52 = arith.constant 0.000000e+00 : f32
    %broadcast_in_dim3A_53 = vector.broadcast %broadcast_in_dim3A_52 : f32 to vector<16xf32>
    %swap3A_54 = arith.constant 144 : index
    %swap3A_55 = tpu.vector_load %arg6[%swap3A_54] {strides = array<i32>} : memref<640xf32, #tpu.memory_space<vmem>>, vector<16xf32>,
    %swap3A_56 = vector.shape_cast %swap3A_55 : vector<16xf32> to vector<16xf32>
    %swap3A_57 = vector.shape_cast %broadcast_in_dim3A_53 : vector<16xf32> to vector<16xf32>
    tpu.vector_store %arg6[%swap3A_54], %swap3A_57 {strides = array<i32>} : memref<640xf32, #tpu.memory_space<vmem>>, vector<16xf32>,
    %broadcast_in_dim3A_58 = arith.constant 0.000000e+00 : f32
    %broadcast_in_dim3A_59 = vector.broadcast %broadcast_in_dim3A_58 : f32 to vector<16xf32>
    %swap3A_60 = arith.constant 160 : index
    %swap3A_61 = tpu.vector_load %arg6[%swap3A_60] {strides = array<i32>} : memref<640xf32, #tpu.memory_space<vmem>>, vector<16xf32>,
    %swap3A_62 = vector.shape_cast %swap3A_61 : vector<16xf32> to vector<16xf32>
    %swap3A_63 = vector.shape_cast %broadcast_in_dim3A_59 : vector<16xf32> to vector<16xf32>
    tpu.vector_store %arg6[%swap3A_60], %swap3A_63 {strides = array<i32>} : memref<640xf32, #tpu.memory_space<vmem>>, vector<16xf32>,
    %broadcast_in_dim3A_64 = arith.constant 0.000000e+00 : f32
    %broadcast_in_dim3A_65 = vector.broadcast %broadcast_in_dim3A_64 : f32 to vector<16xf32>
    %swap3A_66 = arith.constant 176 : index
    %swap3A_67 = tpu.vector_load %arg6[%swap3A_66] {strides = array<i32>} : memref<640xf32, #tpu.memory_space<vmem>>, vector<16xf32>,
    %swap3A_68 = vector.shape_cast %swap3A_67 : vector<16xf32> to vector<16xf32>
    %swap3A_69 = vector.shape_cast %broadcast_in_dim3A_65 : vector<16xf32> to vector<16xf32>
    tpu.vector_store %arg6[%swap3A_66], %swap3A_69 {strides = array<i32>} : memref<640xf32, #tpu.memory_space<vmem>>, vector<16xf32>,
    %broadcast_in_dim3A_70 = arith.constant 0.000000e+00 : f32
    %broadcast_in_dim3A_71 = vector.broadcast %broadcast_in_dim3A_70 : f32 to vector<16xf32>
    %swap3A_72 = arith.constant 192 : index
    %swap3A_73 = tpu.vector_load %arg6[%swap3A_72] {strides = array<i32>} : memref<640xf32, #tpu.memory_space<vmem>>, vector<16xf32>,
    %swap3A_74 = vector.shape_cast %swap3A_73 : vector<16xf32> to vector<16xf32>
    %swap3A_75 = vector.shape_cast %broadcast_in_dim3A_71 : vector<16xf32> to vector<16xf32>
    tpu.vector_store %arg6[%swap3A_72], %swap3A_75 {strides = array<i32>} : memref<640xf32, #tpu.memory_space<vmem>>, vector<16xf32>,
    %broadcast_in_dim3A_76 = arith.constant 0.000000e+00 : f32
    %broadcast_in_dim3A_77 = vector.broadcast %broadcast_in_dim3A_76 : f32 to vector<16xf32>
    %swap3A_78 = arith.constant 208 : index
    %swap3A_79 = tpu.vector_load %arg6[%swap3A_78] {strides = array<i32>} : memref<640xf32, #tpu.memory_space<vmem>>, vector<16xf32>,
    %swap3A_80 = vector.shape_cast %swap3A_79 : vector<16xf32> to vector<16xf32>
    %swap3A_81 = vector.shape_cast %broadcast_in_dim3A_77 : vector<16xf32> to vector<16xf32>
    tpu.vector_store %arg6[%swap3A_78], %swap3A_81 {strides = array<i32>} : memref<640xf32, #tpu.memory_space<vmem>>, vector<16xf32>,
    %broadcast_in_dim3A_82 = arith.constant 0.000000e+00 : f32
    %broadcast_in_dim3A_83 = vector.broadcast %broadcast_in_dim3A_82 : f32 to vector<16xf32>
    %swap3A_84 = arith.constant 224 : index
    %swap3A_85 = tpu.vector_load %arg6[%swap3A_84] {strides = array<i32>} : memref<640xf32, #tpu.memory_space<vmem>>, vector<16xf32>,
    %swap3A_86 = vector.shape_cast %swap3A_85 : vector<16xf32> to vector<16xf32>
    %swap3A_87 = vector.shape_cast %broadcast_in_dim3A_83 : vector<16xf32> to vector<16xf32>
    tpu.vector_store %arg6[%swap3A_84], %swap3A_87 {strides = array<i32>} : memref<640xf32, #tpu.memory_space<vmem>>, vector<16xf32>,
    %broadcast_in_dim3A_88 = arith.constant 0.000000e+00 : f32
    %broadcast_in_dim3A_89 = vector.broadcast %broadcast_in_dim3A_88 : f32 to vector<16xf32>
    %swap3A_90 = arith.constant 240 : index
    %swap3A_91 = tpu.vector_load %arg6[%swap3A_90] {strides = array<i32>} : memref<640xf32, #tpu.memory_space<vmem>>, vector<16xf32>,
    %swap3A_92 = vector.shape_cast %swap3A_91 : vector<16xf32> to vector<16xf32>
    %swap3A_93 = vector.shape_cast %broadcast_in_dim3A_89 : vector<16xf32> to vector<16xf32>
    tpu.vector_store %arg6[%swap3A_90], %swap3A_93 {strides = array<i32>} : memref<640xf32, #tpu.memory_space<vmem>>, vector<16xf32>,
    %broadcast_in_dim3A_94 = arith.constant 0.000000e+00 : f32
    %broadcast_in_dim3A_95 = vector.broadcast %broadcast_in_dim3A_94 : f32 to vector<16xf32>
    %swap3A_96 = arith.constant 256 : index
    %swap3A_97 = tpu.vector_load %arg6[%swap3A_96] {strides = array<i32>} : memref<640xf32, #tpu.memory_space<vmem>>, vector<16xf32>,
    %swap3A_98 = vector.shape_cast %swap3A_97 : vector<16xf32> to vector<16xf32>
    %swap3A_99 = vector.shape_cast %broadcast_in_dim3A_95 : vector<16xf32> to vector<16xf32>
    tpu.vector_store %arg6[%swap3A_96], %swap3A_99 {strides = array<i32>} : memref<640xf32, #tpu.memory_space<vmem>>, vector<16xf32>,
    %broadcast_in_dim3A_100 = arith.constant 0.000000e+00 : f32
    %broadcast_in_dim3A_101 = vector.broadcast %broadcast_in_dim3A_100 : f32 to vector<16xf32>
    %swap3A_102 = arith.constant 272 : index
    %swap3A_103 = tpu.vector_load %arg6[%swap3A_102] {strides = array<i32>} : memref<640xf32, #tpu.memory_space<vmem>>, vector<16xf32>,
    %swap3A_104 = vector.shape_cast %swap3A_103 : vector<16xf32> to vector<16xf32>
    %swap3A_105 = vector.shape_cast %broadcast_in_dim3A_101 : vector<16xf32> to vector<16xf32>
    tpu.vector_store %arg6[%swap3A_102], %swap3A_105 {strides = array<i32>} : memref<640xf32, #tpu.memory_space<vmem>>, vector<16xf32>,
    %broadcast_in_dim3A_106 = arith.constant 0.000000e+00 : f32
    %broadcast_in_dim3A_107 = vector.broadcast %broadcast_in_dim3A_106 : f32 to vector<16xf32>
    %swap3A_108 = arith.constant 288 : index
    %swap3A_109 = tpu.vector_load %arg6[%swap3A_108] {strides = array<i32>} : memref<640xf32, #tpu.memory_space<vmem>>, vector<16xf32>,
    %swap3A_110 = vector.shape_cast %swap3A_109 : vector<16xf32> to vector<16xf32>
    %swap3A_111 = vector.shape_cast %broadcast_in_dim3A_107 : vector<16xf32> to vector<16xf32>
    tpu.vector_store %arg6[%swap3A_108], %swap3A_111 {strides = array<i32>} : memref<640xf32, #tpu.memory_space<vmem>>, vector<16xf32>,
    %broadcast_in_dim3A_112 = arith.constant 0.000000e+00 : f32
    %broadcast_in_dim3A_113 = vector.broadcast %broadcast_in_dim3A_112 : f32 to vector<16xf32>
    %swap3A_114 = arith.constant 304 : index
    %swap3A_115 = tpu.vector_load %arg6[%swap3A_114] {strides = array<i32>} : memref<640xf32, #tpu.memory_space<vmem>>, vector<16xf32>,
    %swap3A_116 = vector.shape_cast %swap3A_115 : vector<16xf32> to vector<16xf32>
    %swap3A_117 = vector.shape_cast %broadcast_in_dim3A_113 : vector<16xf32> to vector<16xf32>
    tpu.vector_store %arg6[%swap3A_114], %swap3A_117 {strides = array<i32>} : memref<640xf32, #tpu.memory_space<vmem>>, vector<16xf32>,
    %broadcast_in_dim3A_118 = arith.constant 0.000000e+00 : f32
    %broadcast_in_dim3A_119 = vector.broadcast %broadcast_in_dim3A_118 : f32 to vector<16xf32>
    %swap3A_120 = arith.constant 320 : index
    %swap3A_121 = tpu.vector_load %arg6[%swap3A_120] {strides = array<i32>} : memref<640xf32, #tpu.memory_space<vmem>>, vector<16xf32>,
    %swap3A_122 = vector.shape_cast %swap3A_121 : vector<16xf32> to vector<16xf32>
    %swap3A_123 = vector.shape_cast %broadcast_in_dim3A_119 : vector<16xf32> to vector<16xf32>
    tpu.vector_store %arg6[%swap3A_120], %swap3A_123 {strides = array<i32>} : memref<640xf32, #tpu.memory_space<vmem>>, vector<16xf32>,
    %broadcast_in_dim3A_124 = arith.constant 0.000000e+00 : f32
    %broadcast_in_dim3A_125 = vector.broadcast %broadcast_in_dim3A_124 : f32 to vector<16xf32>
    %swap3A_126 = arith.constant 336 : index
    %swap3A_127 = tpu.vector_load %arg6[%swap3A_126] {strides = array<i32>} : memref<640xf32, #tpu.memory_space<vmem>>, vector<16xf32>,
    %swap3A_128 = vector.shape_cast %swap3A_127 : vector<16xf32> to vector<16xf32>
    %swap3A_129 = vector.shape_cast %broadcast_in_dim3A_125 : vector<16xf32> to vector<16xf32>
    tpu.vector_store %arg6[%swap3A_126], %swap3A_129 {strides = array<i32>} : memref<640xf32, #tpu.memory_space<vmem>>, vector<16xf32>,
    %broadcast_in_dim3A_130 = arith.constant 0.000000e+00 : f32
    %broadcast_in_dim3A_131 = vector.broadcast %broadcast_in_dim3A_130 : f32 to vector<16xf32>
    %swap3A_132 = arith.constant 352 : index
    %swap3A_133 = tpu.vector_load %arg6[%swap3A_132] {strides = array<i32>} : memref<640xf32, #tpu.memory_space<vmem>>, vector<16xf32>,
    %swap3A_134 = vector.shape_cast %swap3A_133 : vector<16xf32> to vector<16xf32>
    %swap3A_135 = vector.shape_cast %broadcast_in_dim3A_131 : vector<16xf32> to vector<16xf32>
    tpu.vector_store %arg6[%swap3A_132], %swap3A_135 {strides = array<i32>} : memref<640xf32, #tpu.memory_space<vmem>>, vector<16xf32>,
    %broadcast_in_dim3A_136 = arith.constant 0.000000e+00 : f32
    %broadcast_in_dim3A_137 = vector.broadcast %broadcast_in_dim3A_136 : f32 to vector<16xf32>
    %swap3A_138 = arith.constant 368 : index
    %swap3A_139 = tpu.vector_load %arg6[%swap3A_138] {strides = array<i32>} : memref<640xf32, #tpu.memory_space<vmem>>, vector<16xf32>,
    %swap3A_140 = vector.shape_cast %swap3A_139 : vector<16xf32> to vector<16xf32>
    %swap3A_141 = vector.shape_cast %broadcast_in_dim3A_137 : vector<16xf32> to vector<16xf32>
    tpu.vector_store %arg6[%swap3A_138], %swap3A_141 {strides = array<i32>} : memref<640xf32, #tpu.memory_space<vmem>>, vector<16xf32>,
    %broadcast_in_dim3A_142 = arith.constant 0.000000e+00 : f32
    %broadcast_in_dim3A_143 = vector.broadcast %broadcast_in_dim3A_142 : f32 to vector<16xf32>
    %swap3A_144 = arith.constant 384 : index
    %swap3A_145 = tpu.vector_load %arg6[%swap3A_144] {strides = array<i32>} : memref<640xf32, #tpu.memory_space<vmem>>, vector<16xf32>,
    %swap3A_146 = vector.shape_cast %swap3A_145 : vector<16xf32> to vector<16xf32>
    %swap3A_147 = vector.shape_cast %broadcast_in_dim3A_143 : vector<16xf32> to vector<16xf32>
    tpu.vector_store %arg6[%swap3A_144], %swap3A_147 {strides = array<i32>} : memref<640xf32, #tpu.memory_space<vmem>>, vector<16xf32>,
    %broadcast_in_dim3A_148 = arith.constant 0.000000e+00 : f32
    %broadcast_in_dim3A_149 = vector.broadcast %broadcast_in_dim3A_148 : f32 to vector<16xf32>
    %swap3A_150 = arith.constant 400 : index
    %swap3A_151 = tpu.vector_load %arg6[%swap3A_150] {strides = array<i32>} : memref<640xf32, #tpu.memory_space<vmem>>, vector<16xf32>,
    %swap3A_152 = vector.shape_cast %swap3A_151 : vector<16xf32> to vector<16xf32>
    %swap3A_153 = vector.shape_cast %broadcast_in_dim3A_149 : vector<16xf32> to vector<16xf32>
    tpu.vector_store %arg6[%swap3A_150], %swap3A_153 {strides = array<i32>} : memref<640xf32, #tpu.memory_space<vmem>>, vector<16xf32>,
    %broadcast_in_dim3A_154 = arith.constant 0.000000e+00 : f32
    %broadcast_in_dim3A_155 = vector.broadcast %broadcast_in_dim3A_154 : f32 to vector<16xf32>
    %swap3A_156 = arith.constant 416 : index
    %swap3A_157 = tpu.vector_load %arg6[%swap3A_156] {strides = array<i32>} : memref<640xf32, #tpu.memory_space<vmem>>, vector<16xf32>,
    %swap3A_158 = vector.shape_cast %swap3A_157 : vector<16xf32> to vector<16xf32>
    %swap3A_159 = vector.shape_cast %broadcast_in_dim3A_155 : vector<16xf32> to vector<16xf32>
    tpu.vector_store %arg6[%swap3A_156], %swap3A_159 {strides = array<i32>} : memref<640xf32, #tpu.memory_space<vmem>>, vector<16xf32>,
    %broadcast_in_dim3A_160 = arith.constant 0.000000e+00 : f32
    %broadcast_in_dim3A_161 = vector.broadcast %broadcast_in_dim3A_160 : f32 to vector<16xf32>
    %swap3A_162 = arith.constant 432 : index
    %swap3A_163 = tpu.vector_load %arg6[%swap3A_162] {strides = array<i32>} : memref<640xf32, #tpu.memory_space<vmem>>, vector<16xf32>,
    %swap3A_164 = vector.shape_cast %swap3A_163 : vector<16xf32> to vector<16xf32>
    %swap3A_165 = vector.shape_cast %broadcast_in_dim3A_161 : vector<16xf32> to vector<16xf32>
    tpu.vector_store %arg6[%swap3A_162], %swap3A_165 {strides = array<i32>} : memref<640xf32, #tpu.memory_space<vmem>>, vector<16xf32>,
    %broadcast_in_dim3A_166 = arith.constant 0.000000e+00 : f32
    %broadcast_in_dim3A_167 = vector.broadcast %broadcast_in_dim3A_166 : f32 to vector<16xf32>
    %swap3A_168 = arith.constant 448 : index
    %swap3A_169 = tpu.vector_load %arg6[%swap3A_168] {strides = array<i32>} : memref<640xf32, #tpu.memory_space<vmem>>, vector<16xf32>,
    %swap3A_170 = vector.shape_cast %swap3A_169 : vector<16xf32> to vector<16xf32>
    %swap3A_171 = vector.shape_cast %broadcast_in_dim3A_167 : vector<16xf32> to vector<16xf32>
    tpu.vector_store %arg6[%swap3A_168], %swap3A_171 {strides = array<i32>} : memref<640xf32, #tpu.memory_space<vmem>>, vector<16xf32>,
    %broadcast_in_dim3A_172 = arith.constant 0.000000e+00 : f32
    %broadcast_in_dim3A_173 = vector.broadcast %broadcast_in_dim3A_172 : f32 to vector<16xf32>
    %swap3A_174 = arith.constant 464 : index
    %swap3A_175 = tpu.vector_load %arg6[%swap3A_174] {strides = array<i32>} : memref<640xf32, #tpu.memory_space<vmem>>, vector<16xf32>,
    %swap3A_176 = vector.shape_cast %swap3A_175 : vector<16xf32> to vector<16xf32>
    %swap3A_177 = vector.shape_cast %broadcast_in_dim3A_173 : vector<16xf32> to vector<16xf32>
    tpu.vector_store %arg6[%swap3A_174], %swap3A_177 {strides = array<i32>} : memref<640xf32, #tpu.memory_space<vmem>>, vector<16xf32>,
    %broadcast_in_dim3A_178 = arith.constant 0.000000e+00 : f32
    %broadcast_in_dim3A_179 = vector.broadcast %broadcast_in_dim3A_178 : f32 to vector<16xf32>
    %swap3A_180 = arith.constant 480 : index
    %swap3A_181 = tpu.vector_load %arg6[%swap3A_180] {strides = array<i32>} : memref<640xf32, #tpu.memory_space<vmem>>, vector<16xf32>,
    %swap3A_182 = vector.shape_cast %swap3A_181 : vector<16xf32> to vector<16xf32>
    %swap3A_183 = vector.shape_cast %broadcast_in_dim3A_179 : vector<16xf32> to vector<16xf32>
    tpu.vector_store %arg6[%swap3A_180], %swap3A_183 {strides = array<i32>} : memref<640xf32, #tpu.memory_space<vmem>>, vector<16xf32>,
    %broadcast_in_dim3A_184 = arith.constant 0.000000e+00 : f32
    %broadcast_in_dim3A_185 = vector.broadcast %broadcast_in_dim3A_184 : f32 to vector<16xf32>
    %swap3A_186 = arith.constant 496 : index
    %swap3A_187 = tpu.vector_load %arg6[%swap3A_186] {strides = array<i32>} : memref<640xf32, #tpu.memory_space<vmem>>, vector<16xf32>,
    %swap3A_188 = vector.shape_cast %swap3A_187 : vector<16xf32> to vector<16xf32>
    %swap3A_189 = vector.shape_cast %broadcast_in_dim3A_185 : vector<16xf32> to vector<16xf32>
    tpu.vector_store %arg6[%swap3A_186], %swap3A_189 {strides = array<i32>} : memref<640xf32, #tpu.memory_space<vmem>>, vector<16xf32>,
    %broadcast_in_dim3A_190 = arith.constant 0.000000e+00 : f32
    %broadcast_in_dim3A_191 = vector.broadcast %broadcast_in_dim3A_190 : f32 to vector<16xf32>
    %swap3A_192 = arith.constant 512 : index
    %swap3A_193 = tpu.vector_load %arg6[%swap3A_192] {strides = array<i32>} : memref<640xf32, #tpu.memory_space<vmem>>, vector<16xf32>,
    %swap3A_194 = vector.shape_cast %swap3A_193 : vector<16xf32> to vector<16xf32>
    %swap3A_195 = vector.shape_cast %broadcast_in_dim3A_191 : vector<16xf32> to vector<16xf32>
    tpu.vector_store %arg6[%swap3A_192], %swap3A_195 {strides = array<i32>} : memref<640xf32, #tpu.memory_space<vmem>>, vector<16xf32>,
    %broadcast_in_dim3A_196 = arith.constant 0.000000e+00 : f32
    %broadcast_in_dim3A_197 = vector.broadcast %broadcast_in_dim3A_196 : f32 to vector<16xf32>
    %swap3A_198 = arith.constant 528 : index
    %swap3A_199 = tpu.vector_load %arg6[%swap3A_198] {strides = array<i32>} : memref<640xf32, #tpu.memory_space<vmem>>, vector<16xf32>,
    %swap3A_200 = vector.shape_cast %swap3A_199 : vector<16xf32> to vector<16xf32>
    %swap3A_201 = vector.shape_cast %broadcast_in_dim3A_197 : vector<16xf32> to vector<16xf32>
    tpu.vector_store %arg6[%swap3A_198], %swap3A_201 {strides = array<i32>} : memref<640xf32, #tpu.memory_space<vmem>>, vector<16xf32>,
    %broadcast_in_dim3A_202 = arith.constant 0.000000e+00 : f32
    %broadcast_in_dim3A_203 = vector.broadcast %broadcast_in_dim3A_202 : f32 to vector<16xf32>
    %swap3A_204 = arith.constant 544 : index
    %swap3A_205 = tpu.vector_load %arg6[%swap3A_204] {strides = array<i32>} : memref<640xf32, #tpu.memory_space<vmem>>, vector<16xf32>,
    %swap3A_206 = vector.shape_cast %swap3A_205 : vector<16xf32> to vector<16xf32>
    %swap3A_207 = vector.shape_cast %broadcast_in_dim3A_203 : vector<16xf32> to vector<16xf32>
    tpu.vector_store %arg6[%swap3A_204], %swap3A_207 {strides = array<i32>} : memref<640xf32, #tpu.memory_space<vmem>>, vector<16xf32>,
    %broadcast_in_dim3A_208 = arith.constant 0.000000e+00 : f32
    %broadcast_in_dim3A_209 = vector.broadcast %broadcast_in_dim3A_208 : f32 to vector<16xf32>
    %swap3A_210 = arith.constant 560 : index
    %swap3A_211 = tpu.vector_load %arg6[%swap3A_210] {strides = array<i32>} : memref<640xf32, #tpu.memory_space<vmem>>, vector<16xf32>,
    %swap3A_212 = vector.shape_cast %swap3A_211 : vector<16xf32> to vector<16xf32>
    %swap3A_213 = vector.shape_cast %broadcast_in_dim3A_209 : vector<16xf32> to vector<16xf32>
    tpu.vector_store %arg6[%swap3A_210], %swap3A_213 {strides = array<i32>} : memref<640xf32, #tpu.memory_space<vmem>>, vector<16xf32>,
    %broadcast_in_dim3A_214 = arith.constant 0.000000e+00 : f32
    %broadcast_in_dim3A_215 = vector.broadcast %broadcast_in_dim3A_214 : f32 to vector<16xf32>
    %swap3A_216 = arith.constant 576 : index
    %swap3A_217 = tpu.vector_load %arg6[%swap3A_216] {strides = array<i32>} : memref<640xf32, #tpu.memory_space<vmem>>, vector<16xf32>,
    %swap3A_218 = vector.shape_cast %swap3A_217 : vector<16xf32> to vector<16xf32>
    %swap3A_219 = vector.shape_cast %broadcast_in_dim3A_215 : vector<16xf32> to vector<16xf32>
    tpu.vector_store %arg6[%swap3A_216], %swap3A_219 {strides = array<i32>} : memref<640xf32, #tpu.memory_space<vmem>>, vector<16xf32>,
    %broadcast_in_dim3A_220 = arith.constant 0.000000e+00 : f32
    %broadcast_in_dim3A_221 = vector.broadcast %broadcast_in_dim3A_220 : f32 to vector<16xf32>
    %swap3A_222 = arith.constant 592 : index
    %swap3A_223 = tpu.vector_load %arg6[%swap3A_222] {strides = array<i32>} : memref<640xf32, #tpu.memory_space<vmem>>, vector<16xf32>,
    %swap3A_224 = vector.shape_cast %swap3A_223 : vector<16xf32> to vector<16xf32>
    %swap3A_225 = vector.shape_cast %broadcast_in_dim3A_221 : vector<16xf32> to vector<16xf32>
    tpu.vector_store %arg6[%swap3A_222], %swap3A_225 {strides = array<i32>} : memref<640xf32, #tpu.memory_space<vmem>>, vector<16xf32>,
    %broadcast_in_dim3A_226 = arith.constant 0.000000e+00 : f32
    %broadcast_in_dim3A_227 = vector.broadcast %broadcast_in_dim3A_226 : f32 to vector<16xf32>
    %swap3A_228 = arith.constant 608 : index
    %swap3A_229 = tpu.vector_load %arg6[%swap3A_228] {strides = array<i32>} : memref<640xf32, #tpu.memory_space<vmem>>, vector<16xf32>,
    %swap3A_230 = vector.shape_cast %swap3A_229 : vector<16xf32> to vector<16xf32>
    %swap3A_231 = vector.shape_cast %broadcast_in_dim3A_227 : vector<16xf32> to vector<16xf32>
    tpu.vector_store %arg6[%swap3A_228], %swap3A_231 {strides = array<i32>} : memref<640xf32, #tpu.memory_space<vmem>>, vector<16xf32>,
    %broadcast_in_dim3A_232 = arith.constant 0.000000e+00 : f32
    %broadcast_in_dim3A_233 = vector.broadcast %broadcast_in_dim3A_232 : f32 to vector<16xf32>
    %swap3A_234 = arith.constant 624 : index
    %swap3A_235 = tpu.vector_load %arg6[%swap3A_234] {strides = array<i32>} : memref<640xf32, #tpu.memory_space<vmem>>, vector<16xf32>,
    %swap3A_236 = vector.shape_cast %swap3A_235 : vector<16xf32> to vector<16xf32>
    %swap3A_237 = vector.shape_cast %broadcast_in_dim3A_233 : vector<16xf32> to vector<16xf32>
    tpu.vector_store %arg6[%swap3A_234], %swap3A_237 {strides = array<i32>} : memref<640xf32, #tpu.memory_space<vmem>>, vector<16xf32>,
    %broadcast_in_dim3A_238 = arith.constant 1.000000e+00 : f32
    %broadcast_in_dim3A_239 = vector.broadcast %broadcast_in_dim3A_238 : f32 to vector<16xf32>
    %swap3A_240 = arith.constant 0 : index
    %swap3A_241 = tpu.vector_load %arg5[%swap3A_240] {strides = array<i32>} : memref<128xf32, #tpu.memory_space<vmem>>, vector<16xf32>,
    %swap3A_242 = vector.shape_cast %swap3A_241 : vector<16xf32> to vector<16xf32>
    %swap3A_243 = vector.shape_cast %broadcast_in_dim3A_239 : vector<16xf32> to vector<16xf32>
    tpu.vector_store %arg5[%swap3A_240], %swap3A_243 {strides = array<i32>} : memref<128xf32, #tpu.memory_space<vmem>>, vector<16xf32>,
    %broadcast_in_dim3A_244 = arith.constant 1.000000e+00 : f32
    %broadcast_in_dim3A_245 = vector.broadcast %broadcast_in_dim3A_244 : f32 to vector<16xf32>
    %swap3A_246 = arith.constant 16 : index
    %swap3A_247 = tpu.vector_load %arg5[%swap3A_246] {strides = array<i32>} : memref<128xf32, #tpu.memory_space<vmem>>, vector<16xf32>,
    %swap3A_248 = vector.shape_cast %swap3A_247 : vector<16xf32> to vector<16xf32>
    %swap3A_249 = vector.shape_cast %broadcast_in_dim3A_245 : vector<16xf32> to vector<16xf32>
    tpu.vector_store %arg5[%swap3A_246], %swap3A_249 {strides = array<i32>} : memref<128xf32, #tpu.memory_space<vmem>>, vector<16xf32>,
    %broadcast_in_dim3A_250 = arith.constant 1.000000e+00 : f32
    %broadcast_in_dim3A_251 = vector.broadcast %broadcast_in_dim3A_250 : f32 to vector<16xf32>
    %swap3A_252 = arith.constant 32 : index
    %swap3A_253 = tpu.vector_load %arg5[%swap3A_252] {strides = array<i32>} : memref<128xf32, #tpu.memory_space<vmem>>, vector<16xf32>,
    %swap3A_254 = vector.shape_cast %swap3A_253 : vector<16xf32> to vector<16xf32>
    %swap3A_255 = vector.shape_cast %broadcast_in_dim3A_251 : vector<16xf32> to vector<16xf32>
    tpu.vector_store %arg5[%swap3A_252], %swap3A_255 {strides = array<i32>} : memref<128xf32, #tpu.memory_space<vmem>>, vector<16xf32>,
    %broadcast_in_dim3A_256 = arith.constant 1.000000e+00 : f32
    %broadcast_in_dim3A_257 = vector.broadcast %broadcast_in_dim3A_256 : f32 to vector<16xf32>
    %swap3A_258 = arith.constant 48 : index
    %swap3A_259 = tpu.vector_load %arg5[%swap3A_258] {strides = array<i32>} : memref<128xf32, #tpu.memory_space<vmem>>, vector<16xf32>,
    %swap3A_260 = vector.shape_cast %swap3A_259 : vector<16xf32> to vector<16xf32>
    %swap3A_261 = vector.shape_cast %broadcast_in_dim3A_257 : vector<16xf32> to vector<16xf32>
    tpu.vector_store %arg5[%swap3A_258], %swap3A_261 {strides = array<i32>} : memref<128xf32, #tpu.memory_space<vmem>>, vector<16xf32>,
    %broadcast_in_dim3A_262 = arith.constant 1.000000e+00 : f32
    %broadcast_in_dim3A_263 = vector.broadcast %broadcast_in_dim3A_262 : f32 to vector<16xf32>
    %swap3A_264 = arith.constant 64 : index
    %swap3A_265 = tpu.vector_load %arg5[%swap3A_264] {strides = array<i32>} : memref<128xf32, #tpu.memory_space<vmem>>, vector<16xf32>,
    %swap3A_266 = vector.shape_cast %swap3A_265 : vector<16xf32> to vector<16xf32>
    %swap3A_267 = vector.shape_cast %broadcast_in_dim3A_263 : vector<16xf32> to vector<16xf32>
    tpu.vector_store %arg5[%swap3A_264], %swap3A_267 {strides = array<i32>} : memref<128xf32, #tpu.memory_space<vmem>>, vector<16xf32>,
    %broadcast_in_dim3A_268 = arith.constant 1.000000e+00 : f32
    %broadcast_in_dim3A_269 = vector.broadcast %broadcast_in_dim3A_268 : f32 to vector<16xf32>
    %swap3A_270 = arith.constant 80 : index
    %swap3A_271 = tpu.vector_load %arg5[%swap3A_270] {strides = array<i32>} : memref<128xf32, #tpu.memory_space<vmem>>, vector<16xf32>,
    %swap3A_272 = vector.shape_cast %swap3A_271 : vector<16xf32> to vector<16xf32>
    %swap3A_273 = vector.shape_cast %broadcast_in_dim3A_269 : vector<16xf32> to vector<16xf32>
    tpu.vector_store %arg5[%swap3A_270], %swap3A_273 {strides = array<i32>} : memref<128xf32, #tpu.memory_space<vmem>>, vector<16xf32>,
    %broadcast_in_dim3A_274 = arith.constant 1.000000e+00 : f32
    %broadcast_in_dim3A_275 = vector.broadcast %broadcast_in_dim3A_274 : f32 to vector<16xf32>
    %swap3A_276 = arith.constant 96 : index
    %swap3A_277 = tpu.vector_load %arg5[%swap3A_276] {strides = array<i32>} : memref<128xf32, #tpu.memory_space<vmem>>, vector<16xf32>,
    %swap3A_278 = vector.shape_cast %swap3A_277 : vector<16xf32> to vector<16xf32>
    %swap3A_279 = vector.shape_cast %broadcast_in_dim3A_275 : vector<16xf32> to vector<16xf32>
    tpu.vector_store %arg5[%swap3A_276], %swap3A_279 {strides = array<i32>} : memref<128xf32, #tpu.memory_space<vmem>>, vector<16xf32>,
    %broadcast_in_dim3A_280 = arith.constant 1.000000e+00 : f32
    %broadcast_in_dim3A_281 = vector.broadcast %broadcast_in_dim3A_280 : f32 to vector<16xf32>
    %swap3A_282 = arith.constant 112 : index
    %swap3A_283 = tpu.vector_load %arg5[%swap3A_282] {strides = array<i32>} : memref<128xf32, #tpu.memory_space<vmem>>, vector<16xf32>,
    %swap3A_284 = vector.shape_cast %swap3A_283 : vector<16xf32> to vector<16xf32>
    %swap3A_285 = vector.shape_cast %broadcast_in_dim3A_281 : vector<16xf32> to vector<16xf32>
    tpu.vector_store %arg5[%swap3A_282], %swap3A_285 {strides = array<i32>} : memref<128xf32, #tpu.memory_space<vmem>>, vector<16xf32>,
    %mul3A = arith.constant 640 : i32
    %mul3A_286 = arith.muli %arg1, %mul3A : i32
    "tpu.region"() ({
      %run_scoped3A = tpu.sem_alloc : memref<!tpu.dma_semaphore, #tpu.memory_space<semaphore_mem>>
      %dma_start3A = tpu.memref_slice %arg7[%mul3A_286] : memref<10240xf32, #tpu.memory_space<vmem_shared>> -> memref<640xf32, #tpu.memory_space<vmem_shared>>
      %dma_start3A_318 = tpu.memref_slice %arg7[%mul3A_286] : memref<10240xf32, #tpu.memory_space<vmem_shared>> -> memref<640xf32, #tpu.memory_space<vmem_shared>>
      tpu.enqueue_dma source(%arg6 : memref<640xf32, #tpu.memory_space<vmem>>) target(%dma_start3A_318 : memref<640xf32, #tpu.memory_space<vmem_shared>>) target_semaphore(%run_scoped3A : memref<!tpu.dma_semaphore, #tpu.memory_space<semaphore_mem>>)
      %dma_wait3A_319 = tpu.memref_slice %arg7[%mul3A_286] : memref<10240xf32, #tpu.memory_space<vmem_shared>> -> memref<640xf32, #tpu.memory_space<vmem_shared>>
      %dma_wait3A_320 = tpu.memref_slice %arg7[%mul3A_286] : memref<10240xf32, #tpu.memory_space<vmem_shared>> -> memref<640xf32, #tpu.memory_space<vmem_shared>>
      tpu.wait_dma2 semaphore(%run_scoped3A : memref<!tpu.dma_semaphore, #tpu.memory_space<semaphore_mem>>) src(%arg6 : memref<640xf32, #tpu.memory_space<vmem>>) dst(%dma_wait3A_320 : memref<640xf32, #tpu.memory_space<vmem_shared>>)
      tpu.yield
    }) : () -> ()
    %mul3A_287 = arith.constant 16 : i32
    %mul3A_288 = arith.muli %arg0, %mul3A_287 : i32
    %add3A = arith.addi %mul3A_288, %arg1 : i32
    "tpu.region"() ({
      %run_scoped3A = tpu.sem_alloc : memref<!tpu.dma_semaphore, #tpu.memory_space<semaphore_mem>>
      %dma_start3A = arith.constant 0 : i32
      %dma_start3A_318 = arith.constant 0 : i32
      %dma_start3A_319 = tpu.memref_slice %arg2[%add3A, %dma_start3A, %dma_start3A_318] : memref<32x84x128xi32, #tpu.memory_space<hbm>> -> memref<1x84x128xi32, #tpu.memory_space<hbm>>
      %dma_start3A_320 = tpu.memref_squeeze %dma_start3A_319 : memref<1x84x128xi32, #tpu.memory_space<hbm>> -> memref<84x128xi32, #tpu.memory_space<hbm>>
      %dma_start3A_321 = arith.constant 0 : i32
      %dma_start3A_322 = arith.constant 0 : i32
      %dma_start3A_323 = tpu.memref_slice %arg2[%add3A, %dma_start3A_321, %dma_start3A_322] : memref<32x84x128xi32, #tpu.memory_space<hbm>> -> memref<1x84x128xi32, #tpu.memory_space<hbm>>
      %dma_start3A_324 = tpu.memref_squeeze %dma_start3A_323 : memref<1x84x128xi32, #tpu.memory_space<hbm>> -> memref<84x128xi32, #tpu.memory_space<hbm>>
      tpu.enqueue_dma source(%dma_start3A_324 : memref<84x128xi32, #tpu.memory_space<hbm>>) target(%arg4 : memref<84x128xi32, #tpu.memory_space<vmem>>) target_semaphore(%run_scoped3A : memref<!tpu.dma_semaphore, #tpu.memory_space<semaphore_mem>>)
      %dma_wait3A_325 = arith.constant 0 : i32
      %dma_wait3A_326 = arith.constant 0 : i32
      %dma_wait3A_327 = tpu.memref_slice %arg2[%add3A, %dma_wait3A_325, %dma_wait3A_326] : memref<32x84x128xi32, #tpu.memory_space<hbm>> -> memref<1x84x128xi32, #tpu.memory_space<hbm>>
      %dma_wait3A_328 = tpu.memref_squeeze %dma_wait3A_327 : memref<1x84x128xi32, #tpu.memory_space<hbm>> -> memref<84x128xi32, #tpu.memory_space<hbm>>
      %dma_wait3A_329 = arith.constant 0 : i32
      %dma_wait3A_330 = arith.constant 0 : i32
      %dma_wait3A_331 = tpu.memref_slice %arg2[%add3A, %dma_wait3A_329, %dma_wait3A_330] : memref<32x84x128xi32, #tpu.memory_space<hbm>> -> memref<1x84x128xi32, #tpu.memory_space<hbm>>
      %dma_wait3A_332 = tpu.memref_squeeze %dma_wait3A_331 : memref<1x84x128xi32, #tpu.memory_space<hbm>> -> memref<84x128xi32, #tpu.memory_space<hbm>>
      tpu.wait_dma2 semaphore(%run_scoped3A : memref<!tpu.dma_semaphore, #tpu.memory_space<semaphore_mem>>) src(%dma_wait3A_332 : memref<84x128xi32, #tpu.memory_space<hbm>>) dst(%arg4 : memref<84x128xi32, #tpu.memory_space<vmem>>)
      tpu.yield
    }) : () -> ()
    %barrier3A = arith.constant 0 : index
    tpu.barrier barrier_id(%barrier3A)
    %scan3A = arith.constant 0 : i32
    %scan3A_289 = arith.constant 0 : i32
    %scan3A_290 = arith.constant 84 : i32
    %scan3A_291 = arith.addi %scan3A_289, %scan3A_290 : i32
    %scan3A_292 = arith.constant 1 : i32
    scf.for %scan3A_318 = %scan3A_289 to %scan3A_291 step %scan3A_292  : i32 {
      %dma_start3A = arith.constant 0 : i32
      %dma_start3A_319 = tpu.memref_slice %arg4[%scan3A_318, %dma_start3A] : memref<84x128xi32, #tpu.memory_space<vmem>> -> memref<1x128xi32, #tpu.memory_space<vmem>>
      %dma_start3A_320 = tpu.memref_squeeze %dma_start3A_319 : memref<1x128xi32, #tpu.memory_space<vmem>> -> memref<128xi32, #tpu.memory_space<vmem>>
      %dma_start3A_321 = arith.constant 0 : i32
      %dma_start3A_322 = tpu.memref_slice %arg7[%dma_start3A_321] : memref<10240xf32, #tpu.memory_space<vmem_shared>> -> memref<10240xf32, #tpu.memory_space<vmem_shared>>
      tpu.enqueue_indirect_dma source(%arg5 : memref<128xf32, #tpu.memory_space<vmem>>) target(%dma_start3A_322 : memref<10240xf32, #tpu.memory_space<vmem_shared>>) offsets(%dma_start3A_320 : memref<128xi32, #tpu.memory_space<vmem>>) semaphore(%arg8 : memref<!tpu.dma_semaphore, #tpu.memory_space<semaphore_mem>>) {add = true}
      %ge3A = arith.constant 4 : i32
      %ge3A_323 = arith.cmpi sge, %scan3A_318, %ge3A : i32
      %convert_element_type3A = arith.extui %ge3A_323 : i1 to i32
      %cond3A = arith.constant 0 : i32
      %cond3A_324 = arith.cmpi ne, %convert_element_type3A, %cond3A : i32
      scf.if %cond3A_324 {
        %dma_wait3A_325 = arith.constant 0 : i32
        %dma_wait3A_326 = tpu.memref_slice %arg4[%scan3A_318, %dma_wait3A_325] : memref<84x128xi32, #tpu.memory_space<vmem>> -> memref<1x128xi32, #tpu.memory_space<vmem>>
        %dma_wait3A_327 = tpu.memref_squeeze %dma_wait3A_326 : memref<1x128xi32, #tpu.memory_space<vmem>> -> memref<128xi32, #tpu.memory_space<vmem>>
        %dma_wait3A_328 = arith.constant 0 : i32
        %dma_wait3A_329 = tpu.memref_slice %arg7[%dma_wait3A_328] : memref<10240xf32, #tpu.memory_space<vmem_shared>> -> memref<10240xf32, #tpu.memory_space<vmem_shared>>
        tpu.wait_indirect_dma semaphore(%arg8 : memref<!tpu.dma_semaphore, #tpu.memory_space<semaphore_mem>>) src(%arg5 : memref<128xf32, #tpu.memory_space<vmem>>) dst(%dma_wait3A_329 : memref<10240xf32, #tpu.memory_space<vmem_shared>>)
      } else {
      }
    }
    %scan3A_293 = arith.constant 84 : i32
    %dma_wait3A = arith.constant 0 : i32
    %dma_wait3A_294 = arith.constant 0 : i32
    %dma_wait3A_295 = tpu.memref_slice %arg4[%dma_wait3A, %dma_wait3A_294] : memref<84x128xi32, #tpu.memory_space<vmem>> -> memref<1x128xi32, #tpu.memory_space<vmem>>
    %dma_wait3A_296 = tpu.memref_squeeze %dma_wait3A_295 : memref<1x128xi32, #tpu.memory_space<vmem>> -> memref<128xi32, #tpu.memory_space<vmem>>
    %dma_wait3A_297 = arith.constant 0 : i32
    %dma_wait3A_298 = tpu.memref_slice %arg7[%dma_wait3A_297] : memref<10240xf32, #tpu.memory_space<vmem_shared>> -> memref<10240xf32, #tpu.memory_space<vmem_shared>>
    tpu.wait_indirect_dma semaphore(%arg8 : memref<!tpu.dma_semaphore, #tpu.memory_space<semaphore_mem>>) src(%arg5 : memref<128xf32, #tpu.memory_space<vmem>>) dst(%dma_wait3A_298 : memref<10240xf32, #tpu.memory_space<vmem_shared>>)
    %dma_wait3A_299 = arith.constant 1 : i32
    %dma_wait3A_300 = arith.constant 0 : i32
    %dma_wait3A_301 = tpu.memref_slice %arg4[%dma_wait3A_299, %dma_wait3A_300] : memref<84x128xi32, #tpu.memory_space<vmem>> -> memref<1x128xi32, #tpu.memory_space<vmem>>
    %dma_wait3A_302 = tpu.memref_squeeze %dma_wait3A_301 : memref<1x128xi32, #tpu.memory_space<vmem>> -> memref<128xi32, #tpu.memory_space<vmem>>
    %dma_wait3A_303 = arith.constant 0 : i32
    %dma_wait3A_304 = tpu.memref_slice %arg7[%dma_wait3A_303] : memref<10240xf32, #tpu.memory_space<vmem_shared>> -> memref<10240xf32, #tpu.memory_space<vmem_shared>>
    tpu.wait_indirect_dma semaphore(%arg8 : memref<!tpu.dma_semaphore, #tpu.memory_space<semaphore_mem>>) src(%arg5 : memref<128xf32, #tpu.memory_space<vmem>>) dst(%dma_wait3A_304 : memref<10240xf32, #tpu.memory_space<vmem_shared>>)
    %dma_wait3A_305 = arith.constant 2 : i32
    %dma_wait3A_306 = arith.constant 0 : i32
    %dma_wait3A_307 = tpu.memref_slice %arg4[%dma_wait3A_305, %dma_wait3A_306] : memref<84x128xi32, #tpu.memory_space<vmem>> -> memref<1x128xi32, #tpu.memory_space<vmem>>
    %dma_wait3A_308 = tpu.memref_squeeze %dma_wait3A_307 : memref<1x128xi32, #tpu.memory_space<vmem>> -> memref<128xi32, #tpu.memory_space<vmem>>
    %dma_wait3A_309 = arith.constant 0 : i32
    %dma_wait3A_310 = tpu.memref_slice %arg7[%dma_wait3A_309] : memref<10240xf32, #tpu.memory_space<vmem_shared>> -> memref<10240xf32, #tpu.memory_space<vmem_shared>>
    tpu.wait_indirect_dma semaphore(%arg8 : memref<!tpu.dma_semaphore, #tpu.memory_space<semaphore_mem>>) src(%arg5 : memref<128xf32, #tpu.memory_space<vmem>>) dst(%dma_wait3A_310 : memref<10240xf32, #tpu.memory_space<vmem_shared>>)
    %dma_wait3A_311 = arith.constant 3 : i32
    %dma_wait3A_312 = arith.constant 0 : i32
    %dma_wait3A_313 = tpu.memref_slice %arg4[%dma_wait3A_311, %dma_wait3A_312] : memref<84x128xi32, #tpu.memory_space<vmem>> -> memref<1x128xi32, #tpu.memory_space<vmem>>
    %dma_wait3A_314 = tpu.memref_squeeze %dma_wait3A_313 : memref<1x128xi32, #tpu.memory_space<vmem>> -> memref<128xi32, #tpu.memory_space<vmem>>
    %dma_wait3A_315 = arith.constant 0 : i32
    %dma_wait3A_316 = tpu.memref_slice %arg7[%dma_wait3A_315] : memref<10240xf32, #tpu.memory_space<vmem_shared>> -> memref<10240xf32, #tpu.memory_space<vmem_shared>>
    tpu.wait_indirect_dma semaphore(%arg8 : memref<!tpu.dma_semaphore, #tpu.memory_space<semaphore_mem>>) src(%arg5 : memref<128xf32, #tpu.memory_space<vmem>>) dst(%dma_wait3A_316 : memref<10240xf32, #tpu.memory_space<vmem_shared>>)
    %barrier3A_317 = arith.constant 0 : index
    tpu.barrier barrier_id(%barrier3A_317)
    "tpu.region"() ({
      %run_scoped3A = tpu.sem_alloc : memref<!tpu.dma_semaphore, #tpu.memory_space<semaphore_mem>>
      %dma_start3A = tpu.memref_slice %arg7[%mul3A_286] : memref<10240xf32, #tpu.memory_space<vmem_shared>> -> memref<640xf32, #tpu.memory_space<vmem_shared>>
      %dma_start3A_318 = tpu.memref_slice %arg7[%mul3A_286] : memref<10240xf32, #tpu.memory_space<vmem_shared>> -> memref<640xf32, #tpu.memory_space<vmem_shared>>
      tpu.enqueue_dma source(%dma_start3A_318 : memref<640xf32, #tpu.memory_space<vmem_shared>>) target(%arg6 : memref<640xf32, #tpu.memory_space<vmem>>) target_semaphore(%run_scoped3A : memref<!tpu.dma_semaphore, #tpu.memory_space<semaphore_mem>>)
      %dma_wait3A_319 = tpu.memref_slice %arg7[%mul3A_286] : memref<10240xf32, #tpu.memory_space<vmem_shared>> -> memref<640xf32, #tpu.memory_space<vmem_shared>>
      %dma_wait3A_320 = tpu.memref_slice %arg7[%mul3A_286] : memref<10240xf32, #tpu.memory_space<vmem_shared>> -> memref<640xf32, #tpu.memory_space<vmem_shared>>
      tpu.wait_dma2 semaphore(%run_scoped3A : memref<!tpu.dma_semaphore, #tpu.memory_space<semaphore_mem>>) src(%dma_wait3A_320 : memref<640xf32, #tpu.memory_space<vmem_shared>>) dst(%arg6 : memref<640xf32, #tpu.memory_space<vmem>>)
      tpu.yield
    }) : () -> ()
    "tpu.region"() ({
      %run_scoped3A = tpu.sem_alloc : memref<!tpu.dma_semaphore, #tpu.memory_space<semaphore_mem>>
      %dma_start3A = tpu.memref_slice %arg3[%arg0, %mul3A_286] : memref<2x10240xf32, #tpu.memory_space<hbm>> -> memref<1x640xf32, #tpu.memory_space<hbm>>
      %dma_start3A_318 = tpu.memref_squeeze %dma_start3A : memref<1x640xf32, #tpu.memory_space<hbm>> -> memref<640xf32, #tpu.memory_space<hbm>>
      %dma_start3A_319 = tpu.memref_slice %arg3[%arg0, %mul3A_286] : memref<2x10240xf32, #tpu.memory_space<hbm>> -> memref<1x640xf32, #tpu.memory_space<hbm>>
      %dma_start3A_320 = tpu.memref_squeeze %dma_start3A_319 : memref<1x640xf32, #tpu.memory_space<hbm>> -> memref<640xf32, #tpu.memory_space<hbm>>
      tpu.enqueue_dma source(%arg6 : memref<640xf32, #tpu.memory_space<vmem>>) target(%dma_start3A_320 : memref<640xf32, #tpu.memory_space<hbm>>) target_semaphore(%run_scoped3A : memref<!tpu.dma_semaphore, #tpu.memory_space<semaphore_mem>>)
      %dma_wait3A_321 = tpu.memref_slice %arg3[%arg0, %mul3A_286] : memref<2x10240xf32, #tpu.memory_space<hbm>> -> memref<1x640xf32, #tpu.memory_space<hbm>>
      %dma_wait3A_322 = tpu.memref_squeeze %dma_wait3A_321 : memref<1x640xf32, #tpu.memory_space<hbm>> -> memref<640xf32, #tpu.memory_space<hbm>>
      %dma_wait3A_323 = tpu.memref_slice %arg3[%arg0, %mul3A_286] : memref<2x10240xf32, #tpu.memory_space<hbm>> -> memref<1x640xf32, #tpu.memory_space<hbm>>
      %dma_wait3A_324 = tpu.memref_squeeze %dma_wait3A_323 : memref<1x640xf32, #tpu.memory_space<hbm>> -> memref<640xf32, #tpu.memory_space<hbm>>
      tpu.wait_dma2 semaphore(%run_scoped3A : memref<!tpu.dma_semaphore, #tpu.memory_space<semaphore_mem>>) src(%arg6 : memref<640xf32, #tpu.memory_space<vmem>>) dst(%dma_wait3A_324 : memref<640xf32, #tpu.memory_space<hbm>>)
      tpu.yield
    }) : () -> ()
    return
  }
}

#map = affine_map<(d0, d1) -> (0, 0)>
#map1 = affine_map<(d0, d1) -> (0, 0, 0, 0)>
#map2 = affine_map<(d0, d1) -> (0, 0, 0)>
module attributes {stable_mosaic.version = 14 : i64} {
  func.func @_agg_kernel(%arg0: i32, %arg1: i32, %arg2: memref<10000x128xbf16, #tpu.memory_space<hbm>>, %arg3: memref<32x2x42x128xi32, #tpu.memory_space<hbm>>, %arg4: memref<32x2x42x128xi32, #tpu.memory_space<hbm>>, %arg5: memref<2x10240x128xbf16, #tpu.memory_space<hbm>>, %arg6: memref<42x128xi32, #tpu.memory_space<vmem>>, %arg7: memref<42x128xi32, #tpu.memory_space<vmem>>, %arg8: memref<2x128x128xbf16, #tpu.memory_space<vmem>>, %arg9: memref<10240x128xbf16, #tpu.memory_space<vmem_shared>>, %arg10: memref<2x!tpu.dma_semaphore, #tpu.memory_space<semaphore_mem>>, %arg11: memref<2x!tpu.dma_semaphore, #tpu.memory_space<semaphore_mem>>) attributes {dimension_semantics = [#tpu.dimension_semantics<core_parallel>, #tpu.dimension_semantics<subcore_parallel>], iteration_bounds = array<i64: 2, 16>, scalar_prefetch = 0 : i64, scratch_operands = 6 : i64, tpu.core_type = #tpu.core_type<sc_vector_subcore>, window_params = [{transform_indices = #map}, {transform_indices = #map1}, {transform_indices = #map1}, {transform_indices = #map2}]} {
    %mul3A = arith.constant 16 : i32
    %mul3A_0 = arith.muli %arg0, %mul3A : i32
    %add3A = arith.addi %mul3A_0, %arg1 : i32
    %scan3A = arith.constant 0 : i32
    %scan3A_1 = arith.constant 0 : i32
    %scan3A_2 = arith.constant 64 : i32
    %scan3A_3 = arith.addi %scan3A_1, %scan3A_2 : i32
    %scan3A_4 = arith.constant 1 : i32
    scf.for %scan3A_307 = %scan3A_1 to %scan3A_3 step %scan3A_4  : i32 {
      %mul3A_308 = arith.constant 2 : i32
      %mul3A_309 = arith.muli %mul3A_308, %scan3A_307 : i32
      %multiple_of3A = tpu.assume_multiple %mul3A_309, 2 : i32
      %broadcast_in_dim3A = arith.constant 0.000000e+00 : bf16
      %broadcast_in_dim3A_310 = vector.broadcast %broadcast_in_dim3A : bf16 to vector<2x16xbf16>
      %swap3A = arith.constant 0 : i32
      %swap3A_311 = arith.index_cast %swap3A : i32 to index
      %swap3A_312 = arith.index_cast %multiple_of3A : i32 to index
      %swap3A_313 = arith.constant 0 : index
      %swap3A_314 = tpu.vector_load %arg8[%swap3A_311, %swap3A_312, %swap3A_313] {strides = array<i32>} : memref<2x128x128xbf16, #tpu.memory_space<vmem>>, vector<1x2x16xbf16>,
      %swap3A_315 = vector.shape_cast %swap3A_314 : vector<1x2x16xbf16> to vector<2x16xbf16>
      %swap3A_316 = vector.shape_cast %broadcast_in_dim3A_310 : vector<2x16xbf16> to vector<1x2x16xbf16>
      tpu.vector_store %arg8[%swap3A_311, %swap3A_312, %swap3A_313], %swap3A_316 {strides = array<i32>} : memref<2x128x128xbf16, #tpu.memory_space<vmem>>, vector<1x2x16xbf16>,
      %broadcast_in_dim3A_317 = arith.constant 0.000000e+00 : bf16
      %broadcast_in_dim3A_318 = vector.broadcast %broadcast_in_dim3A_317 : bf16 to vector<2x16xbf16>
      %swap3A_319 = arith.constant 0 : i32
      %swap3A_320 = arith.index_cast %swap3A_319 : i32 to index
      %swap3A_321 = arith.index_cast %multiple_of3A : i32 to index
      %swap3A_322 = arith.constant 16 : index
      %swap3A_323 = tpu.vector_load %arg8[%swap3A_320, %swap3A_321, %swap3A_322] {strides = array<i32>} : memref<2x128x128xbf16, #tpu.memory_space<vmem>>, vector<1x2x16xbf16>,
      %swap3A_324 = vector.shape_cast %swap3A_323 : vector<1x2x16xbf16> to vector<2x16xbf16>
      %swap3A_325 = vector.shape_cast %broadcast_in_dim3A_318 : vector<2x16xbf16> to vector<1x2x16xbf16>
      tpu.vector_store %arg8[%swap3A_320, %swap3A_321, %swap3A_322], %swap3A_325 {strides = array<i32>} : memref<2x128x128xbf16, #tpu.memory_space<vmem>>, vector<1x2x16xbf16>,
      %broadcast_in_dim3A_326 = arith.constant 0.000000e+00 : bf16
      %broadcast_in_dim3A_327 = vector.broadcast %broadcast_in_dim3A_326 : bf16 to vector<2x16xbf16>
      %swap3A_328 = arith.constant 0 : i32
      %swap3A_329 = arith.index_cast %swap3A_328 : i32 to index
      %swap3A_330 = arith.index_cast %multiple_of3A : i32 to index
      %swap3A_331 = arith.constant 32 : index
      %swap3A_332 = tpu.vector_load %arg8[%swap3A_329, %swap3A_330, %swap3A_331] {strides = array<i32>} : memref<2x128x128xbf16, #tpu.memory_space<vmem>>, vector<1x2x16xbf16>,
      %swap3A_333 = vector.shape_cast %swap3A_332 : vector<1x2x16xbf16> to vector<2x16xbf16>
      %swap3A_334 = vector.shape_cast %broadcast_in_dim3A_327 : vector<2x16xbf16> to vector<1x2x16xbf16>
      tpu.vector_store %arg8[%swap3A_329, %swap3A_330, %swap3A_331], %swap3A_334 {strides = array<i32>} : memref<2x128x128xbf16, #tpu.memory_space<vmem>>, vector<1x2x16xbf16>,
      %broadcast_in_dim3A_335 = arith.constant 0.000000e+00 : bf16
      %broadcast_in_dim3A_336 = vector.broadcast %broadcast_in_dim3A_335 : bf16 to vector<2x16xbf16>
      %swap3A_337 = arith.constant 0 : i32
      %swap3A_338 = arith.index_cast %swap3A_337 : i32 to index
      %swap3A_339 = arith.index_cast %multiple_of3A : i32 to index
      %swap3A_340 = arith.constant 48 : index
      %swap3A_341 = tpu.vector_load %arg8[%swap3A_338, %swap3A_339, %swap3A_340] {strides = array<i32>} : memref<2x128x128xbf16, #tpu.memory_space<vmem>>, vector<1x2x16xbf16>,
      %swap3A_342 = vector.shape_cast %swap3A_341 : vector<1x2x16xbf16> to vector<2x16xbf16>
      %swap3A_343 = vector.shape_cast %broadcast_in_dim3A_336 : vector<2x16xbf16> to vector<1x2x16xbf16>
      tpu.vector_store %arg8[%swap3A_338, %swap3A_339, %swap3A_340], %swap3A_343 {strides = array<i32>} : memref<2x128x128xbf16, #tpu.memory_space<vmem>>, vector<1x2x16xbf16>,
      %broadcast_in_dim3A_344 = arith.constant 0.000000e+00 : bf16
      %broadcast_in_dim3A_345 = vector.broadcast %broadcast_in_dim3A_344 : bf16 to vector<2x16xbf16>
      %swap3A_346 = arith.constant 0 : i32
      %swap3A_347 = arith.index_cast %swap3A_346 : i32 to index
      %swap3A_348 = arith.index_cast %multiple_of3A : i32 to index
      %swap3A_349 = arith.constant 64 : index
      %swap3A_350 = tpu.vector_load %arg8[%swap3A_347, %swap3A_348, %swap3A_349] {strides = array<i32>} : memref<2x128x128xbf16, #tpu.memory_space<vmem>>, vector<1x2x16xbf16>,
      %swap3A_351 = vector.shape_cast %swap3A_350 : vector<1x2x16xbf16> to vector<2x16xbf16>
      %swap3A_352 = vector.shape_cast %broadcast_in_dim3A_345 : vector<2x16xbf16> to vector<1x2x16xbf16>
      tpu.vector_store %arg8[%swap3A_347, %swap3A_348, %swap3A_349], %swap3A_352 {strides = array<i32>} : memref<2x128x128xbf16, #tpu.memory_space<vmem>>, vector<1x2x16xbf16>,
      %broadcast_in_dim3A_353 = arith.constant 0.000000e+00 : bf16
      %broadcast_in_dim3A_354 = vector.broadcast %broadcast_in_dim3A_353 : bf16 to vector<2x16xbf16>
      %swap3A_355 = arith.constant 0 : i32
      %swap3A_356 = arith.index_cast %swap3A_355 : i32 to index
      %swap3A_357 = arith.index_cast %multiple_of3A : i32 to index
      %swap3A_358 = arith.constant 80 : index
      %swap3A_359 = tpu.vector_load %arg8[%swap3A_356, %swap3A_357, %swap3A_358] {strides = array<i32>} : memref<2x128x128xbf16, #tpu.memory_space<vmem>>, vector<1x2x16xbf16>,
      %swap3A_360 = vector.shape_cast %swap3A_359 : vector<1x2x16xbf16> to vector<2x16xbf16>
      %swap3A_361 = vector.shape_cast %broadcast_in_dim3A_354 : vector<2x16xbf16> to vector<1x2x16xbf16>
      tpu.vector_store %arg8[%swap3A_356, %swap3A_357, %swap3A_358], %swap3A_361 {strides = array<i32>} : memref<2x128x128xbf16, #tpu.memory_space<vmem>>, vector<1x2x16xbf16>,
      %broadcast_in_dim3A_362 = arith.constant 0.000000e+00 : bf16
      %broadcast_in_dim3A_363 = vector.broadcast %broadcast_in_dim3A_362 : bf16 to vector<2x16xbf16>
      %swap3A_364 = arith.constant 0 : i32
      %swap3A_365 = arith.index_cast %swap3A_364 : i32 to index
      %swap3A_366 = arith.index_cast %multiple_of3A : i32 to index
      %swap3A_367 = arith.constant 96 : index
      %swap3A_368 = tpu.vector_load %arg8[%swap3A_365, %swap3A_366, %swap3A_367] {strides = array<i32>} : memref<2x128x128xbf16, #tpu.memory_space<vmem>>, vector<1x2x16xbf16>,
      %swap3A_369 = vector.shape_cast %swap3A_368 : vector<1x2x16xbf16> to vector<2x16xbf16>
      %swap3A_370 = vector.shape_cast %broadcast_in_dim3A_363 : vector<2x16xbf16> to vector<1x2x16xbf16>
      tpu.vector_store %arg8[%swap3A_365, %swap3A_366, %swap3A_367], %swap3A_370 {strides = array<i32>} : memref<2x128x128xbf16, #tpu.memory_space<vmem>>, vector<1x2x16xbf16>,
      %broadcast_in_dim3A_371 = arith.constant 0.000000e+00 : bf16
      %broadcast_in_dim3A_372 = vector.broadcast %broadcast_in_dim3A_371 : bf16 to vector<2x16xbf16>
      %swap3A_373 = arith.constant 0 : i32
      %swap3A_374 = arith.index_cast %swap3A_373 : i32 to index
      %swap3A_375 = arith.index_cast %multiple_of3A : i32 to index
      %swap3A_376 = arith.constant 112 : index
      %swap3A_377 = tpu.vector_load %arg8[%swap3A_374, %swap3A_375, %swap3A_376] {strides = array<i32>} : memref<2x128x128xbf16, #tpu.memory_space<vmem>>, vector<1x2x16xbf16>,
      %swap3A_378 = vector.shape_cast %swap3A_377 : vector<1x2x16xbf16> to vector<2x16xbf16>
      %swap3A_379 = vector.shape_cast %broadcast_in_dim3A_372 : vector<2x16xbf16> to vector<1x2x16xbf16>
      tpu.vector_store %arg8[%swap3A_374, %swap3A_375, %swap3A_376], %swap3A_379 {strides = array<i32>} : memref<2x128x128xbf16, #tpu.memory_space<vmem>>, vector<1x2x16xbf16>,
    }
    %scan3A_5 = arith.constant 64 : i32
    %mul3A_6 = arith.constant 640 : i32
    %mul3A_7 = arith.muli %arg1, %mul3A_6 : i32
    %add3A_8 = arith.constant 0 : i32
    %add3A_9 = arith.addi %mul3A_7, %add3A_8 : i32
    %run_scoped3A = arith.constant 0 : i32
    "tpu.region"() ({
      %run_scoped3A_307 = tpu.sem_alloc : memref<!tpu.dma_semaphore, #tpu.memory_space<semaphore_mem>>
      %dma_start3A_308 = arith.constant 0 : i32
      %dma_start3A_309 = arith.constant 0 : i32
      %dma_start3A_310 = tpu.memref_slice %arg8[%run_scoped3A, %dma_start3A_308, %dma_start3A_309] : memref<2x128x128xbf16, #tpu.memory_space<vmem>> -> memref<1x128x128xbf16, #tpu.memory_space<vmem>>
      %dma_start3A_311 = tpu.memref_squeeze %dma_start3A_310 : memref<1x128x128xbf16, #tpu.memory_space<vmem>> -> memref<128x128xbf16, #tpu.memory_space<vmem>>
      %dma_start3A_312 = arith.constant 0 : i32
      %dma_start3A_313 = tpu.memref_slice %arg9[%add3A_9, %dma_start3A_312] : memref<10240x128xbf16, #tpu.memory_space<vmem_shared>> -> memref<128x128xbf16, #tpu.memory_space<vmem_shared>>
      %dma_start3A_314 = arith.constant 0 : i32
      %dma_start3A_315 = tpu.memref_slice %arg9[%add3A_9, %dma_start3A_314] : memref<10240x128xbf16, #tpu.memory_space<vmem_shared>> -> memref<128x128xbf16, #tpu.memory_space<vmem_shared>>
      %dma_start3A_316 = arith.constant 0 : i32
      %dma_start3A_317 = arith.constant 0 : i32
      %dma_start3A_318 = tpu.memref_slice %arg8[%run_scoped3A, %dma_start3A_316, %dma_start3A_317] : memref<2x128x128xbf16, #tpu.memory_space<vmem>> -> memref<1x128x128xbf16, #tpu.memory_space<vmem>>
      %dma_start3A_319 = tpu.memref_squeeze %dma_start3A_318 : memref<1x128x128xbf16, #tpu.memory_space<vmem>> -> memref<128x128xbf16, #tpu.memory_space<vmem>>
      tpu.enqueue_dma source(%dma_start3A_319 : memref<128x128xbf16, #tpu.memory_space<vmem>>) target(%dma_start3A_315 : memref<128x128xbf16, #tpu.memory_space<vmem_shared>>) target_semaphore(%run_scoped3A_307 : memref<!tpu.dma_semaphore, #tpu.memory_space<semaphore_mem>>)
      %dma_wait3A_320 = arith.constant 0 : i32
      %dma_wait3A_321 = arith.constant 0 : i32
      %dma_wait3A_322 = tpu.memref_slice %arg8[%run_scoped3A, %dma_wait3A_320, %dma_wait3A_321] : memref<2x128x128xbf16, #tpu.memory_space<vmem>> -> memref<1x128x128xbf16, #tpu.memory_space<vmem>>
      %dma_wait3A_323 = tpu.memref_squeeze %dma_wait3A_322 : memref<1x128x128xbf16, #tpu.memory_space<vmem>> -> memref<128x128xbf16, #tpu.memory_space<vmem>>
      %dma_wait3A_324 = arith.constant 0 : i32
      %dma_wait3A_325 = tpu.memref_slice %arg9[%add3A_9, %dma_wait3A_324] : memref<10240x128xbf16, #tpu.memory_space<vmem_shared>> -> memref<128x128xbf16, #tpu.memory_space<vmem_shared>>
      %dma_wait3A_326 = arith.constant 0 : i32
      %dma_wait3A_327 = tpu.memref_slice %arg9[%add3A_9, %dma_wait3A_326] : memref<10240x128xbf16, #tpu.memory_space<vmem_shared>> -> memref<128x128xbf16, #tpu.memory_space<vmem_shared>>
      %dma_wait3A_328 = arith.constant 0 : i32
      %dma_wait3A_329 = arith.constant 0 : i32
      %dma_wait3A_330 = tpu.memref_slice %arg8[%run_scoped3A, %dma_wait3A_328, %dma_wait3A_329] : memref<2x128x128xbf16, #tpu.memory_space<vmem>> -> memref<1x128x128xbf16, #tpu.memory_space<vmem>>
      %dma_wait3A_331 = tpu.memref_squeeze %dma_wait3A_330 : memref<1x128x128xbf16, #tpu.memory_space<vmem>> -> memref<128x128xbf16, #tpu.memory_space<vmem>>
      tpu.wait_dma2 semaphore(%run_scoped3A_307 : memref<!tpu.dma_semaphore, #tpu.memory_space<semaphore_mem>>) src(%dma_wait3A_331 : memref<128x128xbf16, #tpu.memory_space<vmem>>) dst(%dma_wait3A_327 : memref<128x128xbf16, #tpu.memory_space<vmem_shared>>)
      tpu.yield
    }) : () -> ()
    %add3A_10 = arith.constant 128 : i32
    %add3A_11 = arith.addi %mul3A_7, %add3A_10 : i32
    %run_scoped3A_12 = arith.constant 0 : i32
    "tpu.region"() ({
      %run_scoped3A_307 = tpu.sem_alloc : memref<!tpu.dma_semaphore, #tpu.memory_space<semaphore_mem>>
      %dma_start3A_308 = arith.constant 0 : i32
      %dma_start3A_309 = arith.constant 0 : i32
      %dma_start3A_310 = tpu.memref_slice %arg8[%run_scoped3A_12, %dma_start3A_308, %dma_start3A_309] : memref<2x128x128xbf16, #tpu.memory_space<vmem>> -> memref<1x128x128xbf16, #tpu.memory_space<vmem>>
      %dma_start3A_311 = tpu.memref_squeeze %dma_start3A_310 : memref<1x128x128xbf16, #tpu.memory_space<vmem>> -> memref<128x128xbf16, #tpu.memory_space<vmem>>
      %dma_start3A_312 = arith.constant 0 : i32
      %dma_start3A_313 = tpu.memref_slice %arg9[%add3A_11, %dma_start3A_312] : memref<10240x128xbf16, #tpu.memory_space<vmem_shared>> -> memref<128x128xbf16, #tpu.memory_space<vmem_shared>>
      %dma_start3A_314 = arith.constant 0 : i32
      %dma_start3A_315 = tpu.memref_slice %arg9[%add3A_11, %dma_start3A_314] : memref<10240x128xbf16, #tpu.memory_space<vmem_shared>> -> memref<128x128xbf16, #tpu.memory_space<vmem_shared>>
      %dma_start3A_316 = arith.constant 0 : i32
      %dma_start3A_317 = arith.constant 0 : i32
      %dma_start3A_318 = tpu.memref_slice %arg8[%run_scoped3A_12, %dma_start3A_316, %dma_start3A_317] : memref<2x128x128xbf16, #tpu.memory_space<vmem>> -> memref<1x128x128xbf16, #tpu.memory_space<vmem>>
      %dma_start3A_319 = tpu.memref_squeeze %dma_start3A_318 : memref<1x128x128xbf16, #tpu.memory_space<vmem>> -> memref<128x128xbf16, #tpu.memory_space<vmem>>
      tpu.enqueue_dma source(%dma_start3A_319 : memref<128x128xbf16, #tpu.memory_space<vmem>>) target(%dma_start3A_315 : memref<128x128xbf16, #tpu.memory_space<vmem_shared>>) target_semaphore(%run_scoped3A_307 : memref<!tpu.dma_semaphore, #tpu.memory_space<semaphore_mem>>)
      %dma_wait3A_320 = arith.constant 0 : i32
      %dma_wait3A_321 = arith.constant 0 : i32
      %dma_wait3A_322 = tpu.memref_slice %arg8[%run_scoped3A_12, %dma_wait3A_320, %dma_wait3A_321] : memref<2x128x128xbf16, #tpu.memory_space<vmem>> -> memref<1x128x128xbf16, #tpu.memory_space<vmem>>
      %dma_wait3A_323 = tpu.memref_squeeze %dma_wait3A_322 : memref<1x128x128xbf16, #tpu.memory_space<vmem>> -> memref<128x128xbf16, #tpu.memory_space<vmem>>
      %dma_wait3A_324 = arith.constant 0 : i32
      %dma_wait3A_325 = tpu.memref_slice %arg9[%add3A_11, %dma_wait3A_324] : memref<10240x128xbf16, #tpu.memory_space<vmem_shared>> -> memref<128x128xbf16, #tpu.memory_space<vmem_shared>>
      %dma_wait3A_326 = arith.constant 0 : i32
      %dma_wait3A_327 = tpu.memref_slice %arg9[%add3A_11, %dma_wait3A_326] : memref<10240x128xbf16, #tpu.memory_space<vmem_shared>> -> memref<128x128xbf16, #tpu.memory_space<vmem_shared>>
      %dma_wait3A_328 = arith.constant 0 : i32
      %dma_wait3A_329 = arith.constant 0 : i32
      %dma_wait3A_330 = tpu.memref_slice %arg8[%run_scoped3A_12, %dma_wait3A_328, %dma_wait3A_329] : memref<2x128x128xbf16, #tpu.memory_space<vmem>> -> memref<1x128x128xbf16, #tpu.memory_space<vmem>>
      %dma_wait3A_331 = tpu.memref_squeeze %dma_wait3A_330 : memref<1x128x128xbf16, #tpu.memory_space<vmem>> -> memref<128x128xbf16, #tpu.memory_space<vmem>>
      tpu.wait_dma2 semaphore(%run_scoped3A_307 : memref<!tpu.dma_semaphore, #tpu.memory_space<semaphore_mem>>) src(%dma_wait3A_331 : memref<128x128xbf16, #tpu.memory_space<vmem>>) dst(%dma_wait3A_327 : memref<128x128xbf16, #tpu.memory_space<vmem_shared>>)
      tpu.yield
    }) : () -> ()
    %add3A_13 = arith.constant 256 : i32
    %add3A_14 = arith.addi %mul3A_7, %add3A_13 : i32
    %run_scoped3A_15 = arith.constant 0 : i32
    "tpu.region"() ({
      %run_scoped3A_307 = tpu.sem_alloc : memref<!tpu.dma_semaphore, #tpu.memory_space<semaphore_mem>>
      %dma_start3A_308 = arith.constant 0 : i32
      %dma_start3A_309 = arith.constant 0 : i32
      %dma_start3A_310 = tpu.memref_slice %arg8[%run_scoped3A_15, %dma_start3A_308, %dma_start3A_309] : memref<2x128x128xbf16, #tpu.memory_space<vmem>> -> memref<1x128x128xbf16, #tpu.memory_space<vmem>>
      %dma_start3A_311 = tpu.memref_squeeze %dma_start3A_310 : memref<1x128x128xbf16, #tpu.memory_space<vmem>> -> memref<128x128xbf16, #tpu.memory_space<vmem>>
      %dma_start3A_312 = arith.constant 0 : i32
      %dma_start3A_313 = tpu.memref_slice %arg9[%add3A_14, %dma_start3A_312] : memref<10240x128xbf16, #tpu.memory_space<vmem_shared>> -> memref<128x128xbf16, #tpu.memory_space<vmem_shared>>
      %dma_start3A_314 = arith.constant 0 : i32
      %dma_start3A_315 = tpu.memref_slice %arg9[%add3A_14, %dma_start3A_314] : memref<10240x128xbf16, #tpu.memory_space<vmem_shared>> -> memref<128x128xbf16, #tpu.memory_space<vmem_shared>>
      %dma_start3A_316 = arith.constant 0 : i32
      %dma_start3A_317 = arith.constant 0 : i32
      %dma_start3A_318 = tpu.memref_slice %arg8[%run_scoped3A_15, %dma_start3A_316, %dma_start3A_317] : memref<2x128x128xbf16, #tpu.memory_space<vmem>> -> memref<1x128x128xbf16, #tpu.memory_space<vmem>>
      %dma_start3A_319 = tpu.memref_squeeze %dma_start3A_318 : memref<1x128x128xbf16, #tpu.memory_space<vmem>> -> memref<128x128xbf16, #tpu.memory_space<vmem>>
      tpu.enqueue_dma source(%dma_start3A_319 : memref<128x128xbf16, #tpu.memory_space<vmem>>) target(%dma_start3A_315 : memref<128x128xbf16, #tpu.memory_space<vmem_shared>>) target_semaphore(%run_scoped3A_307 : memref<!tpu.dma_semaphore, #tpu.memory_space<semaphore_mem>>)
      %dma_wait3A_320 = arith.constant 0 : i32
      %dma_wait3A_321 = arith.constant 0 : i32
      %dma_wait3A_322 = tpu.memref_slice %arg8[%run_scoped3A_15, %dma_wait3A_320, %dma_wait3A_321] : memref<2x128x128xbf16, #tpu.memory_space<vmem>> -> memref<1x128x128xbf16, #tpu.memory_space<vmem>>
      %dma_wait3A_323 = tpu.memref_squeeze %dma_wait3A_322 : memref<1x128x128xbf16, #tpu.memory_space<vmem>> -> memref<128x128xbf16, #tpu.memory_space<vmem>>
      %dma_wait3A_324 = arith.constant 0 : i32
      %dma_wait3A_325 = tpu.memref_slice %arg9[%add3A_14, %dma_wait3A_324] : memref<10240x128xbf16, #tpu.memory_space<vmem_shared>> -> memref<128x128xbf16, #tpu.memory_space<vmem_shared>>
      %dma_wait3A_326 = arith.constant 0 : i32
      %dma_wait3A_327 = tpu.memref_slice %arg9[%add3A_14, %dma_wait3A_326] : memref<10240x128xbf16, #tpu.memory_space<vmem_shared>> -> memref<128x128xbf16, #tpu.memory_space<vmem_shared>>
      %dma_wait3A_328 = arith.constant 0 : i32
      %dma_wait3A_329 = arith.constant 0 : i32
      %dma_wait3A_330 = tpu.memref_slice %arg8[%run_scoped3A_15, %dma_wait3A_328, %dma_wait3A_329] : memref<2x128x128xbf16, #tpu.memory_space<vmem>> -> memref<1x128x128xbf16, #tpu.memory_space<vmem>>
      %dma_wait3A_331 = tpu.memref_squeeze %dma_wait3A_330 : memref<1x128x128xbf16, #tpu.memory_space<vmem>> -> memref<128x128xbf16, #tpu.memory_space<vmem>>
      tpu.wait_dma2 semaphore(%run_scoped3A_307 : memref<!tpu.dma_semaphore, #tpu.memory_space<semaphore_mem>>) src(%dma_wait3A_331 : memref<128x128xbf16, #tpu.memory_space<vmem>>) dst(%dma_wait3A_327 : memref<128x128xbf16, #tpu.memory_space<vmem_shared>>)
      tpu.yield
    }) : () -> ()
    %add3A_16 = arith.constant 384 : i32
    %add3A_17 = arith.addi %mul3A_7, %add3A_16 : i32
    %run_scoped3A_18 = arith.constant 0 : i32
    "tpu.region"() ({
      %run_scoped3A_307 = tpu.sem_alloc : memref<!tpu.dma_semaphore, #tpu.memory_space<semaphore_mem>>
      %dma_start3A_308 = arith.constant 0 : i32
      %dma_start3A_309 = arith.constant 0 : i32
      %dma_start3A_310 = tpu.memref_slice %arg8[%run_scoped3A_18, %dma_start3A_308, %dma_start3A_309] : memref<2x128x128xbf16, #tpu.memory_space<vmem>> -> memref<1x128x128xbf16, #tpu.memory_space<vmem>>
      %dma_start3A_311 = tpu.memref_squeeze %dma_start3A_310 : memref<1x128x128xbf16, #tpu.memory_space<vmem>> -> memref<128x128xbf16, #tpu.memory_space<vmem>>
      %dma_start3A_312 = arith.constant 0 : i32
      %dma_start3A_313 = tpu.memref_slice %arg9[%add3A_17, %dma_start3A_312] : memref<10240x128xbf16, #tpu.memory_space<vmem_shared>> -> memref<128x128xbf16, #tpu.memory_space<vmem_shared>>
      %dma_start3A_314 = arith.constant 0 : i32
      %dma_start3A_315 = tpu.memref_slice %arg9[%add3A_17, %dma_start3A_314] : memref<10240x128xbf16, #tpu.memory_space<vmem_shared>> -> memref<128x128xbf16, #tpu.memory_space<vmem_shared>>
      %dma_start3A_316 = arith.constant 0 : i32
      %dma_start3A_317 = arith.constant 0 : i32
      %dma_start3A_318 = tpu.memref_slice %arg8[%run_scoped3A_18, %dma_start3A_316, %dma_start3A_317] : memref<2x128x128xbf16, #tpu.memory_space<vmem>> -> memref<1x128x128xbf16, #tpu.memory_space<vmem>>
      %dma_start3A_319 = tpu.memref_squeeze %dma_start3A_318 : memref<1x128x128xbf16, #tpu.memory_space<vmem>> -> memref<128x128xbf16, #tpu.memory_space<vmem>>
      tpu.enqueue_dma source(%dma_start3A_319 : memref<128x128xbf16, #tpu.memory_space<vmem>>) target(%dma_start3A_315 : memref<128x128xbf16, #tpu.memory_space<vmem_shared>>) target_semaphore(%run_scoped3A_307 : memref<!tpu.dma_semaphore, #tpu.memory_space<semaphore_mem>>)
      %dma_wait3A_320 = arith.constant 0 : i32
      %dma_wait3A_321 = arith.constant 0 : i32
      %dma_wait3A_322 = tpu.memref_slice %arg8[%run_scoped3A_18, %dma_wait3A_320, %dma_wait3A_321] : memref<2x128x128xbf16, #tpu.memory_space<vmem>> -> memref<1x128x128xbf16, #tpu.memory_space<vmem>>
      %dma_wait3A_323 = tpu.memref_squeeze %dma_wait3A_322 : memref<1x128x128xbf16, #tpu.memory_space<vmem>> -> memref<128x128xbf16, #tpu.memory_space<vmem>>
      %dma_wait3A_324 = arith.constant 0 : i32
      %dma_wait3A_325 = tpu.memref_slice %arg9[%add3A_17, %dma_wait3A_324] : memref<10240x128xbf16, #tpu.memory_space<vmem_shared>> -> memref<128x128xbf16, #tpu.memory_space<vmem_shared>>
      %dma_wait3A_326 = arith.constant 0 : i32
      %dma_wait3A_327 = tpu.memref_slice %arg9[%add3A_17, %dma_wait3A_326] : memref<10240x128xbf16, #tpu.memory_space<vmem_shared>> -> memref<128x128xbf16, #tpu.memory_space<vmem_shared>>
      %dma_wait3A_328 = arith.constant 0 : i32
      %dma_wait3A_329 = arith.constant 0 : i32
      %dma_wait3A_330 = tpu.memref_slice %arg8[%run_scoped3A_18, %dma_wait3A_328, %dma_wait3A_329] : memref<2x128x128xbf16, #tpu.memory_space<vmem>> -> memref<1x128x128xbf16, #tpu.memory_space<vmem>>
      %dma_wait3A_331 = tpu.memref_squeeze %dma_wait3A_330 : memref<1x128x128xbf16, #tpu.memory_space<vmem>> -> memref<128x128xbf16, #tpu.memory_space<vmem>>
      tpu.wait_dma2 semaphore(%run_scoped3A_307 : memref<!tpu.dma_semaphore, #tpu.memory_space<semaphore_mem>>) src(%dma_wait3A_331 : memref<128x128xbf16, #tpu.memory_space<vmem>>) dst(%dma_wait3A_327 : memref<128x128xbf16, #tpu.memory_space<vmem_shared>>)
      tpu.yield
    }) : () -> ()
    %add3A_19 = arith.constant 512 : i32
    %add3A_20 = arith.addi %mul3A_7, %add3A_19 : i32
    %run_scoped3A_21 = arith.constant 0 : i32
    "tpu.region"() ({
      %run_scoped3A_307 = tpu.sem_alloc : memref<!tpu.dma_semaphore, #tpu.memory_space<semaphore_mem>>
      %dma_start3A_308 = arith.constant 0 : i32
      %dma_start3A_309 = arith.constant 0 : i32
      %dma_start3A_310 = tpu.memref_slice %arg8[%run_scoped3A_21, %dma_start3A_308, %dma_start3A_309] : memref<2x128x128xbf16, #tpu.memory_space<vmem>> -> memref<1x128x128xbf16, #tpu.memory_space<vmem>>
      %dma_start3A_311 = tpu.memref_squeeze %dma_start3A_310 : memref<1x128x128xbf16, #tpu.memory_space<vmem>> -> memref<128x128xbf16, #tpu.memory_space<vmem>>
      %dma_start3A_312 = arith.constant 0 : i32
      %dma_start3A_313 = tpu.memref_slice %arg9[%add3A_20, %dma_start3A_312] : memref<10240x128xbf16, #tpu.memory_space<vmem_shared>> -> memref<128x128xbf16, #tpu.memory_space<vmem_shared>>
      %dma_start3A_314 = arith.constant 0 : i32
      %dma_start3A_315 = tpu.memref_slice %arg9[%add3A_20, %dma_start3A_314] : memref<10240x128xbf16, #tpu.memory_space<vmem_shared>> -> memref<128x128xbf16, #tpu.memory_space<vmem_shared>>
      %dma_start3A_316 = arith.constant 0 : i32
      %dma_start3A_317 = arith.constant 0 : i32
      %dma_start3A_318 = tpu.memref_slice %arg8[%run_scoped3A_21, %dma_start3A_316, %dma_start3A_317] : memref<2x128x128xbf16, #tpu.memory_space<vmem>> -> memref<1x128x128xbf16, #tpu.memory_space<vmem>>
      %dma_start3A_319 = tpu.memref_squeeze %dma_start3A_318 : memref<1x128x128xbf16, #tpu.memory_space<vmem>> -> memref<128x128xbf16, #tpu.memory_space<vmem>>
      tpu.enqueue_dma source(%dma_start3A_319 : memref<128x128xbf16, #tpu.memory_space<vmem>>) target(%dma_start3A_315 : memref<128x128xbf16, #tpu.memory_space<vmem_shared>>) target_semaphore(%run_scoped3A_307 : memref<!tpu.dma_semaphore, #tpu.memory_space<semaphore_mem>>)
      %dma_wait3A_320 = arith.constant 0 : i32
      %dma_wait3A_321 = arith.constant 0 : i32
      %dma_wait3A_322 = tpu.memref_slice %arg8[%run_scoped3A_21, %dma_wait3A_320, %dma_wait3A_321] : memref<2x128x128xbf16, #tpu.memory_space<vmem>> -> memref<1x128x128xbf16, #tpu.memory_space<vmem>>
      %dma_wait3A_323 = tpu.memref_squeeze %dma_wait3A_322 : memref<1x128x128xbf16, #tpu.memory_space<vmem>> -> memref<128x128xbf16, #tpu.memory_space<vmem>>
      %dma_wait3A_324 = arith.constant 0 : i32
      %dma_wait3A_325 = tpu.memref_slice %arg9[%add3A_20, %dma_wait3A_324] : memref<10240x128xbf16, #tpu.memory_space<vmem_shared>> -> memref<128x128xbf16, #tpu.memory_space<vmem_shared>>
      %dma_wait3A_326 = arith.constant 0 : i32
      %dma_wait3A_327 = tpu.memref_slice %arg9[%add3A_20, %dma_wait3A_326] : memref<10240x128xbf16, #tpu.memory_space<vmem_shared>> -> memref<128x128xbf16, #tpu.memory_space<vmem_shared>>
      %dma_wait3A_328 = arith.constant 0 : i32
      %dma_wait3A_329 = arith.constant 0 : i32
      %dma_wait3A_330 = tpu.memref_slice %arg8[%run_scoped3A_21, %dma_wait3A_328, %dma_wait3A_329] : memref<2x128x128xbf16, #tpu.memory_space<vmem>> -> memref<1x128x128xbf16, #tpu.memory_space<vmem>>
      %dma_wait3A_331 = tpu.memref_squeeze %dma_wait3A_330 : memref<1x128x128xbf16, #tpu.memory_space<vmem>> -> memref<128x128xbf16, #tpu.memory_space<vmem>>
      tpu.wait_dma2 semaphore(%run_scoped3A_307 : memref<!tpu.dma_semaphore, #tpu.memory_space<semaphore_mem>>) src(%dma_wait3A_331 : memref<128x128xbf16, #tpu.memory_space<vmem>>) dst(%dma_wait3A_327 : memref<128x128xbf16, #tpu.memory_space<vmem_shared>>)
      tpu.yield
    }) : () -> ()
    %barrier3A = arith.constant 0 : index
    tpu.barrier barrier_id(%barrier3A)
    %run_scoped3A_22 = arith.constant 0 : i32
    "tpu.region"() ({
      %run_scoped3A_307 = tpu.sem_alloc : memref<!tpu.dma_semaphore, #tpu.memory_space<semaphore_mem>>
      %dma_start3A_308 = arith.constant 0 : i32
      %dma_start3A_309 = arith.constant 0 : i32
      %dma_start3A_310 = tpu.memref_slice %arg3[%add3A, %run_scoped3A_22, %dma_start3A_308, %dma_start3A_309] : memref<32x2x42x128xi32, #tpu.memory_space<hbm>> -> memref<1x1x42x128xi32, #tpu.memory_space<hbm>>
      %dma_start3A_311 = tpu.memref_squeeze %dma_start3A_310 : memref<1x1x42x128xi32, #tpu.memory_space<hbm>> -> memref<42x128xi32, #tpu.memory_space<hbm>>
      %dma_start3A_312 = arith.constant 0 : i32
      %dma_start3A_313 = arith.constant 0 : i32
      %dma_start3A_314 = tpu.memref_slice %arg3[%add3A, %run_scoped3A_22, %dma_start3A_312, %dma_start3A_313] : memref<32x2x42x128xi32, #tpu.memory_space<hbm>> -> memref<1x1x42x128xi32, #tpu.memory_space<hbm>>
      %dma_start3A_315 = tpu.memref_squeeze %dma_start3A_314 : memref<1x1x42x128xi32, #tpu.memory_space<hbm>> -> memref<42x128xi32, #tpu.memory_space<hbm>>
      tpu.enqueue_dma source(%dma_start3A_315 : memref<42x128xi32, #tpu.memory_space<hbm>>) target(%arg6 : memref<42x128xi32, #tpu.memory_space<vmem>>) target_semaphore(%run_scoped3A_307 : memref<!tpu.dma_semaphore, #tpu.memory_space<semaphore_mem>>)
      %dma_wait3A_316 = arith.constant 0 : i32
      %dma_wait3A_317 = arith.constant 0 : i32
      %dma_wait3A_318 = tpu.memref_slice %arg3[%add3A, %run_scoped3A_22, %dma_wait3A_316, %dma_wait3A_317] : memref<32x2x42x128xi32, #tpu.memory_space<hbm>> -> memref<1x1x42x128xi32, #tpu.memory_space<hbm>>
      %dma_wait3A_319 = tpu.memref_squeeze %dma_wait3A_318 : memref<1x1x42x128xi32, #tpu.memory_space<hbm>> -> memref<42x128xi32, #tpu.memory_space<hbm>>
      %dma_wait3A_320 = arith.constant 0 : i32
      %dma_wait3A_321 = arith.constant 0 : i32
      %dma_wait3A_322 = tpu.memref_slice %arg3[%add3A, %run_scoped3A_22, %dma_wait3A_320, %dma_wait3A_321] : memref<32x2x42x128xi32, #tpu.memory_space<hbm>> -> memref<1x1x42x128xi32, #tpu.memory_space<hbm>>
      %dma_wait3A_323 = tpu.memref_squeeze %dma_wait3A_322 : memref<1x1x42x128xi32, #tpu.memory_space<hbm>> -> memref<42x128xi32, #tpu.memory_space<hbm>>
      tpu.wait_dma2 semaphore(%run_scoped3A_307 : memref<!tpu.dma_semaphore, #tpu.memory_space<semaphore_mem>>) src(%dma_wait3A_323 : memref<42x128xi32, #tpu.memory_space<hbm>>) dst(%arg6 : memref<42x128xi32, #tpu.memory_space<vmem>>)
      tpu.yield
    }) : () -> ()
    %run_scoped3A_23 = arith.constant 0 : i32
    "tpu.region"() ({
      %run_scoped3A_307 = tpu.sem_alloc : memref<!tpu.dma_semaphore, #tpu.memory_space<semaphore_mem>>
      %dma_start3A_308 = arith.constant 0 : i32
      %dma_start3A_309 = arith.constant 0 : i32
      %dma_start3A_310 = tpu.memref_slice %arg4[%add3A, %run_scoped3A_23, %dma_start3A_308, %dma_start3A_309] : memref<32x2x42x128xi32, #tpu.memory_space<hbm>> -> memref<1x1x42x128xi32, #tpu.memory_space<hbm>>
      %dma_start3A_311 = tpu.memref_squeeze %dma_start3A_310 : memref<1x1x42x128xi32, #tpu.memory_space<hbm>> -> memref<42x128xi32, #tpu.memory_space<hbm>>
      %dma_start3A_312 = arith.constant 0 : i32
      %dma_start3A_313 = arith.constant 0 : i32
      %dma_start3A_314 = tpu.memref_slice %arg4[%add3A, %run_scoped3A_23, %dma_start3A_312, %dma_start3A_313] : memref<32x2x42x128xi32, #tpu.memory_space<hbm>> -> memref<1x1x42x128xi32, #tpu.memory_space<hbm>>
      %dma_start3A_315 = tpu.memref_squeeze %dma_start3A_314 : memref<1x1x42x128xi32, #tpu.memory_space<hbm>> -> memref<42x128xi32, #tpu.memory_space<hbm>>
      tpu.enqueue_dma source(%dma_start3A_315 : memref<42x128xi32, #tpu.memory_space<hbm>>) target(%arg7 : memref<42x128xi32, #tpu.memory_space<vmem>>) target_semaphore(%run_scoped3A_307 : memref<!tpu.dma_semaphore, #tpu.memory_space<semaphore_mem>>)
      %dma_wait3A_316 = arith.constant 0 : i32
      %dma_wait3A_317 = arith.constant 0 : i32
      %dma_wait3A_318 = tpu.memref_slice %arg4[%add3A, %run_scoped3A_23, %dma_wait3A_316, %dma_wait3A_317] : memref<32x2x42x128xi32, #tpu.memory_space<hbm>> -> memref<1x1x42x128xi32, #tpu.memory_space<hbm>>
      %dma_wait3A_319 = tpu.memref_squeeze %dma_wait3A_318 : memref<1x1x42x128xi32, #tpu.memory_space<hbm>> -> memref<42x128xi32, #tpu.memory_space<hbm>>
      %dma_wait3A_320 = arith.constant 0 : i32
      %dma_wait3A_321 = arith.constant 0 : i32
      %dma_wait3A_322 = tpu.memref_slice %arg4[%add3A, %run_scoped3A_23, %dma_wait3A_320, %dma_wait3A_321] : memref<32x2x42x128xi32, #tpu.memory_space<hbm>> -> memref<1x1x42x128xi32, #tpu.memory_space<hbm>>
      %dma_wait3A_323 = tpu.memref_squeeze %dma_wait3A_322 : memref<1x1x42x128xi32, #tpu.memory_space<hbm>> -> memref<42x128xi32, #tpu.memory_space<hbm>>
      tpu.wait_dma2 semaphore(%run_scoped3A_307 : memref<!tpu.dma_semaphore, #tpu.memory_space<semaphore_mem>>) src(%dma_wait3A_323 : memref<42x128xi32, #tpu.memory_space<hbm>>) dst(%arg7 : memref<42x128xi32, #tpu.memory_space<vmem>>)
      tpu.yield
    }) : () -> ()
    %dma_start3A = arith.constant 0 : i32
    %dma_start3A_24 = arith.constant 0 : i32
    %dma_start3A_25 = arith.constant 0 : i32
    %dma_start3A_26 = arith.constant 0 : i32
    %dma_start3A_27 = arith.constant 0 : i32
    %dma_start3A_28 = tpu.memref_slice %arg8[%dma_start3A_24, %dma_start3A_26, %dma_start3A_27] : memref<2x128x128xbf16, #tpu.memory_space<vmem>> -> memref<1x128x128xbf16, #tpu.memory_space<vmem>>
    %dma_start3A_29 = tpu.memref_squeeze %dma_start3A_28 : memref<1x128x128xbf16, #tpu.memory_space<vmem>> -> memref<128x128xbf16, #tpu.memory_space<vmem>>
    %dma_start3A_30 = arith.constant 0 : i32
    %dma_start3A_31 = tpu.memref_slice %arg6[%dma_start3A, %dma_start3A_30] : memref<42x128xi32, #tpu.memory_space<vmem>> -> memref<1x128xi32, #tpu.memory_space<vmem>>
    %dma_start3A_32 = tpu.memref_squeeze %dma_start3A_31 : memref<1x128xi32, #tpu.memory_space<vmem>> -> memref<128xi32, #tpu.memory_space<vmem>>
    %dma_start3A_33 = arith.constant 0 : i32
    %dma_start3A_34 = arith.constant 0 : i32
    %dma_start3A_35 = tpu.memref_slice %arg2[%dma_start3A_33, %dma_start3A_34] : memref<10000x128xbf16, #tpu.memory_space<hbm>> -> memref<10000x128xbf16, #tpu.memory_space<hbm>>
    %dma_start3A_36 = tpu.memref_slice %arg10[%dma_start3A_25] : memref<2x!tpu.dma_semaphore, #tpu.memory_space<semaphore_mem>> -> memref<1x!tpu.dma_semaphore, #tpu.memory_space<semaphore_mem>>
    %dma_start3A_37 = tpu.memref_squeeze %dma_start3A_36 : memref<1x!tpu.dma_semaphore, #tpu.memory_space<semaphore_mem>> -> memref<!tpu.dma_semaphore, #tpu.memory_space<semaphore_mem>>
    tpu.enqueue_indirect_dma source(%dma_start3A_35 : memref<10000x128xbf16, #tpu.memory_space<hbm>>) target(%dma_start3A_29 : memref<128x128xbf16, #tpu.memory_space<vmem>>) offsets(%dma_start3A_32 : memref<128xi32, #tpu.memory_space<vmem>>) semaphore(%dma_start3A_37 : memref<!tpu.dma_semaphore, #tpu.memory_space<semaphore_mem>>)
    %dma_start3A_38 = arith.constant 1 : i32
    %dma_start3A_39 = arith.constant 1 : i32
    %dma_start3A_40 = arith.constant 1 : i32
    %dma_start3A_41 = arith.constant 0 : i32
    %dma_start3A_42 = arith.constant 0 : i32
    %dma_start3A_43 = tpu.memref_slice %arg8[%dma_start3A_39, %dma_start3A_41, %dma_start3A_42] : memref<2x128x128xbf16, #tpu.memory_space<vmem>> -> memref<1x128x128xbf16, #tpu.memory_space<vmem>>
    %dma_start3A_44 = tpu.memref_squeeze %dma_start3A_43 : memref<1x128x128xbf16, #tpu.memory_space<vmem>> -> memref<128x128xbf16, #tpu.memory_space<vmem>>
    %dma_start3A_45 = arith.constant 0 : i32
    %dma_start3A_46 = tpu.memref_slice %arg6[%dma_start3A_38, %dma_start3A_45] : memref<42x128xi32, #tpu.memory_space<vmem>> -> memref<1x128xi32, #tpu.memory_space<vmem>>
    %dma_start3A_47 = tpu.memref_squeeze %dma_start3A_46 : memref<1x128xi32, #tpu.memory_space<vmem>> -> memref<128xi32, #tpu.memory_space<vmem>>
    %dma_start3A_48 = arith.constant 0 : i32
    %dma_start3A_49 = arith.constant 0 : i32
    %dma_start3A_50 = tpu.memref_slice %arg2[%dma_start3A_48, %dma_start3A_49] : memref<10000x128xbf16, #tpu.memory_space<hbm>> -> memref<10000x128xbf16, #tpu.memory_space<hbm>>
    %dma_start3A_51 = tpu.memref_slice %arg10[%dma_start3A_40] : memref<2x!tpu.dma_semaphore, #tpu.memory_space<semaphore_mem>> -> memref<1x!tpu.dma_semaphore, #tpu.memory_space<semaphore_mem>>
    %dma_start3A_52 = tpu.memref_squeeze %dma_start3A_51 : memref<1x!tpu.dma_semaphore, #tpu.memory_space<semaphore_mem>> -> memref<!tpu.dma_semaphore, #tpu.memory_space<semaphore_mem>>
    tpu.enqueue_indirect_dma source(%dma_start3A_50 : memref<10000x128xbf16, #tpu.memory_space<hbm>>) target(%dma_start3A_44 : memref<128x128xbf16, #tpu.memory_space<vmem>>) offsets(%dma_start3A_47 : memref<128xi32, #tpu.memory_space<vmem>>) semaphore(%dma_start3A_52 : memref<!tpu.dma_semaphore, #tpu.memory_space<semaphore_mem>>)
    %dma_wait3A = arith.constant 0 : i32
    %dma_wait3A_53 = arith.constant 0 : i32
    %dma_wait3A_54 = arith.constant 0 : i32
    %dma_wait3A_55 = arith.constant 0 : i32
    %dma_wait3A_56 = arith.constant 0 : i32
    %dma_wait3A_57 = tpu.memref_slice %arg8[%dma_wait3A_53, %dma_wait3A_55, %dma_wait3A_56] : memref<2x128x128xbf16, #tpu.memory_space<vmem>> -> memref<1x128x128xbf16, #tpu.memory_space<vmem>>
    %dma_wait3A_58 = tpu.memref_squeeze %dma_wait3A_57 : memref<1x128x128xbf16, #tpu.memory_space<vmem>> -> memref<128x128xbf16, #tpu.memory_space<vmem>>
    %dma_wait3A_59 = arith.constant 0 : i32
    %dma_wait3A_60 = tpu.memref_slice %arg6[%dma_wait3A, %dma_wait3A_59] : memref<42x128xi32, #tpu.memory_space<vmem>> -> memref<1x128xi32, #tpu.memory_space<vmem>>
    %dma_wait3A_61 = tpu.memref_squeeze %dma_wait3A_60 : memref<1x128xi32, #tpu.memory_space<vmem>> -> memref<128xi32, #tpu.memory_space<vmem>>
    %dma_wait3A_62 = arith.constant 0 : i32
    %dma_wait3A_63 = arith.constant 0 : i32
    %dma_wait3A_64 = tpu.memref_slice %arg2[%dma_wait3A_62, %dma_wait3A_63] : memref<10000x128xbf16, #tpu.memory_space<hbm>> -> memref<10000x128xbf16, #tpu.memory_space<hbm>>
    %dma_wait3A_65 = tpu.memref_slice %arg10[%dma_wait3A_54] : memref<2x!tpu.dma_semaphore, #tpu.memory_space<semaphore_mem>> -> memref<1x!tpu.dma_semaphore, #tpu.memory_space<semaphore_mem>>
    %dma_wait3A_66 = tpu.memref_squeeze %dma_wait3A_65 : memref<1x!tpu.dma_semaphore, #tpu.memory_space<semaphore_mem>> -> memref<!tpu.dma_semaphore, #tpu.memory_space<semaphore_mem>>
    tpu.wait_indirect_dma semaphore(%dma_wait3A_66 : memref<!tpu.dma_semaphore, #tpu.memory_space<semaphore_mem>>) src(%dma_wait3A_64 : memref<10000x128xbf16, #tpu.memory_space<hbm>>) dst(%dma_wait3A_58 : memref<128x128xbf16, #tpu.memory_space<vmem>>)
    %dma_start3A_67 = arith.constant 0 : i32
    %dma_start3A_68 = arith.constant 0 : i32
    %dma_start3A_69 = arith.constant 0 : i32
    %dma_start3A_70 = arith.constant 0 : i32
    %dma_start3A_71 = arith.constant 0 : i32
    %dma_start3A_72 = tpu.memref_slice %arg8[%dma_start3A_67, %dma_start3A_70, %dma_start3A_71] : memref<2x128x128xbf16, #tpu.memory_space<vmem>> -> memref<1x128x128xbf16, #tpu.memory_space<vmem>>
    %dma_start3A_73 = tpu.memref_squeeze %dma_start3A_72 : memref<1x128x128xbf16, #tpu.memory_space<vmem>> -> memref<128x128xbf16, #tpu.memory_space<vmem>>
    %dma_start3A_74 = arith.constant 0 : i32
    %dma_start3A_75 = tpu.memref_slice %arg7[%dma_start3A_68, %dma_start3A_74] : memref<42x128xi32, #tpu.memory_space<vmem>> -> memref<1x128xi32, #tpu.memory_space<vmem>>
    %dma_start3A_76 = tpu.memref_squeeze %dma_start3A_75 : memref<1x128xi32, #tpu.memory_space<vmem>> -> memref<128xi32, #tpu.memory_space<vmem>>
    %dma_start3A_77 = arith.constant 0 : i32
    %dma_start3A_78 = arith.constant 0 : i32
    %dma_start3A_79 = tpu.memref_slice %arg9[%dma_start3A_77, %dma_start3A_78] : memref<10240x128xbf16, #tpu.memory_space<vmem_shared>> -> memref<10240x128xbf16, #tpu.memory_space<vmem_shared>>
    %dma_start3A_80 = tpu.memref_slice %arg11[%dma_start3A_69] : memref<2x!tpu.dma_semaphore, #tpu.memory_space<semaphore_mem>> -> memref<1x!tpu.dma_semaphore, #tpu.memory_space<semaphore_mem>>
    %dma_start3A_81 = tpu.memref_squeeze %dma_start3A_80 : memref<1x!tpu.dma_semaphore, #tpu.memory_space<semaphore_mem>> -> memref<!tpu.dma_semaphore, #tpu.memory_space<semaphore_mem>>
    tpu.enqueue_indirect_dma source(%dma_start3A_73 : memref<128x128xbf16, #tpu.memory_space<vmem>>) target(%dma_start3A_79 : memref<10240x128xbf16, #tpu.memory_space<vmem_shared>>) offsets(%dma_start3A_76 : memref<128xi32, #tpu.memory_space<vmem>>) semaphore(%dma_start3A_81 : memref<!tpu.dma_semaphore, #tpu.memory_space<semaphore_mem>>) {add = true}
    %scan3A_82 = arith.constant 0 : i32
    %scan3A_83 = arith.constant 0 : i32
    %scan3A_84 = arith.constant 20 : i32
    %scan3A_85 = arith.addi %scan3A_83, %scan3A_84 : i32
    %scan3A_86 = arith.constant 1 : i32
    scf.for %scan3A_307 = %scan3A_83 to %scan3A_85 step %scan3A_86  : i32 {
      %mul3A_308 = arith.constant 2 : i32
      %mul3A_309 = arith.muli %mul3A_308, %scan3A_307 : i32
      %add3A_310 = arith.constant 2 : i32
      %add3A_311 = arith.addi %mul3A_309, %add3A_310 : i32
      %add3A_312 = arith.constant 0 : i32
      %add3A_313 = arith.addi %add3A_311, %add3A_312 : i32
      %sub3A = arith.constant 2 : i32
      %sub3A_314 = arith.subi %add3A_313, %sub3A : i32
      %dma_wait3A_315 = arith.constant 0 : i32
      %dma_wait3A_316 = arith.constant 0 : i32
      %dma_wait3A_317 = arith.constant 0 : i32
      %dma_wait3A_318 = arith.constant 0 : i32
      %dma_wait3A_319 = tpu.memref_slice %arg8[%dma_wait3A_315, %dma_wait3A_317, %dma_wait3A_318] : memref<2x128x128xbf16, #tpu.memory_space<vmem>> -> memref<1x128x128xbf16, #tpu.memory_space<vmem>>
      %dma_wait3A_320 = tpu.memref_squeeze %dma_wait3A_319 : memref<1x128x128xbf16, #tpu.memory_space<vmem>> -> memref<128x128xbf16, #tpu.memory_space<vmem>>
      %dma_wait3A_321 = arith.constant 0 : i32
      %dma_wait3A_322 = tpu.memref_slice %arg7[%sub3A_314, %dma_wait3A_321] : memref<42x128xi32, #tpu.memory_space<vmem>> -> memref<1x128xi32, #tpu.memory_space<vmem>>
      %dma_wait3A_323 = tpu.memref_squeeze %dma_wait3A_322 : memref<1x128xi32, #tpu.memory_space<vmem>> -> memref<128xi32, #tpu.memory_space<vmem>>
      %dma_wait3A_324 = arith.constant 0 : i32
      %dma_wait3A_325 = arith.constant 0 : i32
      %dma_wait3A_326 = tpu.memref_slice %arg9[%dma_wait3A_324, %dma_wait3A_325] : memref<10240x128xbf16, #tpu.memory_space<vmem_shared>> -> memref<10240x128xbf16, #tpu.memory_space<vmem_shared>>
      %dma_wait3A_327 = tpu.memref_slice %arg11[%dma_wait3A_316] : memref<2x!tpu.dma_semaphore, #tpu.memory_space<semaphore_mem>> -> memref<1x!tpu.dma_semaphore, #tpu.memory_space<semaphore_mem>>
      %dma_wait3A_328 = tpu.memref_squeeze %dma_wait3A_327 : memref<1x!tpu.dma_semaphore, #tpu.memory_space<semaphore_mem>> -> memref<!tpu.dma_semaphore, #tpu.memory_space<semaphore_mem>>
      tpu.wait_indirect_dma semaphore(%dma_wait3A_328 : memref<!tpu.dma_semaphore, #tpu.memory_space<semaphore_mem>>) src(%dma_wait3A_320 : memref<128x128xbf16, #tpu.memory_space<vmem>>) dst(%dma_wait3A_326 : memref<10240x128xbf16, #tpu.memory_space<vmem_shared>>)
      %dma_start3A_329 = arith.constant 0 : i32
      %dma_start3A_330 = arith.constant 0 : i32
      %dma_start3A_331 = arith.constant 0 : i32
      %dma_start3A_332 = arith.constant 0 : i32
      %dma_start3A_333 = tpu.memref_slice %arg8[%dma_start3A_329, %dma_start3A_331, %dma_start3A_332] : memref<2x128x128xbf16, #tpu.memory_space<vmem>> -> memref<1x128x128xbf16, #tpu.memory_space<vmem>>
      %dma_start3A_334 = tpu.memref_squeeze %dma_start3A_333 : memref<1x128x128xbf16, #tpu.memory_space<vmem>> -> memref<128x128xbf16, #tpu.memory_space<vmem>>
      %dma_start3A_335 = arith.constant 0 : i32
      %dma_start3A_336 = tpu.memref_slice %arg6[%add3A_313, %dma_start3A_335] : memref<42x128xi32, #tpu.memory_space<vmem>> -> memref<1x128xi32, #tpu.memory_space<vmem>>
      %dma_start3A_337 = tpu.memref_squeeze %dma_start3A_336 : memref<1x128xi32, #tpu.memory_space<vmem>> -> memref<128xi32, #tpu.memory_space<vmem>>
      %dma_start3A_338 = arith.constant 0 : i32
      %dma_start3A_339 = arith.constant 0 : i32
      %dma_start3A_340 = tpu.memref_slice %arg2[%dma_start3A_338, %dma_start3A_339] : memref<10000x128xbf16, #tpu.memory_space<hbm>> -> memref<10000x128xbf16, #tpu.memory_space<hbm>>
      %dma_start3A_341 = tpu.memref_slice %arg10[%dma_start3A_330] : memref<2x!tpu.dma_semaphore, #tpu.memory_space<semaphore_mem>> -> memref<1x!tpu.dma_semaphore, #tpu.memory_space<semaphore_mem>>
      %dma_start3A_342 = tpu.memref_squeeze %dma_start3A_341 : memref<1x!tpu.dma_semaphore, #tpu.memory_space<semaphore_mem>> -> memref<!tpu.dma_semaphore, #tpu.memory_space<semaphore_mem>>
      tpu.enqueue_indirect_dma source(%dma_start3A_340 : memref<10000x128xbf16, #tpu.memory_space<hbm>>) target(%dma_start3A_334 : memref<128x128xbf16, #tpu.memory_space<vmem>>) offsets(%dma_start3A_337 : memref<128xi32, #tpu.memory_space<vmem>>) semaphore(%dma_start3A_342 : memref<!tpu.dma_semaphore, #tpu.memory_space<semaphore_mem>>)
      %sub3A_343 = arith.constant 1 : i32
      %sub3A_344 = arith.subi %add3A_313, %sub3A_343 : i32
      %dma_wait3A_345 = arith.constant 1 : i32
      %dma_wait3A_346 = arith.constant 1 : i32
      %dma_wait3A_347 = arith.constant 0 : i32
      %dma_wait3A_348 = arith.constant 0 : i32
      %dma_wait3A_349 = tpu.memref_slice %arg8[%dma_wait3A_345, %dma_wait3A_347, %dma_wait3A_348] : memref<2x128x128xbf16, #tpu.memory_space<vmem>> -> memref<1x128x128xbf16, #tpu.memory_space<vmem>>
      %dma_wait3A_350 = tpu.memref_squeeze %dma_wait3A_349 : memref<1x128x128xbf16, #tpu.memory_space<vmem>> -> memref<128x128xbf16, #tpu.memory_space<vmem>>
      %dma_wait3A_351 = arith.constant 0 : i32
      %dma_wait3A_352 = tpu.memref_slice %arg6[%sub3A_344, %dma_wait3A_351] : memref<42x128xi32, #tpu.memory_space<vmem>> -> memref<1x128xi32, #tpu.memory_space<vmem>>
      %dma_wait3A_353 = tpu.memref_squeeze %dma_wait3A_352 : memref<1x128xi32, #tpu.memory_space<vmem>> -> memref<128xi32, #tpu.memory_space<vmem>>
      %dma_wait3A_354 = arith.constant 0 : i32
      %dma_wait3A_355 = arith.constant 0 : i32
      %dma_wait3A_356 = tpu.memref_slice %arg2[%dma_wait3A_354, %dma_wait3A_355] : memref<10000x128xbf16, #tpu.memory_space<hbm>> -> memref<10000x128xbf16, #tpu.memory_space<hbm>>
      %dma_wait3A_357 = tpu.memref_slice %arg10[%dma_wait3A_346] : memref<2x!tpu.dma_semaphore, #tpu.memory_space<semaphore_mem>> -> memref<1x!tpu.dma_semaphore, #tpu.memory_space<semaphore_mem>>
      %dma_wait3A_358 = tpu.memref_squeeze %dma_wait3A_357 : memref<1x!tpu.dma_semaphore, #tpu.memory_space<semaphore_mem>> -> memref<!tpu.dma_semaphore, #tpu.memory_space<semaphore_mem>>
      tpu.wait_indirect_dma semaphore(%dma_wait3A_358 : memref<!tpu.dma_semaphore, #tpu.memory_space<semaphore_mem>>) src(%dma_wait3A_356 : memref<10000x128xbf16, #tpu.memory_space<hbm>>) dst(%dma_wait3A_350 : memref<128x128xbf16, #tpu.memory_space<vmem>>)
      %sub3A_359 = arith.constant 1 : i32
      %sub3A_360 = arith.subi %add3A_313, %sub3A_359 : i32
      %dma_start3A_361 = arith.constant 1 : i32
      %dma_start3A_362 = arith.constant 1 : i32
      %dma_start3A_363 = arith.constant 0 : i32
      %dma_start3A_364 = arith.constant 0 : i32
      %dma_start3A_365 = tpu.memref_slice %arg8[%dma_start3A_361, %dma_start3A_363, %dma_start3A_364] : memref<2x128x128xbf16, #tpu.memory_space<vmem>> -> memref<1x128x128xbf16, #tpu.memory_space<vmem>>
      %dma_start3A_366 = tpu.memref_squeeze %dma_start3A_365 : memref<1x128x128xbf16, #tpu.memory_space<vmem>> -> memref<128x128xbf16, #tpu.memory_space<vmem>>
      %dma_start3A_367 = arith.constant 0 : i32
      %dma_start3A_368 = tpu.memref_slice %arg7[%sub3A_360, %dma_start3A_367] : memref<42x128xi32, #tpu.memory_space<vmem>> -> memref<1x128xi32, #tpu.memory_space<vmem>>
      %dma_start3A_369 = tpu.memref_squeeze %dma_start3A_368 : memref<1x128xi32, #tpu.memory_space<vmem>> -> memref<128xi32, #tpu.memory_space<vmem>>
      %dma_start3A_370 = arith.constant 0 : i32
      %dma_start3A_371 = arith.constant 0 : i32
      %dma_start3A_372 = tpu.memref_slice %arg9[%dma_start3A_370, %dma_start3A_371] : memref<10240x128xbf16, #tpu.memory_space<vmem_shared>> -> memref<10240x128xbf16, #tpu.memory_space<vmem_shared>>
      %dma_start3A_373 = tpu.memref_slice %arg11[%dma_start3A_362] : memref<2x!tpu.dma_semaphore, #tpu.memory_space<semaphore_mem>> -> memref<1x!tpu.dma_semaphore, #tpu.memory_space<semaphore_mem>>
      %dma_start3A_374 = tpu.memref_squeeze %dma_start3A_373 : memref<1x!tpu.dma_semaphore, #tpu.memory_space<semaphore_mem>> -> memref<!tpu.dma_semaphore, #tpu.memory_space<semaphore_mem>>
      tpu.enqueue_indirect_dma source(%dma_start3A_366 : memref<128x128xbf16, #tpu.memory_space<vmem>>) target(%dma_start3A_372 : memref<10240x128xbf16, #tpu.memory_space<vmem_shared>>) offsets(%dma_start3A_369 : memref<128xi32, #tpu.memory_space<vmem>>) semaphore(%dma_start3A_374 : memref<!tpu.dma_semaphore, #tpu.memory_space<semaphore_mem>>) {add = true}
      %mul3A_375 = arith.constant 2 : i32
      %mul3A_376 = arith.muli %mul3A_375, %scan3A_307 : i32
      %add3A_377 = arith.constant 2 : i32
      %add3A_378 = arith.addi %mul3A_376, %add3A_377 : i32
      %add3A_379 = arith.constant 1 : i32
      %add3A_380 = arith.addi %add3A_378, %add3A_379 : i32
      %sub3A_381 = arith.constant 2 : i32
      %sub3A_382 = arith.subi %add3A_380, %sub3A_381 : i32
      %dma_wait3A_383 = arith.constant 1 : i32
      %dma_wait3A_384 = arith.constant 1 : i32
      %dma_wait3A_385 = arith.constant 0 : i32
      %dma_wait3A_386 = arith.constant 0 : i32
      %dma_wait3A_387 = tpu.memref_slice %arg8[%dma_wait3A_383, %dma_wait3A_385, %dma_wait3A_386] : memref<2x128x128xbf16, #tpu.memory_space<vmem>> -> memref<1x128x128xbf16, #tpu.memory_space<vmem>>
      %dma_wait3A_388 = tpu.memref_squeeze %dma_wait3A_387 : memref<1x128x128xbf16, #tpu.memory_space<vmem>> -> memref<128x128xbf16, #tpu.memory_space<vmem>>
      %dma_wait3A_389 = arith.constant 0 : i32
      %dma_wait3A_390 = tpu.memref_slice %arg7[%sub3A_382, %dma_wait3A_389] : memref<42x128xi32, #tpu.memory_space<vmem>> -> memref<1x128xi32, #tpu.memory_space<vmem>>
      %dma_wait3A_391 = tpu.memref_squeeze %dma_wait3A_390 : memref<1x128xi32, #tpu.memory_space<vmem>> -> memref<128xi32, #tpu.memory_space<vmem>>
      %dma_wait3A_392 = arith.constant 0 : i32
      %dma_wait3A_393 = arith.constant 0 : i32
      %dma_wait3A_394 = tpu.memref_slice %arg9[%dma_wait3A_392, %dma_wait3A_393] : memref<10240x128xbf16, #tpu.memory_space<vmem_shared>> -> memref<10240x128xbf16, #tpu.memory_space<vmem_shared>>
      %dma_wait3A_395 = tpu.memref_slice %arg11[%dma_wait3A_384] : memref<2x!tpu.dma_semaphore, #tpu.memory_space<semaphore_mem>> -> memref<1x!tpu.dma_semaphore, #tpu.memory_space<semaphore_mem>>
      %dma_wait3A_396 = tpu.memref_squeeze %dma_wait3A_395 : memref<1x!tpu.dma_semaphore, #tpu.memory_space<semaphore_mem>> -> memref<!tpu.dma_semaphore, #tpu.memory_space<semaphore_mem>>
      tpu.wait_indirect_dma semaphore(%dma_wait3A_396 : memref<!tpu.dma_semaphore, #tpu.memory_space<semaphore_mem>>) src(%dma_wait3A_388 : memref<128x128xbf16, #tpu.memory_space<vmem>>) dst(%dma_wait3A_394 : memref<10240x128xbf16, #tpu.memory_space<vmem_shared>>)
      %dma_start3A_397 = arith.constant 1 : i32
      %dma_start3A_398 = arith.constant 1 : i32
      %dma_start3A_399 = arith.constant 0 : i32
      %dma_start3A_400 = arith.constant 0 : i32
      %dma_start3A_401 = tpu.memref_slice %arg8[%dma_start3A_397, %dma_start3A_399, %dma_start3A_400] : memref<2x128x128xbf16, #tpu.memory_space<vmem>> -> memref<1x128x128xbf16, #tpu.memory_space<vmem>>
      %dma_start3A_402 = tpu.memref_squeeze %dma_start3A_401 : memref<1x128x128xbf16, #tpu.memory_space<vmem>> -> memref<128x128xbf16, #tpu.memory_space<vmem>>
      %dma_start3A_403 = arith.constant 0 : i32
      %dma_start3A_404 = tpu.memref_slice %arg6[%add3A_380, %dma_start3A_403] : memref<42x128xi32, #tpu.memory_space<vmem>> -> memref<1x128xi32, #tpu.memory_space<vmem>>
      %dma_start3A_405 = tpu.memref_squeeze %dma_start3A_404 : memref<1x128xi32, #tpu.memory_space<vmem>> -> memref<128xi32, #tpu.memory_space<vmem>>
      %dma_start3A_406 = arith.constant 0 : i32
      %dma_start3A_407 = arith.constant 0 : i32
      %dma_start3A_408 = tpu.memref_slice %arg2[%dma_start3A_406, %dma_start3A_407] : memref<10000x128xbf16, #tpu.memory_space<hbm>> -> memref<10000x128xbf16, #tpu.memory_space<hbm>>
      %dma_start3A_409 = tpu.memref_slice %arg10[%dma_start3A_398] : memref<2x!tpu.dma_semaphore, #tpu.memory_space<semaphore_mem>> -> memref<1x!tpu.dma_semaphore, #tpu.memory_space<semaphore_mem>>
      %dma_start3A_410 = tpu.memref_squeeze %dma_start3A_409 : memref<1x!tpu.dma_semaphore, #tpu.memory_space<semaphore_mem>> -> memref<!tpu.dma_semaphore, #tpu.memory_space<semaphore_mem>>
      tpu.enqueue_indirect_dma source(%dma_start3A_408 : memref<10000x128xbf16, #tpu.memory_space<hbm>>) target(%dma_start3A_402 : memref<128x128xbf16, #tpu.memory_space<vmem>>) offsets(%dma_start3A_405 : memref<128xi32, #tpu.memory_space<vmem>>) semaphore(%dma_start3A_410 : memref<!tpu.dma_semaphore, #tpu.memory_space<semaphore_mem>>)
      %sub3A_411 = arith.constant 1 : i32
      %sub3A_412 = arith.subi %add3A_380, %sub3A_411 : i32
      %dma_wait3A_413 = arith.constant 0 : i32
      %dma_wait3A_414 = arith.constant 0 : i32
      %dma_wait3A_415 = arith.constant 0 : i32
      %dma_wait3A_416 = arith.constant 0 : i32
      %dma_wait3A_417 = tpu.memref_slice %arg8[%dma_wait3A_413, %dma_wait3A_415, %dma_wait3A_416] : memref<2x128x128xbf16, #tpu.memory_space<vmem>> -> memref<1x128x128xbf16, #tpu.memory_space<vmem>>
      %dma_wait3A_418 = tpu.memref_squeeze %dma_wait3A_417 : memref<1x128x128xbf16, #tpu.memory_space<vmem>> -> memref<128x128xbf16, #tpu.memory_space<vmem>>
      %dma_wait3A_419 = arith.constant 0 : i32
      %dma_wait3A_420 = tpu.memref_slice %arg6[%sub3A_412, %dma_wait3A_419] : memref<42x128xi32, #tpu.memory_space<vmem>> -> memref<1x128xi32, #tpu.memory_space<vmem>>
      %dma_wait3A_421 = tpu.memref_squeeze %dma_wait3A_420 : memref<1x128xi32, #tpu.memory_space<vmem>> -> memref<128xi32, #tpu.memory_space<vmem>>
      %dma_wait3A_422 = arith.constant 0 : i32
      %dma_wait3A_423 = arith.constant 0 : i32
      %dma_wait3A_424 = tpu.memref_slice %arg2[%dma_wait3A_422, %dma_wait3A_423] : memref<10000x128xbf16, #tpu.memory_space<hbm>> -> memref<10000x128xbf16, #tpu.memory_space<hbm>>
      %dma_wait3A_425 = tpu.memref_slice %arg10[%dma_wait3A_414] : memref<2x!tpu.dma_semaphore, #tpu.memory_space<semaphore_mem>> -> memref<1x!tpu.dma_semaphore, #tpu.memory_space<semaphore_mem>>
      %dma_wait3A_426 = tpu.memref_squeeze %dma_wait3A_425 : memref<1x!tpu.dma_semaphore, #tpu.memory_space<semaphore_mem>> -> memref<!tpu.dma_semaphore, #tpu.memory_space<semaphore_mem>>
      tpu.wait_indirect_dma semaphore(%dma_wait3A_426 : memref<!tpu.dma_semaphore, #tpu.memory_space<semaphore_mem>>) src(%dma_wait3A_424 : memref<10000x128xbf16, #tpu.memory_space<hbm>>) dst(%dma_wait3A_418 : memref<128x128xbf16, #tpu.memory_space<vmem>>)
      %sub3A_427 = arith.constant 1 : i32
      %sub3A_428 = arith.subi %add3A_380, %sub3A_427 : i32
      %dma_start3A_429 = arith.constant 0 : i32
      %dma_start3A_430 = arith.constant 0 : i32
      %dma_start3A_431 = arith.constant 0 : i32
      %dma_start3A_432 = arith.constant 0 : i32
      %dma_start3A_433 = tpu.memref_slice %arg8[%dma_start3A_429, %dma_start3A_431, %dma_start3A_432] : memref<2x128x128xbf16, #tpu.memory_space<vmem>> -> memref<1x128x128xbf16, #tpu.memory_space<vmem>>
      %dma_start3A_434 = tpu.memref_squeeze %dma_start3A_433 : memref<1x128x128xbf16, #tpu.memory_space<vmem>> -> memref<128x128xbf16, #tpu.memory_space<vmem>>
      %dma_start3A_435 = arith.constant 0 : i32
      %dma_start3A_436 = tpu.memref_slice %arg7[%sub3A_428, %dma_start3A_435] : memref<42x128xi32, #tpu.memory_space<vmem>> -> memref<1x128xi32, #tpu.memory_space<vmem>>
      %dma_start3A_437 = tpu.memref_squeeze %dma_start3A_436 : memref<1x128xi32, #tpu.memory_space<vmem>> -> memref<128xi32, #tpu.memory_space<vmem>>
      %dma_start3A_438 = arith.constant 0 : i32
      %dma_start3A_439 = arith.constant 0 : i32
      %dma_start3A_440 = tpu.memref_slice %arg9[%dma_start3A_438, %dma_start3A_439] : memref<10240x128xbf16, #tpu.memory_space<vmem_shared>> -> memref<10240x128xbf16, #tpu.memory_space<vmem_shared>>
      %dma_start3A_441 = tpu.memref_slice %arg11[%dma_start3A_430] : memref<2x!tpu.dma_semaphore, #tpu.memory_space<semaphore_mem>> -> memref<1x!tpu.dma_semaphore, #tpu.memory_space<semaphore_mem>>
      %dma_start3A_442 = tpu.memref_squeeze %dma_start3A_441 : memref<1x!tpu.dma_semaphore, #tpu.memory_space<semaphore_mem>> -> memref<!tpu.dma_semaphore, #tpu.memory_space<semaphore_mem>>
      tpu.enqueue_indirect_dma source(%dma_start3A_434 : memref<128x128xbf16, #tpu.memory_space<vmem>>) target(%dma_start3A_440 : memref<10240x128xbf16, #tpu.memory_space<vmem_shared>>) offsets(%dma_start3A_437 : memref<128xi32, #tpu.memory_space<vmem>>) semaphore(%dma_start3A_442 : memref<!tpu.dma_semaphore, #tpu.memory_space<semaphore_mem>>) {add = true}
    }
    %scan3A_87 = arith.constant 20 : i32
    %dma_wait3A_88 = arith.constant 41 : i32
    %dma_wait3A_89 = arith.constant 1 : i32
    %dma_wait3A_90 = arith.constant 1 : i32
    %dma_wait3A_91 = arith.constant 0 : i32
    %dma_wait3A_92 = arith.constant 0 : i32
    %dma_wait3A_93 = tpu.memref_slice %arg8[%dma_wait3A_89, %dma_wait3A_91, %dma_wait3A_92] : memref<2x128x128xbf16, #tpu.memory_space<vmem>> -> memref<1x128x128xbf16, #tpu.memory_space<vmem>>
    %dma_wait3A_94 = tpu.memref_squeeze %dma_wait3A_93 : memref<1x128x128xbf16, #tpu.memory_space<vmem>> -> memref<128x128xbf16, #tpu.memory_space<vmem>>
    %dma_wait3A_95 = arith.constant 0 : i32
    %dma_wait3A_96 = tpu.memref_slice %arg6[%dma_wait3A_88, %dma_wait3A_95] : memref<42x128xi32, #tpu.memory_space<vmem>> -> memref<1x128xi32, #tpu.memory_space<vmem>>
    %dma_wait3A_97 = tpu.memref_squeeze %dma_wait3A_96 : memref<1x128xi32, #tpu.memory_space<vmem>> -> memref<128xi32, #tpu.memory_space<vmem>>
    %dma_wait3A_98 = arith.constant 0 : i32
    %dma_wait3A_99 = arith.constant 0 : i32
    %dma_wait3A_100 = tpu.memref_slice %arg2[%dma_wait3A_98, %dma_wait3A_99] : memref<10000x128xbf16, #tpu.memory_space<hbm>> -> memref<10000x128xbf16, #tpu.memory_space<hbm>>
    %dma_wait3A_101 = tpu.memref_slice %arg10[%dma_wait3A_90] : memref<2x!tpu.dma_semaphore, #tpu.memory_space<semaphore_mem>> -> memref<1x!tpu.dma_semaphore, #tpu.memory_space<semaphore_mem>>
    %dma_wait3A_102 = tpu.memref_squeeze %dma_wait3A_101 : memref<1x!tpu.dma_semaphore, #tpu.memory_space<semaphore_mem>> -> memref<!tpu.dma_semaphore, #tpu.memory_space<semaphore_mem>>
    tpu.wait_indirect_dma semaphore(%dma_wait3A_102 : memref<!tpu.dma_semaphore, #tpu.memory_space<semaphore_mem>>) src(%dma_wait3A_100 : memref<10000x128xbf16, #tpu.memory_space<hbm>>) dst(%dma_wait3A_94 : memref<128x128xbf16, #tpu.memory_space<vmem>>)
    %dma_start3A_103 = arith.constant 1 : i32
    %dma_start3A_104 = arith.constant 41 : i32
    %dma_start3A_105 = arith.constant 1 : i32
    %dma_start3A_106 = arith.constant 0 : i32
    %dma_start3A_107 = arith.constant 0 : i32
    %dma_start3A_108 = tpu.memref_slice %arg8[%dma_start3A_103, %dma_start3A_106, %dma_start3A_107] : memref<2x128x128xbf16, #tpu.memory_space<vmem>> -> memref<1x128x128xbf16, #tpu.memory_space<vmem>>
    %dma_start3A_109 = tpu.memref_squeeze %dma_start3A_108 : memref<1x128x128xbf16, #tpu.memory_space<vmem>> -> memref<128x128xbf16, #tpu.memory_space<vmem>>
    %dma_start3A_110 = arith.constant 0 : i32
    %dma_start3A_111 = tpu.memref_slice %arg7[%dma_start3A_104, %dma_start3A_110] : memref<42x128xi32, #tpu.memory_space<vmem>> -> memref<1x128xi32, #tpu.memory_space<vmem>>
    %dma_start3A_112 = tpu.memref_squeeze %dma_start3A_111 : memref<1x128xi32, #tpu.memory_space<vmem>> -> memref<128xi32, #tpu.memory_space<vmem>>
    %dma_start3A_113 = arith.constant 0 : i32
    %dma_start3A_114 = arith.constant 0 : i32
    %dma_start3A_115 = tpu.memref_slice %arg9[%dma_start3A_113, %dma_start3A_114] : memref<10240x128xbf16, #tpu.memory_space<vmem_shared>> -> memref<10240x128xbf16, #tpu.memory_space<vmem_shared>>
    %dma_start3A_116 = tpu.memref_slice %arg11[%dma_start3A_105] : memref<2x!tpu.dma_semaphore, #tpu.memory_space<semaphore_mem>> -> memref<1x!tpu.dma_semaphore, #tpu.memory_space<semaphore_mem>>
    %dma_start3A_117 = tpu.memref_squeeze %dma_start3A_116 : memref<1x!tpu.dma_semaphore, #tpu.memory_space<semaphore_mem>> -> memref<!tpu.dma_semaphore, #tpu.memory_space<semaphore_mem>>
    tpu.enqueue_indirect_dma source(%dma_start3A_109 : memref<128x128xbf16, #tpu.memory_space<vmem>>) target(%dma_start3A_115 : memref<10240x128xbf16, #tpu.memory_space<vmem_shared>>) offsets(%dma_start3A_112 : memref<128xi32, #tpu.memory_space<vmem>>) semaphore(%dma_start3A_117 : memref<!tpu.dma_semaphore, #tpu.memory_space<semaphore_mem>>) {add = true}
    %dma_wait3A_118 = arith.constant 0 : i32
    %dma_wait3A_119 = arith.constant 40 : i32
    %dma_wait3A_120 = arith.constant 0 : i32
    %dma_wait3A_121 = arith.constant 0 : i32
    %dma_wait3A_122 = arith.constant 0 : i32
    %dma_wait3A_123 = tpu.memref_slice %arg8[%dma_wait3A_118, %dma_wait3A_121, %dma_wait3A_122] : memref<2x128x128xbf16, #tpu.memory_space<vmem>> -> memref<1x128x128xbf16, #tpu.memory_space<vmem>>
    %dma_wait3A_124 = tpu.memref_squeeze %dma_wait3A_123 : memref<1x128x128xbf16, #tpu.memory_space<vmem>> -> memref<128x128xbf16, #tpu.memory_space<vmem>>
    %dma_wait3A_125 = arith.constant 0 : i32
    %dma_wait3A_126 = tpu.memref_slice %arg7[%dma_wait3A_119, %dma_wait3A_125] : memref<42x128xi32, #tpu.memory_space<vmem>> -> memref<1x128xi32, #tpu.memory_space<vmem>>
    %dma_wait3A_127 = tpu.memref_squeeze %dma_wait3A_126 : memref<1x128xi32, #tpu.memory_space<vmem>> -> memref<128xi32, #tpu.memory_space<vmem>>
    %dma_wait3A_128 = arith.constant 0 : i32
    %dma_wait3A_129 = arith.constant 0 : i32
    %dma_wait3A_130 = tpu.memref_slice %arg9[%dma_wait3A_128, %dma_wait3A_129] : memref<10240x128xbf16, #tpu.memory_space<vmem_shared>> -> memref<10240x128xbf16, #tpu.memory_space<vmem_shared>>
    %dma_wait3A_131 = tpu.memref_slice %arg11[%dma_wait3A_120] : memref<2x!tpu.dma_semaphore, #tpu.memory_space<semaphore_mem>> -> memref<1x!tpu.dma_semaphore, #tpu.memory_space<semaphore_mem>>
    %dma_wait3A_132 = tpu.memref_squeeze %dma_wait3A_131 : memref<1x!tpu.dma_semaphore, #tpu.memory_space<semaphore_mem>> -> memref<!tpu.dma_semaphore, #tpu.memory_space<semaphore_mem>>
    tpu.wait_indirect_dma semaphore(%dma_wait3A_132 : memref<!tpu.dma_semaphore, #tpu.memory_space<semaphore_mem>>) src(%dma_wait3A_124 : memref<128x128xbf16, #tpu.memory_space<vmem>>) dst(%dma_wait3A_130 : memref<10240x128xbf16, #tpu.memory_space<vmem_shared>>)
    %dma_wait3A_133 = arith.constant 1 : i32
    %dma_wait3A_134 = arith.constant 41 : i32
    %dma_wait3A_135 = arith.constant 1 : i32
    %dma_wait3A_136 = arith.constant 0 : i32
    %dma_wait3A_137 = arith.constant 0 : i32
    %dma_wait3A_138 = tpu.memref_slice %arg8[%dma_wait3A_133, %dma_wait3A_136, %dma_wait3A_137] : memref<2x128x128xbf16, #tpu.memory_space<vmem>> -> memref<1x128x128xbf16, #tpu.memory_space<vmem>>
    %dma_wait3A_139 = tpu.memref_squeeze %dma_wait3A_138 : memref<1x128x128xbf16, #tpu.memory_space<vmem>> -> memref<128x128xbf16, #tpu.memory_space<vmem>>
    %dma_wait3A_140 = arith.constant 0 : i32
    %dma_wait3A_141 = tpu.memref_slice %arg7[%dma_wait3A_134, %dma_wait3A_140] : memref<42x128xi32, #tpu.memory_space<vmem>> -> memref<1x128xi32, #tpu.memory_space<vmem>>
    %dma_wait3A_142 = tpu.memref_squeeze %dma_wait3A_141 : memref<1x128xi32, #tpu.memory_space<vmem>> -> memref<128xi32, #tpu.memory_space<vmem>>
    %dma_wait3A_143 = arith.constant 0 : i32
    %dma_wait3A_144 = arith.constant 0 : i32
    %dma_wait3A_145 = tpu.memref_slice %arg9[%dma_wait3A_143, %dma_wait3A_144] : memref<10240x128xbf16, #tpu.memory_space<vmem_shared>> -> memref<10240x128xbf16, #tpu.memory_space<vmem_shared>>
    %dma_wait3A_146 = tpu.memref_slice %arg11[%dma_wait3A_135] : memref<2x!tpu.dma_semaphore, #tpu.memory_space<semaphore_mem>> -> memref<1x!tpu.dma_semaphore, #tpu.memory_space<semaphore_mem>>
    %dma_wait3A_147 = tpu.memref_squeeze %dma_wait3A_146 : memref<1x!tpu.dma_semaphore, #tpu.memory_space<semaphore_mem>> -> memref<!tpu.dma_semaphore, #tpu.memory_space<semaphore_mem>>
    tpu.wait_indirect_dma semaphore(%dma_wait3A_147 : memref<!tpu.dma_semaphore, #tpu.memory_space<semaphore_mem>>) src(%dma_wait3A_139 : memref<128x128xbf16, #tpu.memory_space<vmem>>) dst(%dma_wait3A_145 : memref<10240x128xbf16, #tpu.memory_space<vmem_shared>>)
    %run_scoped3A_148 = arith.constant 1 : i32
    "tpu.region"() ({
      %run_scoped3A_307 = tpu.sem_alloc : memref<!tpu.dma_semaphore, #tpu.memory_space<semaphore_mem>>
      %dma_start3A_308 = arith.constant 0 : i32
      %dma_start3A_309 = arith.constant 0 : i32
      %dma_start3A_310 = tpu.memref_slice %arg3[%add3A, %run_scoped3A_148, %dma_start3A_308, %dma_start3A_309] : memref<32x2x42x128xi32, #tpu.memory_space<hbm>> -> memref<1x1x42x128xi32, #tpu.memory_space<hbm>>
      %dma_start3A_311 = tpu.memref_squeeze %dma_start3A_310 : memref<1x1x42x128xi32, #tpu.memory_space<hbm>> -> memref<42x128xi32, #tpu.memory_space<hbm>>
      %dma_start3A_312 = arith.constant 0 : i32
      %dma_start3A_313 = arith.constant 0 : i32
      %dma_start3A_314 = tpu.memref_slice %arg3[%add3A, %run_scoped3A_148, %dma_start3A_312, %dma_start3A_313] : memref<32x2x42x128xi32, #tpu.memory_space<hbm>> -> memref<1x1x42x128xi32, #tpu.memory_space<hbm>>
      %dma_start3A_315 = tpu.memref_squeeze %dma_start3A_314 : memref<1x1x42x128xi32, #tpu.memory_space<hbm>> -> memref<42x128xi32, #tpu.memory_space<hbm>>
      tpu.enqueue_dma source(%dma_start3A_315 : memref<42x128xi32, #tpu.memory_space<hbm>>) target(%arg6 : memref<42x128xi32, #tpu.memory_space<vmem>>) target_semaphore(%run_scoped3A_307 : memref<!tpu.dma_semaphore, #tpu.memory_space<semaphore_mem>>)
      %dma_wait3A_316 = arith.constant 0 : i32
      %dma_wait3A_317 = arith.constant 0 : i32
      %dma_wait3A_318 = tpu.memref_slice %arg3[%add3A, %run_scoped3A_148, %dma_wait3A_316, %dma_wait3A_317] : memref<32x2x42x128xi32, #tpu.memory_space<hbm>> -> memref<1x1x42x128xi32, #tpu.memory_space<hbm>>
      %dma_wait3A_319 = tpu.memref_squeeze %dma_wait3A_318 : memref<1x1x42x128xi32, #tpu.memory_space<hbm>> -> memref<42x128xi32, #tpu.memory_space<hbm>>
      %dma_wait3A_320 = arith.constant 0 : i32
      %dma_wait3A_321 = arith.constant 0 : i32
      %dma_wait3A_322 = tpu.memref_slice %arg3[%add3A, %run_scoped3A_148, %dma_wait3A_320, %dma_wait3A_321] : memref<32x2x42x128xi32, #tpu.memory_space<hbm>> -> memref<1x1x42x128xi32, #tpu.memory_space<hbm>>
      %dma_wait3A_323 = tpu.memref_squeeze %dma_wait3A_322 : memref<1x1x42x128xi32, #tpu.memory_space<hbm>> -> memref<42x128xi32, #tpu.memory_space<hbm>>
      tpu.wait_dma2 semaphore(%run_scoped3A_307 : memref<!tpu.dma_semaphore, #tpu.memory_space<semaphore_mem>>) src(%dma_wait3A_323 : memref<42x128xi32, #tpu.memory_space<hbm>>) dst(%arg6 : memref<42x128xi32, #tpu.memory_space<vmem>>)
      tpu.yield
    }) : () -> ()
    %run_scoped3A_149 = arith.constant 1 : i32
    "tpu.region"() ({
      %run_scoped3A_307 = tpu.sem_alloc : memref<!tpu.dma_semaphore, #tpu.memory_space<semaphore_mem>>
      %dma_start3A_308 = arith.constant 0 : i32
      %dma_start3A_309 = arith.constant 0 : i32
      %dma_start3A_310 = tpu.memref_slice %arg4[%add3A, %run_scoped3A_149, %dma_start3A_308, %dma_start3A_309] : memref<32x2x42x128xi32, #tpu.memory_space<hbm>> -> memref<1x1x42x128xi32, #tpu.memory_space<hbm>>
      %dma_start3A_311 = tpu.memref_squeeze %dma_start3A_310 : memref<1x1x42x128xi32, #tpu.memory_space<hbm>> -> memref<42x128xi32, #tpu.memory_space<hbm>>
      %dma_start3A_312 = arith.constant 0 : i32
      %dma_start3A_313 = arith.constant 0 : i32
      %dma_start3A_314 = tpu.memref_slice %arg4[%add3A, %run_scoped3A_149, %dma_start3A_312, %dma_start3A_313] : memref<32x2x42x128xi32, #tpu.memory_space<hbm>> -> memref<1x1x42x128xi32, #tpu.memory_space<hbm>>
      %dma_start3A_315 = tpu.memref_squeeze %dma_start3A_314 : memref<1x1x42x128xi32, #tpu.memory_space<hbm>> -> memref<42x128xi32, #tpu.memory_space<hbm>>
      tpu.enqueue_dma source(%dma_start3A_315 : memref<42x128xi32, #tpu.memory_space<hbm>>) target(%arg7 : memref<42x128xi32, #tpu.memory_space<vmem>>) target_semaphore(%run_scoped3A_307 : memref<!tpu.dma_semaphore, #tpu.memory_space<semaphore_mem>>)
      %dma_wait3A_316 = arith.constant 0 : i32
      %dma_wait3A_317 = arith.constant 0 : i32
      %dma_wait3A_318 = tpu.memref_slice %arg4[%add3A, %run_scoped3A_149, %dma_wait3A_316, %dma_wait3A_317] : memref<32x2x42x128xi32, #tpu.memory_space<hbm>> -> memref<1x1x42x128xi32, #tpu.memory_space<hbm>>
      %dma_wait3A_319 = tpu.memref_squeeze %dma_wait3A_318 : memref<1x1x42x128xi32, #tpu.memory_space<hbm>> -> memref<42x128xi32, #tpu.memory_space<hbm>>
      %dma_wait3A_320 = arith.constant 0 : i32
      %dma_wait3A_321 = arith.constant 0 : i32
      %dma_wait3A_322 = tpu.memref_slice %arg4[%add3A, %run_scoped3A_149, %dma_wait3A_320, %dma_wait3A_321] : memref<32x2x42x128xi32, #tpu.memory_space<hbm>> -> memref<1x1x42x128xi32, #tpu.memory_space<hbm>>
      %dma_wait3A_323 = tpu.memref_squeeze %dma_wait3A_322 : memref<1x1x42x128xi32, #tpu.memory_space<hbm>> -> memref<42x128xi32, #tpu.memory_space<hbm>>
      tpu.wait_dma2 semaphore(%run_scoped3A_307 : memref<!tpu.dma_semaphore, #tpu.memory_space<semaphore_mem>>) src(%dma_wait3A_323 : memref<42x128xi32, #tpu.memory_space<hbm>>) dst(%arg7 : memref<42x128xi32, #tpu.memory_space<vmem>>)
      tpu.yield
    }) : () -> ()
    %dma_start3A_150 = arith.constant 0 : i32
    %dma_start3A_151 = arith.constant 0 : i32
    %dma_start3A_152 = arith.constant 0 : i32
    %dma_start3A_153 = arith.constant 0 : i32
    %dma_start3A_154 = arith.constant 0 : i32
    %dma_start3A_155 = tpu.memref_slice %arg8[%dma_start3A_151, %dma_start3A_153, %dma_start3A_154] : memref<2x128x128xbf16, #tpu.memory_space<vmem>> -> memref<1x128x128xbf16, #tpu.memory_space<vmem>>
    %dma_start3A_156 = tpu.memref_squeeze %dma_start3A_155 : memref<1x128x128xbf16, #tpu.memory_space<vmem>> -> memref<128x128xbf16, #tpu.memory_space<vmem>>
    %dma_start3A_157 = arith.constant 0 : i32
    %dma_start3A_158 = tpu.memref_slice %arg6[%dma_start3A_150, %dma_start3A_157] : memref<42x128xi32, #tpu.memory_space<vmem>> -> memref<1x128xi32, #tpu.memory_space<vmem>>
    %dma_start3A_159 = tpu.memref_squeeze %dma_start3A_158 : memref<1x128xi32, #tpu.memory_space<vmem>> -> memref<128xi32, #tpu.memory_space<vmem>>
    %dma_start3A_160 = arith.constant 0 : i32
    %dma_start3A_161 = arith.constant 0 : i32
    %dma_start3A_162 = tpu.memref_slice %arg2[%dma_start3A_160, %dma_start3A_161] : memref<10000x128xbf16, #tpu.memory_space<hbm>> -> memref<10000x128xbf16, #tpu.memory_space<hbm>>
    %dma_start3A_163 = tpu.memref_slice %arg10[%dma_start3A_152] : memref<2x!tpu.dma_semaphore, #tpu.memory_space<semaphore_mem>> -> memref<1x!tpu.dma_semaphore, #tpu.memory_space<semaphore_mem>>
    %dma_start3A_164 = tpu.memref_squeeze %dma_start3A_163 : memref<1x!tpu.dma_semaphore, #tpu.memory_space<semaphore_mem>> -> memref<!tpu.dma_semaphore, #tpu.memory_space<semaphore_mem>>
    tpu.enqueue_indirect_dma source(%dma_start3A_162 : memref<10000x128xbf16, #tpu.memory_space<hbm>>) target(%dma_start3A_156 : memref<128x128xbf16, #tpu.memory_space<vmem>>) offsets(%dma_start3A_159 : memref<128xi32, #tpu.memory_space<vmem>>) semaphore(%dma_start3A_164 : memref<!tpu.dma_semaphore, #tpu.memory_space<semaphore_mem>>)
    %dma_start3A_165 = arith.constant 1 : i32
    %dma_start3A_166 = arith.constant 1 : i32
    %dma_start3A_167 = arith.constant 1 : i32
    %dma_start3A_168 = arith.constant 0 : i32
    %dma_start3A_169 = arith.constant 0 : i32
    %dma_start3A_170 = tpu.memref_slice %arg8[%dma_start3A_166, %dma_start3A_168, %dma_start3A_169] : memref<2x128x128xbf16, #tpu.memory_space<vmem>> -> memref<1x128x128xbf16, #tpu.memory_space<vmem>>
    %dma_start3A_171 = tpu.memref_squeeze %dma_start3A_170 : memref<1x128x128xbf16, #tpu.memory_space<vmem>> -> memref<128x128xbf16, #tpu.memory_space<vmem>>
    %dma_start3A_172 = arith.constant 0 : i32
    %dma_start3A_173 = tpu.memref_slice %arg6[%dma_start3A_165, %dma_start3A_172] : memref<42x128xi32, #tpu.memory_space<vmem>> -> memref<1x128xi32, #tpu.memory_space<vmem>>
    %dma_start3A_174 = tpu.memref_squeeze %dma_start3A_173 : memref<1x128xi32, #tpu.memory_space<vmem>> -> memref<128xi32, #tpu.memory_space<vmem>>
    %dma_start3A_175 = arith.constant 0 : i32
    %dma_start3A_176 = arith.constant 0 : i32
    %dma_start3A_177 = tpu.memref_slice %arg2[%dma_start3A_175, %dma_start3A_176] : memref<10000x128xbf16, #tpu.memory_space<hbm>> -> memref<10000x128xbf16, #tpu.memory_space<hbm>>
    %dma_start3A_178 = tpu.memref_slice %arg10[%dma_start3A_167] : memref<2x!tpu.dma_semaphore, #tpu.memory_space<semaphore_mem>> -> memref<1x!tpu.dma_semaphore, #tpu.memory_space<semaphore_mem>>
    %dma_start3A_179 = tpu.memref_squeeze %dma_start3A_178 : memref<1x!tpu.dma_semaphore, #tpu.memory_space<semaphore_mem>> -> memref<!tpu.dma_semaphore, #tpu.memory_space<semaphore_mem>>
    tpu.enqueue_indirect_dma source(%dma_start3A_177 : memref<10000x128xbf16, #tpu.memory_space<hbm>>) target(%dma_start3A_171 : memref<128x128xbf16, #tpu.memory_space<vmem>>) offsets(%dma_start3A_174 : memref<128xi32, #tpu.memory_space<vmem>>) semaphore(%dma_start3A_179 : memref<!tpu.dma_semaphore, #tpu.memory_space<semaphore_mem>>)
    %dma_wait3A_180 = arith.constant 0 : i32
    %dma_wait3A_181 = arith.constant 0 : i32
    %dma_wait3A_182 = arith.constant 0 : i32
    %dma_wait3A_183 = arith.constant 0 : i32
    %dma_wait3A_184 = arith.constant 0 : i32
    %dma_wait3A_185 = tpu.memref_slice %arg8[%dma_wait3A_181, %dma_wait3A_183, %dma_wait3A_184] : memref<2x128x128xbf16, #tpu.memory_space<vmem>> -> memref<1x128x128xbf16, #tpu.memory_space<vmem>>
    %dma_wait3A_186 = tpu.memref_squeeze %dma_wait3A_185 : memref<1x128x128xbf16, #tpu.memory_space<vmem>> -> memref<128x128xbf16, #tpu.memory_space<vmem>>
    %dma_wait3A_187 = arith.constant 0 : i32
    %dma_wait3A_188 = tpu.memref_slice %arg6[%dma_wait3A_180, %dma_wait3A_187] : memref<42x128xi32, #tpu.memory_space<vmem>> -> memref<1x128xi32, #tpu.memory_space<vmem>>
    %dma_wait3A_189 = tpu.memref_squeeze %dma_wait3A_188 : memref<1x128xi32, #tpu.memory_space<vmem>> -> memref<128xi32, #tpu.memory_space<vmem>>
    %dma_wait3A_190 = arith.constant 0 : i32
    %dma_wait3A_191 = arith.constant 0 : i32
    %dma_wait3A_192 = tpu.memref_slice %arg2[%dma_wait3A_190, %dma_wait3A_191] : memref<10000x128xbf16, #tpu.memory_space<hbm>> -> memref<10000x128xbf16, #tpu.memory_space<hbm>>
    %dma_wait3A_193 = tpu.memref_slice %arg10[%dma_wait3A_182] : memref<2x!tpu.dma_semaphore, #tpu.memory_space<semaphore_mem>> -> memref<1x!tpu.dma_semaphore, #tpu.memory_space<semaphore_mem>>
    %dma_wait3A_194 = tpu.memref_squeeze %dma_wait3A_193 : memref<1x!tpu.dma_semaphore, #tpu.memory_space<semaphore_mem>> -> memref<!tpu.dma_semaphore, #tpu.memory_space<semaphore_mem>>
    tpu.wait_indirect_dma semaphore(%dma_wait3A_194 : memref<!tpu.dma_semaphore, #tpu.memory_space<semaphore_mem>>) src(%dma_wait3A_192 : memref<10000x128xbf16, #tpu.memory_space<hbm>>) dst(%dma_wait3A_186 : memref<128x128xbf16, #tpu.memory_space<vmem>>)
    %dma_start3A_195 = arith.constant 0 : i32
    %dma_start3A_196 = arith.constant 0 : i32
    %dma_start3A_197 = arith.constant 0 : i32
    %dma_start3A_198 = arith.constant 0 : i32
    %dma_start3A_199 = arith.constant 0 : i32
    %dma_start3A_200 = tpu.memref_slice %arg8[%dma_start3A_195, %dma_start3A_198, %dma_start3A_199] : memref<2x128x128xbf16, #tpu.memory_space<vmem>> -> memref<1x128x128xbf16, #tpu.memory_space<vmem>>
    %dma_start3A_201 = tpu.memref_squeeze %dma_start3A_200 : memref<1x128x128xbf16, #tpu.memory_space<vmem>> -> memref<128x128xbf16, #tpu.memory_space<vmem>>
    %dma_start3A_202 = arith.constant 0 : i32
    %dma_start3A_203 = tpu.memref_slice %arg7[%dma_start3A_196, %dma_start3A_202] : memref<42x128xi32, #tpu.memory_space<vmem>> -> memref<1x128xi32, #tpu.memory_space<vmem>>
    %dma_start3A_204 = tpu.memref_squeeze %dma_start3A_203 : memref<1x128xi32, #tpu.memory_space<vmem>> -> memref<128xi32, #tpu.memory_space<vmem>>
    %dma_start3A_205 = arith.constant 0 : i32
    %dma_start3A_206 = arith.constant 0 : i32
    %dma_start3A_207 = tpu.memref_slice %arg9[%dma_start3A_205, %dma_start3A_206] : memref<10240x128xbf16, #tpu.memory_space<vmem_shared>> -> memref<10240x128xbf16, #tpu.memory_space<vmem_shared>>
    %dma_start3A_208 = tpu.memref_slice %arg11[%dma_start3A_197] : memref<2x!tpu.dma_semaphore, #tpu.memory_space<semaphore_mem>> -> memref<1x!tpu.dma_semaphore, #tpu.memory_space<semaphore_mem>>
    %dma_start3A_209 = tpu.memref_squeeze %dma_start3A_208 : memref<1x!tpu.dma_semaphore, #tpu.memory_space<semaphore_mem>> -> memref<!tpu.dma_semaphore, #tpu.memory_space<semaphore_mem>>
    tpu.enqueue_indirect_dma source(%dma_start3A_201 : memref<128x128xbf16, #tpu.memory_space<vmem>>) target(%dma_start3A_207 : memref<10240x128xbf16, #tpu.memory_space<vmem_shared>>) offsets(%dma_start3A_204 : memref<128xi32, #tpu.memory_space<vmem>>) semaphore(%dma_start3A_209 : memref<!tpu.dma_semaphore, #tpu.memory_space<semaphore_mem>>) {add = true}
    %scan3A_210 = arith.constant 0 : i32
    %scan3A_211 = arith.constant 0 : i32
    %scan3A_212 = arith.constant 20 : i32
    %scan3A_213 = arith.addi %scan3A_211, %scan3A_212 : i32
    %scan3A_214 = arith.constant 1 : i32
    scf.for %scan3A_307 = %scan3A_211 to %scan3A_213 step %scan3A_214  : i32 {
      %mul3A_308 = arith.constant 2 : i32
      %mul3A_309 = arith.muli %mul3A_308, %scan3A_307 : i32
      %add3A_310 = arith.constant 2 : i32
      %add3A_311 = arith.addi %mul3A_309, %add3A_310 : i32
      %add3A_312 = arith.constant 0 : i32
      %add3A_313 = arith.addi %add3A_311, %add3A_312 : i32
      %sub3A = arith.constant 2 : i32
      %sub3A_314 = arith.subi %add3A_313, %sub3A : i32
      %dma_wait3A_315 = arith.constant 0 : i32
      %dma_wait3A_316 = arith.constant 0 : i32
      %dma_wait3A_317 = arith.constant 0 : i32
      %dma_wait3A_318 = arith.constant 0 : i32
      %dma_wait3A_319 = tpu.memref_slice %arg8[%dma_wait3A_315, %dma_wait3A_317, %dma_wait3A_318] : memref<2x128x128xbf16, #tpu.memory_space<vmem>> -> memref<1x128x128xbf16, #tpu.memory_space<vmem>>
      %dma_wait3A_320 = tpu.memref_squeeze %dma_wait3A_319 : memref<1x128x128xbf16, #tpu.memory_space<vmem>> -> memref<128x128xbf16, #tpu.memory_space<vmem>>
      %dma_wait3A_321 = arith.constant 0 : i32
      %dma_wait3A_322 = tpu.memref_slice %arg7[%sub3A_314, %dma_wait3A_321] : memref<42x128xi32, #tpu.memory_space<vmem>> -> memref<1x128xi32, #tpu.memory_space<vmem>>
      %dma_wait3A_323 = tpu.memref_squeeze %dma_wait3A_322 : memref<1x128xi32, #tpu.memory_space<vmem>> -> memref<128xi32, #tpu.memory_space<vmem>>
      %dma_wait3A_324 = arith.constant 0 : i32
      %dma_wait3A_325 = arith.constant 0 : i32
      %dma_wait3A_326 = tpu.memref_slice %arg9[%dma_wait3A_324, %dma_wait3A_325] : memref<10240x128xbf16, #tpu.memory_space<vmem_shared>> -> memref<10240x128xbf16, #tpu.memory_space<vmem_shared>>
      %dma_wait3A_327 = tpu.memref_slice %arg11[%dma_wait3A_316] : memref<2x!tpu.dma_semaphore, #tpu.memory_space<semaphore_mem>> -> memref<1x!tpu.dma_semaphore, #tpu.memory_space<semaphore_mem>>
      %dma_wait3A_328 = tpu.memref_squeeze %dma_wait3A_327 : memref<1x!tpu.dma_semaphore, #tpu.memory_space<semaphore_mem>> -> memref<!tpu.dma_semaphore, #tpu.memory_space<semaphore_mem>>
      tpu.wait_indirect_dma semaphore(%dma_wait3A_328 : memref<!tpu.dma_semaphore, #tpu.memory_space<semaphore_mem>>) src(%dma_wait3A_320 : memref<128x128xbf16, #tpu.memory_space<vmem>>) dst(%dma_wait3A_326 : memref<10240x128xbf16, #tpu.memory_space<vmem_shared>>)
      %dma_start3A_329 = arith.constant 0 : i32
      %dma_start3A_330 = arith.constant 0 : i32
      %dma_start3A_331 = arith.constant 0 : i32
      %dma_start3A_332 = arith.constant 0 : i32
      %dma_start3A_333 = tpu.memref_slice %arg8[%dma_start3A_329, %dma_start3A_331, %dma_start3A_332] : memref<2x128x128xbf16, #tpu.memory_space<vmem>> -> memref<1x128x128xbf16, #tpu.memory_space<vmem>>
      %dma_start3A_334 = tpu.memref_squeeze %dma_start3A_333 : memref<1x128x128xbf16, #tpu.memory_space<vmem>> -> memref<128x128xbf16, #tpu.memory_space<vmem>>
      %dma_start3A_335 = arith.constant 0 : i32
      %dma_start3A_336 = tpu.memref_slice %arg6[%add3A_313, %dma_start3A_335] : memref<42x128xi32, #tpu.memory_space<vmem>> -> memref<1x128xi32, #tpu.memory_space<vmem>>
      %dma_start3A_337 = tpu.memref_squeeze %dma_start3A_336 : memref<1x128xi32, #tpu.memory_space<vmem>> -> memref<128xi32, #tpu.memory_space<vmem>>
      %dma_start3A_338 = arith.constant 0 : i32
      %dma_start3A_339 = arith.constant 0 : i32
      %dma_start3A_340 = tpu.memref_slice %arg2[%dma_start3A_338, %dma_start3A_339] : memref<10000x128xbf16, #tpu.memory_space<hbm>> -> memref<10000x128xbf16, #tpu.memory_space<hbm>>
      %dma_start3A_341 = tpu.memref_slice %arg10[%dma_start3A_330] : memref<2x!tpu.dma_semaphore, #tpu.memory_space<semaphore_mem>> -> memref<1x!tpu.dma_semaphore, #tpu.memory_space<semaphore_mem>>
      %dma_start3A_342 = tpu.memref_squeeze %dma_start3A_341 : memref<1x!tpu.dma_semaphore, #tpu.memory_space<semaphore_mem>> -> memref<!tpu.dma_semaphore, #tpu.memory_space<semaphore_mem>>
      tpu.enqueue_indirect_dma source(%dma_start3A_340 : memref<10000x128xbf16, #tpu.memory_space<hbm>>) target(%dma_start3A_334 : memref<128x128xbf16, #tpu.memory_space<vmem>>) offsets(%dma_start3A_337 : memref<128xi32, #tpu.memory_space<vmem>>) semaphore(%dma_start3A_342 : memref<!tpu.dma_semaphore, #tpu.memory_space<semaphore_mem>>)
      %sub3A_343 = arith.constant 1 : i32
      %sub3A_344 = arith.subi %add3A_313, %sub3A_343 : i32
      %dma_wait3A_345 = arith.constant 1 : i32
      %dma_wait3A_346 = arith.constant 1 : i32
      %dma_wait3A_347 = arith.constant 0 : i32
      %dma_wait3A_348 = arith.constant 0 : i32
      %dma_wait3A_349 = tpu.memref_slice %arg8[%dma_wait3A_345, %dma_wait3A_347, %dma_wait3A_348] : memref<2x128x128xbf16, #tpu.memory_space<vmem>> -> memref<1x128x128xbf16, #tpu.memory_space<vmem>>
      %dma_wait3A_350 = tpu.memref_squeeze %dma_wait3A_349 : memref<1x128x128xbf16, #tpu.memory_space<vmem>> -> memref<128x128xbf16, #tpu.memory_space<vmem>>
      %dma_wait3A_351 = arith.constant 0 : i32
      %dma_wait3A_352 = tpu.memref_slice %arg6[%sub3A_344, %dma_wait3A_351] : memref<42x128xi32, #tpu.memory_space<vmem>> -> memref<1x128xi32, #tpu.memory_space<vmem>>
      %dma_wait3A_353 = tpu.memref_squeeze %dma_wait3A_352 : memref<1x128xi32, #tpu.memory_space<vmem>> -> memref<128xi32, #tpu.memory_space<vmem>>
      %dma_wait3A_354 = arith.constant 0 : i32
      %dma_wait3A_355 = arith.constant 0 : i32
      %dma_wait3A_356 = tpu.memref_slice %arg2[%dma_wait3A_354, %dma_wait3A_355] : memref<10000x128xbf16, #tpu.memory_space<hbm>> -> memref<10000x128xbf16, #tpu.memory_space<hbm>>
      %dma_wait3A_357 = tpu.memref_slice %arg10[%dma_wait3A_346] : memref<2x!tpu.dma_semaphore, #tpu.memory_space<semaphore_mem>> -> memref<1x!tpu.dma_semaphore, #tpu.memory_space<semaphore_mem>>
      %dma_wait3A_358 = tpu.memref_squeeze %dma_wait3A_357 : memref<1x!tpu.dma_semaphore, #tpu.memory_space<semaphore_mem>> -> memref<!tpu.dma_semaphore, #tpu.memory_space<semaphore_mem>>
      tpu.wait_indirect_dma semaphore(%dma_wait3A_358 : memref<!tpu.dma_semaphore, #tpu.memory_space<semaphore_mem>>) src(%dma_wait3A_356 : memref<10000x128xbf16, #tpu.memory_space<hbm>>) dst(%dma_wait3A_350 : memref<128x128xbf16, #tpu.memory_space<vmem>>)
      %sub3A_359 = arith.constant 1 : i32
      %sub3A_360 = arith.subi %add3A_313, %sub3A_359 : i32
      %dma_start3A_361 = arith.constant 1 : i32
      %dma_start3A_362 = arith.constant 1 : i32
      %dma_start3A_363 = arith.constant 0 : i32
      %dma_start3A_364 = arith.constant 0 : i32
      %dma_start3A_365 = tpu.memref_slice %arg8[%dma_start3A_361, %dma_start3A_363, %dma_start3A_364] : memref<2x128x128xbf16, #tpu.memory_space<vmem>> -> memref<1x128x128xbf16, #tpu.memory_space<vmem>>
      %dma_start3A_366 = tpu.memref_squeeze %dma_start3A_365 : memref<1x128x128xbf16, #tpu.memory_space<vmem>> -> memref<128x128xbf16, #tpu.memory_space<vmem>>
      %dma_start3A_367 = arith.constant 0 : i32
      %dma_start3A_368 = tpu.memref_slice %arg7[%sub3A_360, %dma_start3A_367] : memref<42x128xi32, #tpu.memory_space<vmem>> -> memref<1x128xi32, #tpu.memory_space<vmem>>
      %dma_start3A_369 = tpu.memref_squeeze %dma_start3A_368 : memref<1x128xi32, #tpu.memory_space<vmem>> -> memref<128xi32, #tpu.memory_space<vmem>>
      %dma_start3A_370 = arith.constant 0 : i32
      %dma_start3A_371 = arith.constant 0 : i32
      %dma_start3A_372 = tpu.memref_slice %arg9[%dma_start3A_370, %dma_start3A_371] : memref<10240x128xbf16, #tpu.memory_space<vmem_shared>> -> memref<10240x128xbf16, #tpu.memory_space<vmem_shared>>
      %dma_start3A_373 = tpu.memref_slice %arg11[%dma_start3A_362] : memref<2x!tpu.dma_semaphore, #tpu.memory_space<semaphore_mem>> -> memref<1x!tpu.dma_semaphore, #tpu.memory_space<semaphore_mem>>
      %dma_start3A_374 = tpu.memref_squeeze %dma_start3A_373 : memref<1x!tpu.dma_semaphore, #tpu.memory_space<semaphore_mem>> -> memref<!tpu.dma_semaphore, #tpu.memory_space<semaphore_mem>>
      tpu.enqueue_indirect_dma source(%dma_start3A_366 : memref<128x128xbf16, #tpu.memory_space<vmem>>) target(%dma_start3A_372 : memref<10240x128xbf16, #tpu.memory_space<vmem_shared>>) offsets(%dma_start3A_369 : memref<128xi32, #tpu.memory_space<vmem>>) semaphore(%dma_start3A_374 : memref<!tpu.dma_semaphore, #tpu.memory_space<semaphore_mem>>) {add = true}
      %mul3A_375 = arith.constant 2 : i32
      %mul3A_376 = arith.muli %mul3A_375, %scan3A_307 : i32
      %add3A_377 = arith.constant 2 : i32
      %add3A_378 = arith.addi %mul3A_376, %add3A_377 : i32
      %add3A_379 = arith.constant 1 : i32
      %add3A_380 = arith.addi %add3A_378, %add3A_379 : i32
      %sub3A_381 = arith.constant 2 : i32
      %sub3A_382 = arith.subi %add3A_380, %sub3A_381 : i32
      %dma_wait3A_383 = arith.constant 1 : i32
      %dma_wait3A_384 = arith.constant 1 : i32
      %dma_wait3A_385 = arith.constant 0 : i32
      %dma_wait3A_386 = arith.constant 0 : i32
      %dma_wait3A_387 = tpu.memref_slice %arg8[%dma_wait3A_383, %dma_wait3A_385, %dma_wait3A_386] : memref<2x128x128xbf16, #tpu.memory_space<vmem>> -> memref<1x128x128xbf16, #tpu.memory_space<vmem>>
      %dma_wait3A_388 = tpu.memref_squeeze %dma_wait3A_387 : memref<1x128x128xbf16, #tpu.memory_space<vmem>> -> memref<128x128xbf16, #tpu.memory_space<vmem>>
      %dma_wait3A_389 = arith.constant 0 : i32
      %dma_wait3A_390 = tpu.memref_slice %arg7[%sub3A_382, %dma_wait3A_389] : memref<42x128xi32, #tpu.memory_space<vmem>> -> memref<1x128xi32, #tpu.memory_space<vmem>>
      %dma_wait3A_391 = tpu.memref_squeeze %dma_wait3A_390 : memref<1x128xi32, #tpu.memory_space<vmem>> -> memref<128xi32, #tpu.memory_space<vmem>>
      %dma_wait3A_392 = arith.constant 0 : i32
      %dma_wait3A_393 = arith.constant 0 : i32
      %dma_wait3A_394 = tpu.memref_slice %arg9[%dma_wait3A_392, %dma_wait3A_393] : memref<10240x128xbf16, #tpu.memory_space<vmem_shared>> -> memref<10240x128xbf16, #tpu.memory_space<vmem_shared>>
      %dma_wait3A_395 = tpu.memref_slice %arg11[%dma_wait3A_384] : memref<2x!tpu.dma_semaphore, #tpu.memory_space<semaphore_mem>> -> memref<1x!tpu.dma_semaphore, #tpu.memory_space<semaphore_mem>>
      %dma_wait3A_396 = tpu.memref_squeeze %dma_wait3A_395 : memref<1x!tpu.dma_semaphore, #tpu.memory_space<semaphore_mem>> -> memref<!tpu.dma_semaphore, #tpu.memory_space<semaphore_mem>>
      tpu.wait_indirect_dma semaphore(%dma_wait3A_396 : memref<!tpu.dma_semaphore, #tpu.memory_space<semaphore_mem>>) src(%dma_wait3A_388 : memref<128x128xbf16, #tpu.memory_space<vmem>>) dst(%dma_wait3A_394 : memref<10240x128xbf16, #tpu.memory_space<vmem_shared>>)
      %dma_start3A_397 = arith.constant 1 : i32
      %dma_start3A_398 = arith.constant 1 : i32
      %dma_start3A_399 = arith.constant 0 : i32
      %dma_start3A_400 = arith.constant 0 : i32
      %dma_start3A_401 = tpu.memref_slice %arg8[%dma_start3A_397, %dma_start3A_399, %dma_start3A_400] : memref<2x128x128xbf16, #tpu.memory_space<vmem>> -> memref<1x128x128xbf16, #tpu.memory_space<vmem>>
      %dma_start3A_402 = tpu.memref_squeeze %dma_start3A_401 : memref<1x128x128xbf16, #tpu.memory_space<vmem>> -> memref<128x128xbf16, #tpu.memory_space<vmem>>
      %dma_start3A_403 = arith.constant 0 : i32
      %dma_start3A_404 = tpu.memref_slice %arg6[%add3A_380, %dma_start3A_403] : memref<42x128xi32, #tpu.memory_space<vmem>> -> memref<1x128xi32, #tpu.memory_space<vmem>>
      %dma_start3A_405 = tpu.memref_squeeze %dma_start3A_404 : memref<1x128xi32, #tpu.memory_space<vmem>> -> memref<128xi32, #tpu.memory_space<vmem>>
      %dma_start3A_406 = arith.constant 0 : i32
      %dma_start3A_407 = arith.constant 0 : i32
      %dma_start3A_408 = tpu.memref_slice %arg2[%dma_start3A_406, %dma_start3A_407] : memref<10000x128xbf16, #tpu.memory_space<hbm>> -> memref<10000x128xbf16, #tpu.memory_space<hbm>>
      %dma_start3A_409 = tpu.memref_slice %arg10[%dma_start3A_398] : memref<2x!tpu.dma_semaphore, #tpu.memory_space<semaphore_mem>> -> memref<1x!tpu.dma_semaphore, #tpu.memory_space<semaphore_mem>>
      %dma_start3A_410 = tpu.memref_squeeze %dma_start3A_409 : memref<1x!tpu.dma_semaphore, #tpu.memory_space<semaphore_mem>> -> memref<!tpu.dma_semaphore, #tpu.memory_space<semaphore_mem>>
      tpu.enqueue_indirect_dma source(%dma_start3A_408 : memref<10000x128xbf16, #tpu.memory_space<hbm>>) target(%dma_start3A_402 : memref<128x128xbf16, #tpu.memory_space<vmem>>) offsets(%dma_start3A_405 : memref<128xi32, #tpu.memory_space<vmem>>) semaphore(%dma_start3A_410 : memref<!tpu.dma_semaphore, #tpu.memory_space<semaphore_mem>>)
      %sub3A_411 = arith.constant 1 : i32
      %sub3A_412 = arith.subi %add3A_380, %sub3A_411 : i32
      %dma_wait3A_413 = arith.constant 0 : i32
      %dma_wait3A_414 = arith.constant 0 : i32
      %dma_wait3A_415 = arith.constant 0 : i32
      %dma_wait3A_416 = arith.constant 0 : i32
      %dma_wait3A_417 = tpu.memref_slice %arg8[%dma_wait3A_413, %dma_wait3A_415, %dma_wait3A_416] : memref<2x128x128xbf16, #tpu.memory_space<vmem>> -> memref<1x128x128xbf16, #tpu.memory_space<vmem>>
      %dma_wait3A_418 = tpu.memref_squeeze %dma_wait3A_417 : memref<1x128x128xbf16, #tpu.memory_space<vmem>> -> memref<128x128xbf16, #tpu.memory_space<vmem>>
      %dma_wait3A_419 = arith.constant 0 : i32
      %dma_wait3A_420 = tpu.memref_slice %arg6[%sub3A_412, %dma_wait3A_419] : memref<42x128xi32, #tpu.memory_space<vmem>> -> memref<1x128xi32, #tpu.memory_space<vmem>>
      %dma_wait3A_421 = tpu.memref_squeeze %dma_wait3A_420 : memref<1x128xi32, #tpu.memory_space<vmem>> -> memref<128xi32, #tpu.memory_space<vmem>>
      %dma_wait3A_422 = arith.constant 0 : i32
      %dma_wait3A_423 = arith.constant 0 : i32
      %dma_wait3A_424 = tpu.memref_slice %arg2[%dma_wait3A_422, %dma_wait3A_423] : memref<10000x128xbf16, #tpu.memory_space<hbm>> -> memref<10000x128xbf16, #tpu.memory_space<hbm>>
      %dma_wait3A_425 = tpu.memref_slice %arg10[%dma_wait3A_414] : memref<2x!tpu.dma_semaphore, #tpu.memory_space<semaphore_mem>> -> memref<1x!tpu.dma_semaphore, #tpu.memory_space<semaphore_mem>>
      %dma_wait3A_426 = tpu.memref_squeeze %dma_wait3A_425 : memref<1x!tpu.dma_semaphore, #tpu.memory_space<semaphore_mem>> -> memref<!tpu.dma_semaphore, #tpu.memory_space<semaphore_mem>>
      tpu.wait_indirect_dma semaphore(%dma_wait3A_426 : memref<!tpu.dma_semaphore, #tpu.memory_space<semaphore_mem>>) src(%dma_wait3A_424 : memref<10000x128xbf16, #tpu.memory_space<hbm>>) dst(%dma_wait3A_418 : memref<128x128xbf16, #tpu.memory_space<vmem>>)
      %sub3A_427 = arith.constant 1 : i32
      %sub3A_428 = arith.subi %add3A_380, %sub3A_427 : i32
      %dma_start3A_429 = arith.constant 0 : i32
      %dma_start3A_430 = arith.constant 0 : i32
      %dma_start3A_431 = arith.constant 0 : i32
      %dma_start3A_432 = arith.constant 0 : i32
      %dma_start3A_433 = tpu.memref_slice %arg8[%dma_start3A_429, %dma_start3A_431, %dma_start3A_432] : memref<2x128x128xbf16, #tpu.memory_space<vmem>> -> memref<1x128x128xbf16, #tpu.memory_space<vmem>>
      %dma_start3A_434 = tpu.memref_squeeze %dma_start3A_433 : memref<1x128x128xbf16, #tpu.memory_space<vmem>> -> memref<128x128xbf16, #tpu.memory_space<vmem>>
      %dma_start3A_435 = arith.constant 0 : i32
      %dma_start3A_436 = tpu.memref_slice %arg7[%sub3A_428, %dma_start3A_435] : memref<42x128xi32, #tpu.memory_space<vmem>> -> memref<1x128xi32, #tpu.memory_space<vmem>>
      %dma_start3A_437 = tpu.memref_squeeze %dma_start3A_436 : memref<1x128xi32, #tpu.memory_space<vmem>> -> memref<128xi32, #tpu.memory_space<vmem>>
      %dma_start3A_438 = arith.constant 0 : i32
      %dma_start3A_439 = arith.constant 0 : i32
      %dma_start3A_440 = tpu.memref_slice %arg9[%dma_start3A_438, %dma_start3A_439] : memref<10240x128xbf16, #tpu.memory_space<vmem_shared>> -> memref<10240x128xbf16, #tpu.memory_space<vmem_shared>>
      %dma_start3A_441 = tpu.memref_slice %arg11[%dma_start3A_430] : memref<2x!tpu.dma_semaphore, #tpu.memory_space<semaphore_mem>> -> memref<1x!tpu.dma_semaphore, #tpu.memory_space<semaphore_mem>>
      %dma_start3A_442 = tpu.memref_squeeze %dma_start3A_441 : memref<1x!tpu.dma_semaphore, #tpu.memory_space<semaphore_mem>> -> memref<!tpu.dma_semaphore, #tpu.memory_space<semaphore_mem>>
      tpu.enqueue_indirect_dma source(%dma_start3A_434 : memref<128x128xbf16, #tpu.memory_space<vmem>>) target(%dma_start3A_440 : memref<10240x128xbf16, #tpu.memory_space<vmem_shared>>) offsets(%dma_start3A_437 : memref<128xi32, #tpu.memory_space<vmem>>) semaphore(%dma_start3A_442 : memref<!tpu.dma_semaphore, #tpu.memory_space<semaphore_mem>>) {add = true}
    }
    %scan3A_215 = arith.constant 20 : i32
    %dma_wait3A_216 = arith.constant 41 : i32
    %dma_wait3A_217 = arith.constant 1 : i32
    %dma_wait3A_218 = arith.constant 1 : i32
    %dma_wait3A_219 = arith.constant 0 : i32
    %dma_wait3A_220 = arith.constant 0 : i32
    %dma_wait3A_221 = tpu.memref_slice %arg8[%dma_wait3A_217, %dma_wait3A_219, %dma_wait3A_220] : memref<2x128x128xbf16, #tpu.memory_space<vmem>> -> memref<1x128x128xbf16, #tpu.memory_space<vmem>>
    %dma_wait3A_222 = tpu.memref_squeeze %dma_wait3A_221 : memref<1x128x128xbf16, #tpu.memory_space<vmem>> -> memref<128x128xbf16, #tpu.memory_space<vmem>>
    %dma_wait3A_223 = arith.constant 0 : i32
    %dma_wait3A_224 = tpu.memref_slice %arg6[%dma_wait3A_216, %dma_wait3A_223] : memref<42x128xi32, #tpu.memory_space<vmem>> -> memref<1x128xi32, #tpu.memory_space<vmem>>
    %dma_wait3A_225 = tpu.memref_squeeze %dma_wait3A_224 : memref<1x128xi32, #tpu.memory_space<vmem>> -> memref<128xi32, #tpu.memory_space<vmem>>
    %dma_wait3A_226 = arith.constant 0 : i32
    %dma_wait3A_227 = arith.constant 0 : i32
    %dma_wait3A_228 = tpu.memref_slice %arg2[%dma_wait3A_226, %dma_wait3A_227] : memref<10000x128xbf16, #tpu.memory_space<hbm>> -> memref<10000x128xbf16, #tpu.memory_space<hbm>>
    %dma_wait3A_229 = tpu.memref_slice %arg10[%dma_wait3A_218] : memref<2x!tpu.dma_semaphore, #tpu.memory_space<semaphore_mem>> -> memref<1x!tpu.dma_semaphore, #tpu.memory_space<semaphore_mem>>
    %dma_wait3A_230 = tpu.memref_squeeze %dma_wait3A_229 : memref<1x!tpu.dma_semaphore, #tpu.memory_space<semaphore_mem>> -> memref<!tpu.dma_semaphore, #tpu.memory_space<semaphore_mem>>
    tpu.wait_indirect_dma semaphore(%dma_wait3A_230 : memref<!tpu.dma_semaphore, #tpu.memory_space<semaphore_mem>>) src(%dma_wait3A_228 : memref<10000x128xbf16, #tpu.memory_space<hbm>>) dst(%dma_wait3A_222 : memref<128x128xbf16, #tpu.memory_space<vmem>>)
    %dma_start3A_231 = arith.constant 1 : i32
    %dma_start3A_232 = arith.constant 41 : i32
    %dma_start3A_233 = arith.constant 1 : i32
    %dma_start3A_234 = arith.constant 0 : i32
    %dma_start3A_235 = arith.constant 0 : i32
    %dma_start3A_236 = tpu.memref_slice %arg8[%dma_start3A_231, %dma_start3A_234, %dma_start3A_235] : memref<2x128x128xbf16, #tpu.memory_space<vmem>> -> memref<1x128x128xbf16, #tpu.memory_space<vmem>>
    %dma_start3A_237 = tpu.memref_squeeze %dma_start3A_236 : memref<1x128x128xbf16, #tpu.memory_space<vmem>> -> memref<128x128xbf16, #tpu.memory_space<vmem>>
    %dma_start3A_238 = arith.constant 0 : i32
    %dma_start3A_239 = tpu.memref_slice %arg7[%dma_start3A_232, %dma_start3A_238] : memref<42x128xi32, #tpu.memory_space<vmem>> -> memref<1x128xi32, #tpu.memory_space<vmem>>
    %dma_start3A_240 = tpu.memref_squeeze %dma_start3A_239 : memref<1x128xi32, #tpu.memory_space<vmem>> -> memref<128xi32, #tpu.memory_space<vmem>>
    %dma_start3A_241 = arith.constant 0 : i32
    %dma_start3A_242 = arith.constant 0 : i32
    %dma_start3A_243 = tpu.memref_slice %arg9[%dma_start3A_241, %dma_start3A_242] : memref<10240x128xbf16, #tpu.memory_space<vmem_shared>> -> memref<10240x128xbf16, #tpu.memory_space<vmem_shared>>
    %dma_start3A_244 = tpu.memref_slice %arg11[%dma_start3A_233] : memref<2x!tpu.dma_semaphore, #tpu.memory_space<semaphore_mem>> -> memref<1x!tpu.dma_semaphore, #tpu.memory_space<semaphore_mem>>
    %dma_start3A_245 = tpu.memref_squeeze %dma_start3A_244 : memref<1x!tpu.dma_semaphore, #tpu.memory_space<semaphore_mem>> -> memref<!tpu.dma_semaphore, #tpu.memory_space<semaphore_mem>>
    tpu.enqueue_indirect_dma source(%dma_start3A_237 : memref<128x128xbf16, #tpu.memory_space<vmem>>) target(%dma_start3A_243 : memref<10240x128xbf16, #tpu.memory_space<vmem_shared>>) offsets(%dma_start3A_240 : memref<128xi32, #tpu.memory_space<vmem>>) semaphore(%dma_start3A_245 : memref<!tpu.dma_semaphore, #tpu.memory_space<semaphore_mem>>) {add = true}
    %dma_wait3A_246 = arith.constant 0 : i32
    %dma_wait3A_247 = arith.constant 40 : i32
    %dma_wait3A_248 = arith.constant 0 : i32
    %dma_wait3A_249 = arith.constant 0 : i32
    %dma_wait3A_250 = arith.constant 0 : i32
    %dma_wait3A_251 = tpu.memref_slice %arg8[%dma_wait3A_246, %dma_wait3A_249, %dma_wait3A_250] : memref<2x128x128xbf16, #tpu.memory_space<vmem>> -> memref<1x128x128xbf16, #tpu.memory_space<vmem>>
    %dma_wait3A_252 = tpu.memref_squeeze %dma_wait3A_251 : memref<1x128x128xbf16, #tpu.memory_space<vmem>> -> memref<128x128xbf16, #tpu.memory_space<vmem>>
    %dma_wait3A_253 = arith.constant 0 : i32
    %dma_wait3A_254 = tpu.memref_slice %arg7[%dma_wait3A_247, %dma_wait3A_253] : memref<42x128xi32, #tpu.memory_space<vmem>> -> memref<1x128xi32, #tpu.memory_space<vmem>>
    %dma_wait3A_255 = tpu.memref_squeeze %dma_wait3A_254 : memref<1x128xi32, #tpu.memory_space<vmem>> -> memref<128xi32, #tpu.memory_space<vmem>>
    %dma_wait3A_256 = arith.constant 0 : i32
    %dma_wait3A_257 = arith.constant 0 : i32
    %dma_wait3A_258 = tpu.memref_slice %arg9[%dma_wait3A_256, %dma_wait3A_257] : memref<10240x128xbf16, #tpu.memory_space<vmem_shared>> -> memref<10240x128xbf16, #tpu.memory_space<vmem_shared>>
    %dma_wait3A_259 = tpu.memref_slice %arg11[%dma_wait3A_248] : memref<2x!tpu.dma_semaphore, #tpu.memory_space<semaphore_mem>> -> memref<1x!tpu.dma_semaphore, #tpu.memory_space<semaphore_mem>>
    %dma_wait3A_260 = tpu.memref_squeeze %dma_wait3A_259 : memref<1x!tpu.dma_semaphore, #tpu.memory_space<semaphore_mem>> -> memref<!tpu.dma_semaphore, #tpu.memory_space<semaphore_mem>>
    tpu.wait_indirect_dma semaphore(%dma_wait3A_260 : memref<!tpu.dma_semaphore, #tpu.memory_space<semaphore_mem>>) src(%dma_wait3A_252 : memref<128x128xbf16, #tpu.memory_space<vmem>>) dst(%dma_wait3A_258 : memref<10240x128xbf16, #tpu.memory_space<vmem_shared>>)
    %dma_wait3A_261 = arith.constant 1 : i32
    %dma_wait3A_262 = arith.constant 41 : i32
    %dma_wait3A_263 = arith.constant 1 : i32
    %dma_wait3A_264 = arith.constant 0 : i32
    %dma_wait3A_265 = arith.constant 0 : i32
    %dma_wait3A_266 = tpu.memref_slice %arg8[%dma_wait3A_261, %dma_wait3A_264, %dma_wait3A_265] : memref<2x128x128xbf16, #tpu.memory_space<vmem>> -> memref<1x128x128xbf16, #tpu.memory_space<vmem>>
    %dma_wait3A_267 = tpu.memref_squeeze %dma_wait3A_266 : memref<1x128x128xbf16, #tpu.memory_space<vmem>> -> memref<128x128xbf16, #tpu.memory_space<vmem>>
    %dma_wait3A_268 = arith.constant 0 : i32
    %dma_wait3A_269 = tpu.memref_slice %arg7[%dma_wait3A_262, %dma_wait3A_268] : memref<42x128xi32, #tpu.memory_space<vmem>> -> memref<1x128xi32, #tpu.memory_space<vmem>>
    %dma_wait3A_270 = tpu.memref_squeeze %dma_wait3A_269 : memref<1x128xi32, #tpu.memory_space<vmem>> -> memref<128xi32, #tpu.memory_space<vmem>>
    %dma_wait3A_271 = arith.constant 0 : i32
    %dma_wait3A_272 = arith.constant 0 : i32
    %dma_wait3A_273 = tpu.memref_slice %arg9[%dma_wait3A_271, %dma_wait3A_272] : memref<10240x128xbf16, #tpu.memory_space<vmem_shared>> -> memref<10240x128xbf16, #tpu.memory_space<vmem_shared>>
    %dma_wait3A_274 = tpu.memref_slice %arg11[%dma_wait3A_263] : memref<2x!tpu.dma_semaphore, #tpu.memory_space<semaphore_mem>> -> memref<1x!tpu.dma_semaphore, #tpu.memory_space<semaphore_mem>>
    %dma_wait3A_275 = tpu.memref_squeeze %dma_wait3A_274 : memref<1x!tpu.dma_semaphore, #tpu.memory_space<semaphore_mem>> -> memref<!tpu.dma_semaphore, #tpu.memory_space<semaphore_mem>>
    tpu.wait_indirect_dma semaphore(%dma_wait3A_275 : memref<!tpu.dma_semaphore, #tpu.memory_space<semaphore_mem>>) src(%dma_wait3A_267 : memref<128x128xbf16, #tpu.memory_space<vmem>>) dst(%dma_wait3A_273 : memref<10240x128xbf16, #tpu.memory_space<vmem_shared>>)
    %barrier3A_276 = arith.constant 0 : index
    tpu.barrier barrier_id(%barrier3A_276)
    %add3A_277 = arith.constant 0 : i32
    %add3A_278 = arith.addi %mul3A_7, %add3A_277 : i32
    %run_scoped3A_279 = arith.constant 0 : i32
    "tpu.region"() ({
      %run_scoped3A_307 = tpu.sem_alloc : memref<!tpu.dma_semaphore, #tpu.memory_space<semaphore_mem>>
      %dma_start3A_308 = arith.constant 0 : i32
      %dma_start3A_309 = arith.constant 0 : i32
      %dma_start3A_310 = tpu.memref_slice %arg8[%run_scoped3A_279, %dma_start3A_308, %dma_start3A_309] : memref<2x128x128xbf16, #tpu.memory_space<vmem>> -> memref<1x128x128xbf16, #tpu.memory_space<vmem>>
      %dma_start3A_311 = tpu.memref_squeeze %dma_start3A_310 : memref<1x128x128xbf16, #tpu.memory_space<vmem>> -> memref<128x128xbf16, #tpu.memory_space<vmem>>
      %dma_start3A_312 = arith.constant 0 : i32
      %dma_start3A_313 = tpu.memref_slice %arg9[%add3A_278, %dma_start3A_312] : memref<10240x128xbf16, #tpu.memory_space<vmem_shared>> -> memref<128x128xbf16, #tpu.memory_space<vmem_shared>>
      %dma_start3A_314 = arith.constant 0 : i32
      %dma_start3A_315 = arith.constant 0 : i32
      %dma_start3A_316 = tpu.memref_slice %arg8[%run_scoped3A_279, %dma_start3A_314, %dma_start3A_315] : memref<2x128x128xbf16, #tpu.memory_space<vmem>> -> memref<1x128x128xbf16, #tpu.memory_space<vmem>>
      %dma_start3A_317 = tpu.memref_squeeze %dma_start3A_316 : memref<1x128x128xbf16, #tpu.memory_space<vmem>> -> memref<128x128xbf16, #tpu.memory_space<vmem>>
      %dma_start3A_318 = arith.constant 0 : i32
      %dma_start3A_319 = tpu.memref_slice %arg9[%add3A_278, %dma_start3A_318] : memref<10240x128xbf16, #tpu.memory_space<vmem_shared>> -> memref<128x128xbf16, #tpu.memory_space<vmem_shared>>
      tpu.enqueue_dma source(%dma_start3A_319 : memref<128x128xbf16, #tpu.memory_space<vmem_shared>>) target(%dma_start3A_317 : memref<128x128xbf16, #tpu.memory_space<vmem>>) target_semaphore(%run_scoped3A_307 : memref<!tpu.dma_semaphore, #tpu.memory_space<semaphore_mem>>)
      %dma_wait3A_320 = arith.constant 0 : i32
      %dma_wait3A_321 = arith.constant 0 : i32
      %dma_wait3A_322 = tpu.memref_slice %arg8[%run_scoped3A_279, %dma_wait3A_320, %dma_wait3A_321] : memref<2x128x128xbf16, #tpu.memory_space<vmem>> -> memref<1x128x128xbf16, #tpu.memory_space<vmem>>
      %dma_wait3A_323 = tpu.memref_squeeze %dma_wait3A_322 : memref<1x128x128xbf16, #tpu.memory_space<vmem>> -> memref<128x128xbf16, #tpu.memory_space<vmem>>
      %dma_wait3A_324 = arith.constant 0 : i32
      %dma_wait3A_325 = tpu.memref_slice %arg9[%add3A_278, %dma_wait3A_324] : memref<10240x128xbf16, #tpu.memory_space<vmem_shared>> -> memref<128x128xbf16, #tpu.memory_space<vmem_shared>>
      %dma_wait3A_326 = arith.constant 0 : i32
      %dma_wait3A_327 = arith.constant 0 : i32
      %dma_wait3A_328 = tpu.memref_slice %arg8[%run_scoped3A_279, %dma_wait3A_326, %dma_wait3A_327] : memref<2x128x128xbf16, #tpu.memory_space<vmem>> -> memref<1x128x128xbf16, #tpu.memory_space<vmem>>
      %dma_wait3A_329 = tpu.memref_squeeze %dma_wait3A_328 : memref<1x128x128xbf16, #tpu.memory_space<vmem>> -> memref<128x128xbf16, #tpu.memory_space<vmem>>
      %dma_wait3A_330 = arith.constant 0 : i32
      %dma_wait3A_331 = tpu.memref_slice %arg9[%add3A_278, %dma_wait3A_330] : memref<10240x128xbf16, #tpu.memory_space<vmem_shared>> -> memref<128x128xbf16, #tpu.memory_space<vmem_shared>>
      tpu.wait_dma2 semaphore(%run_scoped3A_307 : memref<!tpu.dma_semaphore, #tpu.memory_space<semaphore_mem>>) src(%dma_wait3A_331 : memref<128x128xbf16, #tpu.memory_space<vmem_shared>>) dst(%dma_wait3A_329 : memref<128x128xbf16, #tpu.memory_space<vmem>>)
      tpu.yield
    }) : () -> ()
    %add3A_280 = arith.constant 0 : i32
    %add3A_281 = arith.addi %mul3A_7, %add3A_280 : i32
    %run_scoped3A_282 = arith.constant 0 : i32
    "tpu.region"() ({
      %run_scoped3A_307 = tpu.sem_alloc : memref<!tpu.dma_semaphore, #tpu.memory_space<semaphore_mem>>
      %dma_start3A_308 = arith.constant 0 : i32
      %dma_start3A_309 = arith.constant 0 : i32
      %dma_start3A_310 = tpu.memref_slice %arg8[%run_scoped3A_282, %dma_start3A_308, %dma_start3A_309] : memref<2x128x128xbf16, #tpu.memory_space<vmem>> -> memref<1x128x128xbf16, #tpu.memory_space<vmem>>
      %dma_start3A_311 = tpu.memref_squeeze %dma_start3A_310 : memref<1x128x128xbf16, #tpu.memory_space<vmem>> -> memref<128x128xbf16, #tpu.memory_space<vmem>>
      %dma_start3A_312 = arith.constant 0 : i32
      %dma_start3A_313 = tpu.memref_slice %arg5[%arg0, %add3A_281, %dma_start3A_312] : memref<2x10240x128xbf16, #tpu.memory_space<hbm>> -> memref<1x128x128xbf16, #tpu.memory_space<hbm>>
      %dma_start3A_314 = tpu.memref_squeeze %dma_start3A_313 : memref<1x128x128xbf16, #tpu.memory_space<hbm>> -> memref<128x128xbf16, #tpu.memory_space<hbm>>
      %dma_start3A_315 = arith.constant 0 : i32
      %dma_start3A_316 = tpu.memref_slice %arg5[%arg0, %add3A_281, %dma_start3A_315] : memref<2x10240x128xbf16, #tpu.memory_space<hbm>> -> memref<1x128x128xbf16, #tpu.memory_space<hbm>>
      %dma_start3A_317 = tpu.memref_squeeze %dma_start3A_316 : memref<1x128x128xbf16, #tpu.memory_space<hbm>> -> memref<128x128xbf16, #tpu.memory_space<hbm>>
      %dma_start3A_318 = arith.constant 0 : i32
      %dma_start3A_319 = arith.constant 0 : i32
      %dma_start3A_320 = tpu.memref_slice %arg8[%run_scoped3A_282, %dma_start3A_318, %dma_start3A_319] : memref<2x128x128xbf16, #tpu.memory_space<vmem>> -> memref<1x128x128xbf16, #tpu.memory_space<vmem>>
      %dma_start3A_321 = tpu.memref_squeeze %dma_start3A_320 : memref<1x128x128xbf16, #tpu.memory_space<vmem>> -> memref<128x128xbf16, #tpu.memory_space<vmem>>
      tpu.enqueue_dma source(%dma_start3A_321 : memref<128x128xbf16, #tpu.memory_space<vmem>>) target(%dma_start3A_317 : memref<128x128xbf16, #tpu.memory_space<hbm>>) target_semaphore(%run_scoped3A_307 : memref<!tpu.dma_semaphore, #tpu.memory_space<semaphore_mem>>)
      %dma_wait3A_322 = arith.constant 0 : i32
      %dma_wait3A_323 = arith.constant 0 : i32
      %dma_wait3A_324 = tpu.memref_slice %arg8[%run_scoped3A_282, %dma_wait3A_322, %dma_wait3A_323] : memref<2x128x128xbf16, #tpu.memory_space<vmem>> -> memref<1x128x128xbf16, #tpu.memory_space<vmem>>
      %dma_wait3A_325 = tpu.memref_squeeze %dma_wait3A_324 : memref<1x128x128xbf16, #tpu.memory_space<vmem>> -> memref<128x128xbf16, #tpu.memory_space<vmem>>
      %dma_wait3A_326 = arith.constant 0 : i32
      %dma_wait3A_327 = tpu.memref_slice %arg5[%arg0, %add3A_281, %dma_wait3A_326] : memref<2x10240x128xbf16, #tpu.memory_space<hbm>> -> memref<1x128x128xbf16, #tpu.memory_space<hbm>>
      %dma_wait3A_328 = tpu.memref_squeeze %dma_wait3A_327 : memref<1x128x128xbf16, #tpu.memory_space<hbm>> -> memref<128x128xbf16, #tpu.memory_space<hbm>>
      %dma_wait3A_329 = arith.constant 0 : i32
      %dma_wait3A_330 = tpu.memref_slice %arg5[%arg0, %add3A_281, %dma_wait3A_329] : memref<2x10240x128xbf16, #tpu.memory_space<hbm>> -> memref<1x128x128xbf16, #tpu.memory_space<hbm>>
      %dma_wait3A_331 = tpu.memref_squeeze %dma_wait3A_330 : memref<1x128x128xbf16, #tpu.memory_space<hbm>> -> memref<128x128xbf16, #tpu.memory_space<hbm>>
      %dma_wait3A_332 = arith.constant 0 : i32
      %dma_wait3A_333 = arith.constant 0 : i32
      %dma_wait3A_334 = tpu.memref_slice %arg8[%run_scoped3A_282, %dma_wait3A_332, %dma_wait3A_333] : memref<2x128x128xbf16, #tpu.memory_space<vmem>> -> memref<1x128x128xbf16, #tpu.memory_space<vmem>>
      %dma_wait3A_335 = tpu.memref_squeeze %dma_wait3A_334 : memref<1x128x128xbf16, #tpu.memory_space<vmem>> -> memref<128x128xbf16, #tpu.memory_space<vmem>>
      tpu.wait_dma2 semaphore(%run_scoped3A_307 : memref<!tpu.dma_semaphore, #tpu.memory_space<semaphore_mem>>) src(%dma_wait3A_335 : memref<128x128xbf16, #tpu.memory_space<vmem>>) dst(%dma_wait3A_331 : memref<128x128xbf16, #tpu.memory_space<hbm>>)
      tpu.yield
    }) : () -> ()
    %add3A_283 = arith.constant 128 : i32
    %add3A_284 = arith.addi %mul3A_7, %add3A_283 : i32
    %run_scoped3A_285 = arith.constant 0 : i32
    "tpu.region"() ({
      %run_scoped3A_307 = tpu.sem_alloc : memref<!tpu.dma_semaphore, #tpu.memory_space<semaphore_mem>>
      %dma_start3A_308 = arith.constant 0 : i32
      %dma_start3A_309 = arith.constant 0 : i32
      %dma_start3A_310 = tpu.memref_slice %arg8[%run_scoped3A_285, %dma_start3A_308, %dma_start3A_309] : memref<2x128x128xbf16, #tpu.memory_space<vmem>> -> memref<1x128x128xbf16, #tpu.memory_space<vmem>>
      %dma_start3A_311 = tpu.memref_squeeze %dma_start3A_310 : memref<1x128x128xbf16, #tpu.memory_space<vmem>> -> memref<128x128xbf16, #tpu.memory_space<vmem>>
      %dma_start3A_312 = arith.constant 0 : i32
      %dma_start3A_313 = tpu.memref_slice %arg9[%add3A_284, %dma_start3A_312] : memref<10240x128xbf16, #tpu.memory_space<vmem_shared>> -> memref<128x128xbf16, #tpu.memory_space<vmem_shared>>
      %dma_start3A_314 = arith.constant 0 : i32
      %dma_start3A_315 = arith.constant 0 : i32
      %dma_start3A_316 = tpu.memref_slice %arg8[%run_scoped3A_285, %dma_start3A_314, %dma_start3A_315] : memref<2x128x128xbf16, #tpu.memory_space<vmem>> -> memref<1x128x128xbf16, #tpu.memory_space<vmem>>
      %dma_start3A_317 = tpu.memref_squeeze %dma_start3A_316 : memref<1x128x128xbf16, #tpu.memory_space<vmem>> -> memref<128x128xbf16, #tpu.memory_space<vmem>>
      %dma_start3A_318 = arith.constant 0 : i32
      %dma_start3A_319 = tpu.memref_slice %arg9[%add3A_284, %dma_start3A_318] : memref<10240x128xbf16, #tpu.memory_space<vmem_shared>> -> memref<128x128xbf16, #tpu.memory_space<vmem_shared>>
      tpu.enqueue_dma source(%dma_start3A_319 : memref<128x128xbf16, #tpu.memory_space<vmem_shared>>) target(%dma_start3A_317 : memref<128x128xbf16, #tpu.memory_space<vmem>>) target_semaphore(%run_scoped3A_307 : memref<!tpu.dma_semaphore, #tpu.memory_space<semaphore_mem>>)
      %dma_wait3A_320 = arith.constant 0 : i32
      %dma_wait3A_321 = arith.constant 0 : i32
      %dma_wait3A_322 = tpu.memref_slice %arg8[%run_scoped3A_285, %dma_wait3A_320, %dma_wait3A_321] : memref<2x128x128xbf16, #tpu.memory_space<vmem>> -> memref<1x128x128xbf16, #tpu.memory_space<vmem>>
      %dma_wait3A_323 = tpu.memref_squeeze %dma_wait3A_322 : memref<1x128x128xbf16, #tpu.memory_space<vmem>> -> memref<128x128xbf16, #tpu.memory_space<vmem>>
      %dma_wait3A_324 = arith.constant 0 : i32
      %dma_wait3A_325 = tpu.memref_slice %arg9[%add3A_284, %dma_wait3A_324] : memref<10240x128xbf16, #tpu.memory_space<vmem_shared>> -> memref<128x128xbf16, #tpu.memory_space<vmem_shared>>
      %dma_wait3A_326 = arith.constant 0 : i32
      %dma_wait3A_327 = arith.constant 0 : i32
      %dma_wait3A_328 = tpu.memref_slice %arg8[%run_scoped3A_285, %dma_wait3A_326, %dma_wait3A_327] : memref<2x128x128xbf16, #tpu.memory_space<vmem>> -> memref<1x128x128xbf16, #tpu.memory_space<vmem>>
      %dma_wait3A_329 = tpu.memref_squeeze %dma_wait3A_328 : memref<1x128x128xbf16, #tpu.memory_space<vmem>> -> memref<128x128xbf16, #tpu.memory_space<vmem>>
      %dma_wait3A_330 = arith.constant 0 : i32
      %dma_wait3A_331 = tpu.memref_slice %arg9[%add3A_284, %dma_wait3A_330] : memref<10240x128xbf16, #tpu.memory_space<vmem_shared>> -> memref<128x128xbf16, #tpu.memory_space<vmem_shared>>
      tpu.wait_dma2 semaphore(%run_scoped3A_307 : memref<!tpu.dma_semaphore, #tpu.memory_space<semaphore_mem>>) src(%dma_wait3A_331 : memref<128x128xbf16, #tpu.memory_space<vmem_shared>>) dst(%dma_wait3A_329 : memref<128x128xbf16, #tpu.memory_space<vmem>>)
      tpu.yield
    }) : () -> ()
    %add3A_286 = arith.constant 128 : i32
    %add3A_287 = arith.addi %mul3A_7, %add3A_286 : i32
    %run_scoped3A_288 = arith.constant 0 : i32
    "tpu.region"() ({
      %run_scoped3A_307 = tpu.sem_alloc : memref<!tpu.dma_semaphore, #tpu.memory_space<semaphore_mem>>
      %dma_start3A_308 = arith.constant 0 : i32
      %dma_start3A_309 = arith.constant 0 : i32
      %dma_start3A_310 = tpu.memref_slice %arg8[%run_scoped3A_288, %dma_start3A_308, %dma_start3A_309] : memref<2x128x128xbf16, #tpu.memory_space<vmem>> -> memref<1x128x128xbf16, #tpu.memory_space<vmem>>
      %dma_start3A_311 = tpu.memref_squeeze %dma_start3A_310 : memref<1x128x128xbf16, #tpu.memory_space<vmem>> -> memref<128x128xbf16, #tpu.memory_space<vmem>>
      %dma_start3A_312 = arith.constant 0 : i32
      %dma_start3A_313 = tpu.memref_slice %arg5[%arg0, %add3A_287, %dma_start3A_312] : memref<2x10240x128xbf16, #tpu.memory_space<hbm>> -> memref<1x128x128xbf16, #tpu.memory_space<hbm>>
      %dma_start3A_314 = tpu.memref_squeeze %dma_start3A_313 : memref<1x128x128xbf16, #tpu.memory_space<hbm>> -> memref<128x128xbf16, #tpu.memory_space<hbm>>
      %dma_start3A_315 = arith.constant 0 : i32
      %dma_start3A_316 = tpu.memref_slice %arg5[%arg0, %add3A_287, %dma_start3A_315] : memref<2x10240x128xbf16, #tpu.memory_space<hbm>> -> memref<1x128x128xbf16, #tpu.memory_space<hbm>>
      %dma_start3A_317 = tpu.memref_squeeze %dma_start3A_316 : memref<1x128x128xbf16, #tpu.memory_space<hbm>> -> memref<128x128xbf16, #tpu.memory_space<hbm>>
      %dma_start3A_318 = arith.constant 0 : i32
      %dma_start3A_319 = arith.constant 0 : i32
      %dma_start3A_320 = tpu.memref_slice %arg8[%run_scoped3A_288, %dma_start3A_318, %dma_start3A_319] : memref<2x128x128xbf16, #tpu.memory_space<vmem>> -> memref<1x128x128xbf16, #tpu.memory_space<vmem>>
      %dma_start3A_321 = tpu.memref_squeeze %dma_start3A_320 : memref<1x128x128xbf16, #tpu.memory_space<vmem>> -> memref<128x128xbf16, #tpu.memory_space<vmem>>
      tpu.enqueue_dma source(%dma_start3A_321 : memref<128x128xbf16, #tpu.memory_space<vmem>>) target(%dma_start3A_317 : memref<128x128xbf16, #tpu.memory_space<hbm>>) target_semaphore(%run_scoped3A_307 : memref<!tpu.dma_semaphore, #tpu.memory_space<semaphore_mem>>)
      %dma_wait3A_322 = arith.constant 0 : i32
      %dma_wait3A_323 = arith.constant 0 : i32
      %dma_wait3A_324 = tpu.memref_slice %arg8[%run_scoped3A_288, %dma_wait3A_322, %dma_wait3A_323] : memref<2x128x128xbf16, #tpu.memory_space<vmem>> -> memref<1x128x128xbf16, #tpu.memory_space<vmem>>
      %dma_wait3A_325 = tpu.memref_squeeze %dma_wait3A_324 : memref<1x128x128xbf16, #tpu.memory_space<vmem>> -> memref<128x128xbf16, #tpu.memory_space<vmem>>
      %dma_wait3A_326 = arith.constant 0 : i32
      %dma_wait3A_327 = tpu.memref_slice %arg5[%arg0, %add3A_287, %dma_wait3A_326] : memref<2x10240x128xbf16, #tpu.memory_space<hbm>> -> memref<1x128x128xbf16, #tpu.memory_space<hbm>>
      %dma_wait3A_328 = tpu.memref_squeeze %dma_wait3A_327 : memref<1x128x128xbf16, #tpu.memory_space<hbm>> -> memref<128x128xbf16, #tpu.memory_space<hbm>>
      %dma_wait3A_329 = arith.constant 0 : i32
      %dma_wait3A_330 = tpu.memref_slice %arg5[%arg0, %add3A_287, %dma_wait3A_329] : memref<2x10240x128xbf16, #tpu.memory_space<hbm>> -> memref<1x128x128xbf16, #tpu.memory_space<hbm>>
      %dma_wait3A_331 = tpu.memref_squeeze %dma_wait3A_330 : memref<1x128x128xbf16, #tpu.memory_space<hbm>> -> memref<128x128xbf16, #tpu.memory_space<hbm>>
      %dma_wait3A_332 = arith.constant 0 : i32
      %dma_wait3A_333 = arith.constant 0 : i32
      %dma_wait3A_334 = tpu.memref_slice %arg8[%run_scoped3A_288, %dma_wait3A_332, %dma_wait3A_333] : memref<2x128x128xbf16, #tpu.memory_space<vmem>> -> memref<1x128x128xbf16, #tpu.memory_space<vmem>>
      %dma_wait3A_335 = tpu.memref_squeeze %dma_wait3A_334 : memref<1x128x128xbf16, #tpu.memory_space<vmem>> -> memref<128x128xbf16, #tpu.memory_space<vmem>>
      tpu.wait_dma2 semaphore(%run_scoped3A_307 : memref<!tpu.dma_semaphore, #tpu.memory_space<semaphore_mem>>) src(%dma_wait3A_335 : memref<128x128xbf16, #tpu.memory_space<vmem>>) dst(%dma_wait3A_331 : memref<128x128xbf16, #tpu.memory_space<hbm>>)
      tpu.yield
    }) : () -> ()
    %add3A_289 = arith.constant 256 : i32
    %add3A_290 = arith.addi %mul3A_7, %add3A_289 : i32
    %run_scoped3A_291 = arith.constant 0 : i32
    "tpu.region"() ({
      %run_scoped3A_307 = tpu.sem_alloc : memref<!tpu.dma_semaphore, #tpu.memory_space<semaphore_mem>>
      %dma_start3A_308 = arith.constant 0 : i32
      %dma_start3A_309 = arith.constant 0 : i32
      %dma_start3A_310 = tpu.memref_slice %arg8[%run_scoped3A_291, %dma_start3A_308, %dma_start3A_309] : memref<2x128x128xbf16, #tpu.memory_space<vmem>> -> memref<1x128x128xbf16, #tpu.memory_space<vmem>>
      %dma_start3A_311 = tpu.memref_squeeze %dma_start3A_310 : memref<1x128x128xbf16, #tpu.memory_space<vmem>> -> memref<128x128xbf16, #tpu.memory_space<vmem>>
      %dma_start3A_312 = arith.constant 0 : i32
      %dma_start3A_313 = tpu.memref_slice %arg9[%add3A_290, %dma_start3A_312] : memref<10240x128xbf16, #tpu.memory_space<vmem_shared>> -> memref<128x128xbf16, #tpu.memory_space<vmem_shared>>
      %dma_start3A_314 = arith.constant 0 : i32
      %dma_start3A_315 = arith.constant 0 : i32
      %dma_start3A_316 = tpu.memref_slice %arg8[%run_scoped3A_291, %dma_start3A_314, %dma_start3A_315] : memref<2x128x128xbf16, #tpu.memory_space<vmem>> -> memref<1x128x128xbf16, #tpu.memory_space<vmem>>
      %dma_start3A_317 = tpu.memref_squeeze %dma_start3A_316 : memref<1x128x128xbf16, #tpu.memory_space<vmem>> -> memref<128x128xbf16, #tpu.memory_space<vmem>>
      %dma_start3A_318 = arith.constant 0 : i32
      %dma_start3A_319 = tpu.memref_slice %arg9[%add3A_290, %dma_start3A_318] : memref<10240x128xbf16, #tpu.memory_space<vmem_shared>> -> memref<128x128xbf16, #tpu.memory_space<vmem_shared>>
      tpu.enqueue_dma source(%dma_start3A_319 : memref<128x128xbf16, #tpu.memory_space<vmem_shared>>) target(%dma_start3A_317 : memref<128x128xbf16, #tpu.memory_space<vmem>>) target_semaphore(%run_scoped3A_307 : memref<!tpu.dma_semaphore, #tpu.memory_space<semaphore_mem>>)
      %dma_wait3A_320 = arith.constant 0 : i32
      %dma_wait3A_321 = arith.constant 0 : i32
      %dma_wait3A_322 = tpu.memref_slice %arg8[%run_scoped3A_291, %dma_wait3A_320, %dma_wait3A_321] : memref<2x128x128xbf16, #tpu.memory_space<vmem>> -> memref<1x128x128xbf16, #tpu.memory_space<vmem>>
      %dma_wait3A_323 = tpu.memref_squeeze %dma_wait3A_322 : memref<1x128x128xbf16, #tpu.memory_space<vmem>> -> memref<128x128xbf16, #tpu.memory_space<vmem>>
      %dma_wait3A_324 = arith.constant 0 : i32
      %dma_wait3A_325 = tpu.memref_slice %arg9[%add3A_290, %dma_wait3A_324] : memref<10240x128xbf16, #tpu.memory_space<vmem_shared>> -> memref<128x128xbf16, #tpu.memory_space<vmem_shared>>
      %dma_wait3A_326 = arith.constant 0 : i32
      %dma_wait3A_327 = arith.constant 0 : i32
      %dma_wait3A_328 = tpu.memref_slice %arg8[%run_scoped3A_291, %dma_wait3A_326, %dma_wait3A_327] : memref<2x128x128xbf16, #tpu.memory_space<vmem>> -> memref<1x128x128xbf16, #tpu.memory_space<vmem>>
      %dma_wait3A_329 = tpu.memref_squeeze %dma_wait3A_328 : memref<1x128x128xbf16, #tpu.memory_space<vmem>> -> memref<128x128xbf16, #tpu.memory_space<vmem>>
      %dma_wait3A_330 = arith.constant 0 : i32
      %dma_wait3A_331 = tpu.memref_slice %arg9[%add3A_290, %dma_wait3A_330] : memref<10240x128xbf16, #tpu.memory_space<vmem_shared>> -> memref<128x128xbf16, #tpu.memory_space<vmem_shared>>
      tpu.wait_dma2 semaphore(%run_scoped3A_307 : memref<!tpu.dma_semaphore, #tpu.memory_space<semaphore_mem>>) src(%dma_wait3A_331 : memref<128x128xbf16, #tpu.memory_space<vmem_shared>>) dst(%dma_wait3A_329 : memref<128x128xbf16, #tpu.memory_space<vmem>>)
      tpu.yield
    }) : () -> ()
    %add3A_292 = arith.constant 256 : i32
    %add3A_293 = arith.addi %mul3A_7, %add3A_292 : i32
    %run_scoped3A_294 = arith.constant 0 : i32
    "tpu.region"() ({
      %run_scoped3A_307 = tpu.sem_alloc : memref<!tpu.dma_semaphore, #tpu.memory_space<semaphore_mem>>
      %dma_start3A_308 = arith.constant 0 : i32
      %dma_start3A_309 = arith.constant 0 : i32
      %dma_start3A_310 = tpu.memref_slice %arg8[%run_scoped3A_294, %dma_start3A_308, %dma_start3A_309] : memref<2x128x128xbf16, #tpu.memory_space<vmem>> -> memref<1x128x128xbf16, #tpu.memory_space<vmem>>
      %dma_start3A_311 = tpu.memref_squeeze %dma_start3A_310 : memref<1x128x128xbf16, #tpu.memory_space<vmem>> -> memref<128x128xbf16, #tpu.memory_space<vmem>>
      %dma_start3A_312 = arith.constant 0 : i32
      %dma_start3A_313 = tpu.memref_slice %arg5[%arg0, %add3A_293, %dma_start3A_312] : memref<2x10240x128xbf16, #tpu.memory_space<hbm>> -> memref<1x128x128xbf16, #tpu.memory_space<hbm>>
      %dma_start3A_314 = tpu.memref_squeeze %dma_start3A_313 : memref<1x128x128xbf16, #tpu.memory_space<hbm>> -> memref<128x128xbf16, #tpu.memory_space<hbm>>
      %dma_start3A_315 = arith.constant 0 : i32
      %dma_start3A_316 = tpu.memref_slice %arg5[%arg0, %add3A_293, %dma_start3A_315] : memref<2x10240x128xbf16, #tpu.memory_space<hbm>> -> memref<1x128x128xbf16, #tpu.memory_space<hbm>>
      %dma_start3A_317 = tpu.memref_squeeze %dma_start3A_316 : memref<1x128x128xbf16, #tpu.memory_space<hbm>> -> memref<128x128xbf16, #tpu.memory_space<hbm>>
      %dma_start3A_318 = arith.constant 0 : i32
      %dma_start3A_319 = arith.constant 0 : i32
      %dma_start3A_320 = tpu.memref_slice %arg8[%run_scoped3A_294, %dma_start3A_318, %dma_start3A_319] : memref<2x128x128xbf16, #tpu.memory_space<vmem>> -> memref<1x128x128xbf16, #tpu.memory_space<vmem>>
      %dma_start3A_321 = tpu.memref_squeeze %dma_start3A_320 : memref<1x128x128xbf16, #tpu.memory_space<vmem>> -> memref<128x128xbf16, #tpu.memory_space<vmem>>
      tpu.enqueue_dma source(%dma_start3A_321 : memref<128x128xbf16, #tpu.memory_space<vmem>>) target(%dma_start3A_317 : memref<128x128xbf16, #tpu.memory_space<hbm>>) target_semaphore(%run_scoped3A_307 : memref<!tpu.dma_semaphore, #tpu.memory_space<semaphore_mem>>)
      %dma_wait3A_322 = arith.constant 0 : i32
      %dma_wait3A_323 = arith.constant 0 : i32
      %dma_wait3A_324 = tpu.memref_slice %arg8[%run_scoped3A_294, %dma_wait3A_322, %dma_wait3A_323] : memref<2x128x128xbf16, #tpu.memory_space<vmem>> -> memref<1x128x128xbf16, #tpu.memory_space<vmem>>
      %dma_wait3A_325 = tpu.memref_squeeze %dma_wait3A_324 : memref<1x128x128xbf16, #tpu.memory_space<vmem>> -> memref<128x128xbf16, #tpu.memory_space<vmem>>
      %dma_wait3A_326 = arith.constant 0 : i32
      %dma_wait3A_327 = tpu.memref_slice %arg5[%arg0, %add3A_293, %dma_wait3A_326] : memref<2x10240x128xbf16, #tpu.memory_space<hbm>> -> memref<1x128x128xbf16, #tpu.memory_space<hbm>>
      %dma_wait3A_328 = tpu.memref_squeeze %dma_wait3A_327 : memref<1x128x128xbf16, #tpu.memory_space<hbm>> -> memref<128x128xbf16, #tpu.memory_space<hbm>>
      %dma_wait3A_329 = arith.constant 0 : i32
      %dma_wait3A_330 = tpu.memref_slice %arg5[%arg0, %add3A_293, %dma_wait3A_329] : memref<2x10240x128xbf16, #tpu.memory_space<hbm>> -> memref<1x128x128xbf16, #tpu.memory_space<hbm>>
      %dma_wait3A_331 = tpu.memref_squeeze %dma_wait3A_330 : memref<1x128x128xbf16, #tpu.memory_space<hbm>> -> memref<128x128xbf16, #tpu.memory_space<hbm>>
      %dma_wait3A_332 = arith.constant 0 : i32
      %dma_wait3A_333 = arith.constant 0 : i32
      %dma_wait3A_334 = tpu.memref_slice %arg8[%run_scoped3A_294, %dma_wait3A_332, %dma_wait3A_333] : memref<2x128x128xbf16, #tpu.memory_space<vmem>> -> memref<1x128x128xbf16, #tpu.memory_space<vmem>>
      %dma_wait3A_335 = tpu.memref_squeeze %dma_wait3A_334 : memref<1x128x128xbf16, #tpu.memory_space<vmem>> -> memref<128x128xbf16, #tpu.memory_space<vmem>>
      tpu.wait_dma2 semaphore(%run_scoped3A_307 : memref<!tpu.dma_semaphore, #tpu.memory_space<semaphore_mem>>) src(%dma_wait3A_335 : memref<128x128xbf16, #tpu.memory_space<vmem>>) dst(%dma_wait3A_331 : memref<128x128xbf16, #tpu.memory_space<hbm>>)
      tpu.yield
    }) : () -> ()
    %add3A_295 = arith.constant 384 : i32
    %add3A_296 = arith.addi %mul3A_7, %add3A_295 : i32
    %run_scoped3A_297 = arith.constant 0 : i32
    "tpu.region"() ({
      %run_scoped3A_307 = tpu.sem_alloc : memref<!tpu.dma_semaphore, #tpu.memory_space<semaphore_mem>>
      %dma_start3A_308 = arith.constant 0 : i32
      %dma_start3A_309 = arith.constant 0 : i32
      %dma_start3A_310 = tpu.memref_slice %arg8[%run_scoped3A_297, %dma_start3A_308, %dma_start3A_309] : memref<2x128x128xbf16, #tpu.memory_space<vmem>> -> memref<1x128x128xbf16, #tpu.memory_space<vmem>>
      %dma_start3A_311 = tpu.memref_squeeze %dma_start3A_310 : memref<1x128x128xbf16, #tpu.memory_space<vmem>> -> memref<128x128xbf16, #tpu.memory_space<vmem>>
      %dma_start3A_312 = arith.constant 0 : i32
      %dma_start3A_313 = tpu.memref_slice %arg9[%add3A_296, %dma_start3A_312] : memref<10240x128xbf16, #tpu.memory_space<vmem_shared>> -> memref<128x128xbf16, #tpu.memory_space<vmem_shared>>
      %dma_start3A_314 = arith.constant 0 : i32
      %dma_start3A_315 = arith.constant 0 : i32
      %dma_start3A_316 = tpu.memref_slice %arg8[%run_scoped3A_297, %dma_start3A_314, %dma_start3A_315] : memref<2x128x128xbf16, #tpu.memory_space<vmem>> -> memref<1x128x128xbf16, #tpu.memory_space<vmem>>
      %dma_start3A_317 = tpu.memref_squeeze %dma_start3A_316 : memref<1x128x128xbf16, #tpu.memory_space<vmem>> -> memref<128x128xbf16, #tpu.memory_space<vmem>>
      %dma_start3A_318 = arith.constant 0 : i32
      %dma_start3A_319 = tpu.memref_slice %arg9[%add3A_296, %dma_start3A_318] : memref<10240x128xbf16, #tpu.memory_space<vmem_shared>> -> memref<128x128xbf16, #tpu.memory_space<vmem_shared>>
      tpu.enqueue_dma source(%dma_start3A_319 : memref<128x128xbf16, #tpu.memory_space<vmem_shared>>) target(%dma_start3A_317 : memref<128x128xbf16, #tpu.memory_space<vmem>>) target_semaphore(%run_scoped3A_307 : memref<!tpu.dma_semaphore, #tpu.memory_space<semaphore_mem>>)
      %dma_wait3A_320 = arith.constant 0 : i32
      %dma_wait3A_321 = arith.constant 0 : i32
      %dma_wait3A_322 = tpu.memref_slice %arg8[%run_scoped3A_297, %dma_wait3A_320, %dma_wait3A_321] : memref<2x128x128xbf16, #tpu.memory_space<vmem>> -> memref<1x128x128xbf16, #tpu.memory_space<vmem>>
      %dma_wait3A_323 = tpu.memref_squeeze %dma_wait3A_322 : memref<1x128x128xbf16, #tpu.memory_space<vmem>> -> memref<128x128xbf16, #tpu.memory_space<vmem>>
      %dma_wait3A_324 = arith.constant 0 : i32
      %dma_wait3A_325 = tpu.memref_slice %arg9[%add3A_296, %dma_wait3A_324] : memref<10240x128xbf16, #tpu.memory_space<vmem_shared>> -> memref<128x128xbf16, #tpu.memory_space<vmem_shared>>
      %dma_wait3A_326 = arith.constant 0 : i32
      %dma_wait3A_327 = arith.constant 0 : i32
      %dma_wait3A_328 = tpu.memref_slice %arg8[%run_scoped3A_297, %dma_wait3A_326, %dma_wait3A_327] : memref<2x128x128xbf16, #tpu.memory_space<vmem>> -> memref<1x128x128xbf16, #tpu.memory_space<vmem>>
      %dma_wait3A_329 = tpu.memref_squeeze %dma_wait3A_328 : memref<1x128x128xbf16, #tpu.memory_space<vmem>> -> memref<128x128xbf16, #tpu.memory_space<vmem>>
      %dma_wait3A_330 = arith.constant 0 : i32
      %dma_wait3A_331 = tpu.memref_slice %arg9[%add3A_296, %dma_wait3A_330] : memref<10240x128xbf16, #tpu.memory_space<vmem_shared>> -> memref<128x128xbf16, #tpu.memory_space<vmem_shared>>
      tpu.wait_dma2 semaphore(%run_scoped3A_307 : memref<!tpu.dma_semaphore, #tpu.memory_space<semaphore_mem>>) src(%dma_wait3A_331 : memref<128x128xbf16, #tpu.memory_space<vmem_shared>>) dst(%dma_wait3A_329 : memref<128x128xbf16, #tpu.memory_space<vmem>>)
      tpu.yield
    }) : () -> ()
    %add3A_298 = arith.constant 384 : i32
    %add3A_299 = arith.addi %mul3A_7, %add3A_298 : i32
    %run_scoped3A_300 = arith.constant 0 : i32
    "tpu.region"() ({
      %run_scoped3A_307 = tpu.sem_alloc : memref<!tpu.dma_semaphore, #tpu.memory_space<semaphore_mem>>
      %dma_start3A_308 = arith.constant 0 : i32
      %dma_start3A_309 = arith.constant 0 : i32
      %dma_start3A_310 = tpu.memref_slice %arg8[%run_scoped3A_300, %dma_start3A_308, %dma_start3A_309] : memref<2x128x128xbf16, #tpu.memory_space<vmem>> -> memref<1x128x128xbf16, #tpu.memory_space<vmem>>
      %dma_start3A_311 = tpu.memref_squeeze %dma_start3A_310 : memref<1x128x128xbf16, #tpu.memory_space<vmem>> -> memref<128x128xbf16, #tpu.memory_space<vmem>>
      %dma_start3A_312 = arith.constant 0 : i32
      %dma_start3A_313 = tpu.memref_slice %arg5[%arg0, %add3A_299, %dma_start3A_312] : memref<2x10240x128xbf16, #tpu.memory_space<hbm>> -> memref<1x128x128xbf16, #tpu.memory_space<hbm>>
      %dma_start3A_314 = tpu.memref_squeeze %dma_start3A_313 : memref<1x128x128xbf16, #tpu.memory_space<hbm>> -> memref<128x128xbf16, #tpu.memory_space<hbm>>
      %dma_start3A_315 = arith.constant 0 : i32
      %dma_start3A_316 = tpu.memref_slice %arg5[%arg0, %add3A_299, %dma_start3A_315] : memref<2x10240x128xbf16, #tpu.memory_space<hbm>> -> memref<1x128x128xbf16, #tpu.memory_space<hbm>>
      %dma_start3A_317 = tpu.memref_squeeze %dma_start3A_316 : memref<1x128x128xbf16, #tpu.memory_space<hbm>> -> memref<128x128xbf16, #tpu.memory_space<hbm>>
      %dma_start3A_318 = arith.constant 0 : i32
      %dma_start3A_319 = arith.constant 0 : i32
      %dma_start3A_320 = tpu.memref_slice %arg8[%run_scoped3A_300, %dma_start3A_318, %dma_start3A_319] : memref<2x128x128xbf16, #tpu.memory_space<vmem>> -> memref<1x128x128xbf16, #tpu.memory_space<vmem>>
      %dma_start3A_321 = tpu.memref_squeeze %dma_start3A_320 : memref<1x128x128xbf16, #tpu.memory_space<vmem>> -> memref<128x128xbf16, #tpu.memory_space<vmem>>
      tpu.enqueue_dma source(%dma_start3A_321 : memref<128x128xbf16, #tpu.memory_space<vmem>>) target(%dma_start3A_317 : memref<128x128xbf16, #tpu.memory_space<hbm>>) target_semaphore(%run_scoped3A_307 : memref<!tpu.dma_semaphore, #tpu.memory_space<semaphore_mem>>)
      %dma_wait3A_322 = arith.constant 0 : i32
      %dma_wait3A_323 = arith.constant 0 : i32
      %dma_wait3A_324 = tpu.memref_slice %arg8[%run_scoped3A_300, %dma_wait3A_322, %dma_wait3A_323] : memref<2x128x128xbf16, #tpu.memory_space<vmem>> -> memref<1x128x128xbf16, #tpu.memory_space<vmem>>
      %dma_wait3A_325 = tpu.memref_squeeze %dma_wait3A_324 : memref<1x128x128xbf16, #tpu.memory_space<vmem>> -> memref<128x128xbf16, #tpu.memory_space<vmem>>
      %dma_wait3A_326 = arith.constant 0 : i32
      %dma_wait3A_327 = tpu.memref_slice %arg5[%arg0, %add3A_299, %dma_wait3A_326] : memref<2x10240x128xbf16, #tpu.memory_space<hbm>> -> memref<1x128x128xbf16, #tpu.memory_space<hbm>>
      %dma_wait3A_328 = tpu.memref_squeeze %dma_wait3A_327 : memref<1x128x128xbf16, #tpu.memory_space<hbm>> -> memref<128x128xbf16, #tpu.memory_space<hbm>>
      %dma_wait3A_329 = arith.constant 0 : i32
      %dma_wait3A_330 = tpu.memref_slice %arg5[%arg0, %add3A_299, %dma_wait3A_329] : memref<2x10240x128xbf16, #tpu.memory_space<hbm>> -> memref<1x128x128xbf16, #tpu.memory_space<hbm>>
      %dma_wait3A_331 = tpu.memref_squeeze %dma_wait3A_330 : memref<1x128x128xbf16, #tpu.memory_space<hbm>> -> memref<128x128xbf16, #tpu.memory_space<hbm>>
      %dma_wait3A_332 = arith.constant 0 : i32
      %dma_wait3A_333 = arith.constant 0 : i32
      %dma_wait3A_334 = tpu.memref_slice %arg8[%run_scoped3A_300, %dma_wait3A_332, %dma_wait3A_333] : memref<2x128x128xbf16, #tpu.memory_space<vmem>> -> memref<1x128x128xbf16, #tpu.memory_space<vmem>>
      %dma_wait3A_335 = tpu.memref_squeeze %dma_wait3A_334 : memref<1x128x128xbf16, #tpu.memory_space<vmem>> -> memref<128x128xbf16, #tpu.memory_space<vmem>>
      tpu.wait_dma2 semaphore(%run_scoped3A_307 : memref<!tpu.dma_semaphore, #tpu.memory_space<semaphore_mem>>) src(%dma_wait3A_335 : memref<128x128xbf16, #tpu.memory_space<vmem>>) dst(%dma_wait3A_331 : memref<128x128xbf16, #tpu.memory_space<hbm>>)
      tpu.yield
    }) : () -> ()
    %add3A_301 = arith.constant 512 : i32
    %add3A_302 = arith.addi %mul3A_7, %add3A_301 : i32
    %run_scoped3A_303 = arith.constant 0 : i32
    "tpu.region"() ({
      %run_scoped3A_307 = tpu.sem_alloc : memref<!tpu.dma_semaphore, #tpu.memory_space<semaphore_mem>>
      %dma_start3A_308 = arith.constant 0 : i32
      %dma_start3A_309 = arith.constant 0 : i32
      %dma_start3A_310 = tpu.memref_slice %arg8[%run_scoped3A_303, %dma_start3A_308, %dma_start3A_309] : memref<2x128x128xbf16, #tpu.memory_space<vmem>> -> memref<1x128x128xbf16, #tpu.memory_space<vmem>>
      %dma_start3A_311 = tpu.memref_squeeze %dma_start3A_310 : memref<1x128x128xbf16, #tpu.memory_space<vmem>> -> memref<128x128xbf16, #tpu.memory_space<vmem>>
      %dma_start3A_312 = arith.constant 0 : i32
      %dma_start3A_313 = tpu.memref_slice %arg9[%add3A_302, %dma_start3A_312] : memref<10240x128xbf16, #tpu.memory_space<vmem_shared>> -> memref<128x128xbf16, #tpu.memory_space<vmem_shared>>
      %dma_start3A_314 = arith.constant 0 : i32
      %dma_start3A_315 = arith.constant 0 : i32
      %dma_start3A_316 = tpu.memref_slice %arg8[%run_scoped3A_303, %dma_start3A_314, %dma_start3A_315] : memref<2x128x128xbf16, #tpu.memory_space<vmem>> -> memref<1x128x128xbf16, #tpu.memory_space<vmem>>
      %dma_start3A_317 = tpu.memref_squeeze %dma_start3A_316 : memref<1x128x128xbf16, #tpu.memory_space<vmem>> -> memref<128x128xbf16, #tpu.memory_space<vmem>>
      %dma_start3A_318 = arith.constant 0 : i32
      %dma_start3A_319 = tpu.memref_slice %arg9[%add3A_302, %dma_start3A_318] : memref<10240x128xbf16, #tpu.memory_space<vmem_shared>> -> memref<128x128xbf16, #tpu.memory_space<vmem_shared>>
      tpu.enqueue_dma source(%dma_start3A_319 : memref<128x128xbf16, #tpu.memory_space<vmem_shared>>) target(%dma_start3A_317 : memref<128x128xbf16, #tpu.memory_space<vmem>>) target_semaphore(%run_scoped3A_307 : memref<!tpu.dma_semaphore, #tpu.memory_space<semaphore_mem>>)
      %dma_wait3A_320 = arith.constant 0 : i32
      %dma_wait3A_321 = arith.constant 0 : i32
      %dma_wait3A_322 = tpu.memref_slice %arg8[%run_scoped3A_303, %dma_wait3A_320, %dma_wait3A_321] : memref<2x128x128xbf16, #tpu.memory_space<vmem>> -> memref<1x128x128xbf16, #tpu.memory_space<vmem>>
      %dma_wait3A_323 = tpu.memref_squeeze %dma_wait3A_322 : memref<1x128x128xbf16, #tpu.memory_space<vmem>> -> memref<128x128xbf16, #tpu.memory_space<vmem>>
      %dma_wait3A_324 = arith.constant 0 : i32
      %dma_wait3A_325 = tpu.memref_slice %arg9[%add3A_302, %dma_wait3A_324] : memref<10240x128xbf16, #tpu.memory_space<vmem_shared>> -> memref<128x128xbf16, #tpu.memory_space<vmem_shared>>
      %dma_wait3A_326 = arith.constant 0 : i32
      %dma_wait3A_327 = arith.constant 0 : i32
      %dma_wait3A_328 = tpu.memref_slice %arg8[%run_scoped3A_303, %dma_wait3A_326, %dma_wait3A_327] : memref<2x128x128xbf16, #tpu.memory_space<vmem>> -> memref<1x128x128xbf16, #tpu.memory_space<vmem>>
      %dma_wait3A_329 = tpu.memref_squeeze %dma_wait3A_328 : memref<1x128x128xbf16, #tpu.memory_space<vmem>> -> memref<128x128xbf16, #tpu.memory_space<vmem>>
      %dma_wait3A_330 = arith.constant 0 : i32
      %dma_wait3A_331 = tpu.memref_slice %arg9[%add3A_302, %dma_wait3A_330] : memref<10240x128xbf16, #tpu.memory_space<vmem_shared>> -> memref<128x128xbf16, #tpu.memory_space<vmem_shared>>
      tpu.wait_dma2 semaphore(%run_scoped3A_307 : memref<!tpu.dma_semaphore, #tpu.memory_space<semaphore_mem>>) src(%dma_wait3A_331 : memref<128x128xbf16, #tpu.memory_space<vmem_shared>>) dst(%dma_wait3A_329 : memref<128x128xbf16, #tpu.memory_space<vmem>>)
      tpu.yield
    }) : () -> ()
    %add3A_304 = arith.constant 512 : i32
    %add3A_305 = arith.addi %mul3A_7, %add3A_304 : i32
    %run_scoped3A_306 = arith.constant 0 : i32
    "tpu.region"() ({
      %run_scoped3A_307 = tpu.sem_alloc : memref<!tpu.dma_semaphore, #tpu.memory_space<semaphore_mem>>
      %dma_start3A_308 = arith.constant 0 : i32
      %dma_start3A_309 = arith.constant 0 : i32
      %dma_start3A_310 = tpu.memref_slice %arg8[%run_scoped3A_306, %dma_start3A_308, %dma_start3A_309] : memref<2x128x128xbf16, #tpu.memory_space<vmem>> -> memref<1x128x128xbf16, #tpu.memory_space<vmem>>
      %dma_start3A_311 = tpu.memref_squeeze %dma_start3A_310 : memref<1x128x128xbf16, #tpu.memory_space<vmem>> -> memref<128x128xbf16, #tpu.memory_space<vmem>>
      %dma_start3A_312 = arith.constant 0 : i32
      %dma_start3A_313 = tpu.memref_slice %arg5[%arg0, %add3A_305, %dma_start3A_312] : memref<2x10240x128xbf16, #tpu.memory_space<hbm>> -> memref<1x128x128xbf16, #tpu.memory_space<hbm>>
      %dma_start3A_314 = tpu.memref_squeeze %dma_start3A_313 : memref<1x128x128xbf16, #tpu.memory_space<hbm>> -> memref<128x128xbf16, #tpu.memory_space<hbm>>
      %dma_start3A_315 = arith.constant 0 : i32
      %dma_start3A_316 = tpu.memref_slice %arg5[%arg0, %add3A_305, %dma_start3A_315] : memref<2x10240x128xbf16, #tpu.memory_space<hbm>> -> memref<1x128x128xbf16, #tpu.memory_space<hbm>>
      %dma_start3A_317 = tpu.memref_squeeze %dma_start3A_316 : memref<1x128x128xbf16, #tpu.memory_space<hbm>> -> memref<128x128xbf16, #tpu.memory_space<hbm>>
      %dma_start3A_318 = arith.constant 0 : i32
      %dma_start3A_319 = arith.constant 0 : i32
      %dma_start3A_320 = tpu.memref_slice %arg8[%run_scoped3A_306, %dma_start3A_318, %dma_start3A_319] : memref<2x128x128xbf16, #tpu.memory_space<vmem>> -> memref<1x128x128xbf16, #tpu.memory_space<vmem>>
      %dma_start3A_321 = tpu.memref_squeeze %dma_start3A_320 : memref<1x128x128xbf16, #tpu.memory_space<vmem>> -> memref<128x128xbf16, #tpu.memory_space<vmem>>
      tpu.enqueue_dma source(%dma_start3A_321 : memref<128x128xbf16, #tpu.memory_space<vmem>>) target(%dma_start3A_317 : memref<128x128xbf16, #tpu.memory_space<hbm>>) target_semaphore(%run_scoped3A_307 : memref<!tpu.dma_semaphore, #tpu.memory_space<semaphore_mem>>)
      %dma_wait3A_322 = arith.constant 0 : i32
      %dma_wait3A_323 = arith.constant 0 : i32
      %dma_wait3A_324 = tpu.memref_slice %arg8[%run_scoped3A_306, %dma_wait3A_322, %dma_wait3A_323] : memref<2x128x128xbf16, #tpu.memory_space<vmem>> -> memref<1x128x128xbf16, #tpu.memory_space<vmem>>
      %dma_wait3A_325 = tpu.memref_squeeze %dma_wait3A_324 : memref<1x128x128xbf16, #tpu.memory_space<vmem>> -> memref<128x128xbf16, #tpu.memory_space<vmem>>
      %dma_wait3A_326 = arith.constant 0 : i32
      %dma_wait3A_327 = tpu.memref_slice %arg5[%arg0, %add3A_305, %dma_wait3A_326] : memref<2x10240x128xbf16, #tpu.memory_space<hbm>> -> memref<1x128x128xbf16, #tpu.memory_space<hbm>>
      %dma_wait3A_328 = tpu.memref_squeeze %dma_wait3A_327 : memref<1x128x128xbf16, #tpu.memory_space<hbm>> -> memref<128x128xbf16, #tpu.memory_space<hbm>>
      %dma_wait3A_329 = arith.constant 0 : i32
      %dma_wait3A_330 = tpu.memref_slice %arg5[%arg0, %add3A_305, %dma_wait3A_329] : memref<2x10240x128xbf16, #tpu.memory_space<hbm>> -> memref<1x128x128xbf16, #tpu.memory_space<hbm>>
      %dma_wait3A_331 = tpu.memref_squeeze %dma_wait3A_330 : memref<1x128x128xbf16, #tpu.memory_space<hbm>> -> memref<128x128xbf16, #tpu.memory_space<hbm>>
      %dma_wait3A_332 = arith.constant 0 : i32
      %dma_wait3A_333 = arith.constant 0 : i32
      %dma_wait3A_334 = tpu.memref_slice %arg8[%run_scoped3A_306, %dma_wait3A_332, %dma_wait3A_333] : memref<2x128x128xbf16, #tpu.memory_space<vmem>> -> memref<1x128x128xbf16, #tpu.memory_space<vmem>>
      %dma_wait3A_335 = tpu.memref_squeeze %dma_wait3A_334 : memref<1x128x128xbf16, #tpu.memory_space<vmem>> -> memref<128x128xbf16, #tpu.memory_space<vmem>>
      tpu.wait_dma2 semaphore(%run_scoped3A_307 : memref<!tpu.dma_semaphore, #tpu.memory_space<semaphore_mem>>) src(%dma_wait3A_335 : memref<128x128xbf16, #tpu.memory_space<vmem>>) dst(%dma_wait3A_331 : memref<128x128xbf16, #tpu.memory_space<hbm>>)
      tpu.yield
    }) : () -> ()
    return
  }
}

module attributes {stable_mosaic.version = 14 : i64} {
  func.func @_scale_body(%arg0: i32, %arg1: memref<400x128xf32, #tpu.memory_space<vmem>>, %arg2: memref<400x1xf32, #tpu.memory_space<vmem>>, %arg3: memref<400x1xf32, #tpu.memory_space<vmem>>, %arg4: memref<400x128xbf16, #tpu.memory_space<vmem>>) attributes {dimension_semantics = [#tpu.dimension_semantics<arbitrary>], iteration_bounds = array<i64: 25>, scalar_prefetch = 0 : i64, scratch_operands = 0 : i64, tpu.core_type = #tpu.core_type<tc>, window_params = [{transform_indices = @transform_0, window_bounds = array<i64: 400, 128>}, {transform_indices = @transform_1, window_bounds = array<i64: 400, 1>}, {transform_indices = @transform_2, window_bounds = array<i64: 400, 1>}, {transform_indices = @transform_3, window_bounds = array<i64: 400, 128>}]} {
    %get3A = arith.constant 0 : index
    %get3A_0 = arith.constant 0 : index
    %get3A_1 = vector.load %arg2[%get3A, %get3A_0] : memref<400x1xf32, #tpu.memory_space<vmem>>, vector<400x1xf32>
    %get3A_2 = arith.constant 0 : index
    %get3A_3 = arith.constant 0 : index
    %get3A_4 = vector.load %arg3[%get3A_2, %get3A_3] : memref<400x1xf32, #tpu.memory_space<vmem>>, vector<400x1xf32>
    %add3A = arith.addf %get3A_1, %get3A_4 : vector<400x1xf32>
    %get3A_5 = arith.constant 0 : index
    %get3A_6 = arith.constant 0 : index
    %get3A_7 = vector.load %arg1[%get3A_5, %get3A_6] : memref<400x128xf32, #tpu.memory_space<vmem>>, vector<400x128xf32>
    %gt3A = arith.constant 0.000000e+00 : f32
    %gt3A_8 = vector.broadcast %gt3A : f32 to vector<400x1xf32>
    %gt3A_9 = arith.cmpf ogt, %add3A, %gt3A_8 : vector<400x1xf32>
    %max3A = arith.constant 9.99999996E-13 : f32
    %max3A_10 = vector.broadcast %max3A : f32 to vector<400x1xf32>
    %max3A_11 = arith.maximumf %add3A, %max3A_10 : vector<400x1xf32>
    %rsqrt3A = math.rsqrt %max3A_11 : vector<400x1xf32>
    %jit3A = arith.constant 0.000000e+00 : f32
    %broadcast_in_dim3A = vector.broadcast %jit3A : f32 to vector<400x1xf32>
    %select_n3A = arith.select %gt3A_9, %rsqrt3A, %broadcast_in_dim3A : vector<400x1xi1>, vector<400x1xf32>
    %mul3A = vector.broadcast %select_n3A : vector<400x1xf32> to vector<400x128xf32>
    %mul3A_12 = arith.mulf %get3A_7, %mul3A : vector<400x128xf32>
    %convert_element_type3A = arith.truncf %mul3A_12 : vector<400x128xf32> to vector<400x128xbf16>
    %swap3A = arith.constant 0 : index
    %swap3A_13 = arith.constant 0 : index
    %swap3A_14 = vector.load %arg4[%swap3A, %swap3A_13] : memref<400x128xbf16, #tpu.memory_space<vmem>>, vector<400x128xbf16>
    tpu.vector_store %arg4[%swap3A, %swap3A_13], %convert_element_type3A {strides = array<i32>} : memref<400x128xbf16, #tpu.memory_space<vmem>>, vector<400x128xbf16>,
    return
  }
  func.func @transform_0(%arg0: i32) -> (i32, i32) {
    %c0_i32 = arith.constant 0 : i32
    %c0_i32_0 = arith.constant 0 : i32
    return %arg0, %c0_i32 : i32, i32
  }
  func.func @transform_1(%arg0: i32) -> (i32, i32) {
    %c0_i32 = arith.constant 0 : i32
    %c0_i32_0 = arith.constant 0 : i32
    return %arg0, %c0_i32 : i32, i32
  }
  func.func @transform_2(%arg0: i32) -> (i32, i32) {
    %c0_i32 = arith.constant 0 : i32
    %c0_i32_0 = arith.constant 0 : i32
    return %arg0, %c0_i32 : i32, i32
  }
  func.func @transform_3(%arg0: i32) -> (i32, i32) {
    %c0_i32 = arith.constant 0 : i32
    %c0_i32_0 = arith.constant 0 : i32
    return %arg0, %c0_i32 : i32, i32
  }
}

module attributes {stable_mosaic.version = 14 : i64} {
  func.func @_mm_body(%arg0: i32, %arg1: memref<400x128xbf16, #tpu.memory_space<vmem>>, %arg2: memref<400x128xbf16, #tpu.memory_space<vmem>>, %arg3: memref<400x1xf32, #tpu.memory_space<vmem>>, %arg4: memref<400x1xf32, #tpu.memory_space<vmem>>, %arg5: memref<128x1024xf32, #tpu.memory_space<vmem>>, %arg6: memref<1x1024xf32, #tpu.memory_space<vmem>>, %arg7: memref<400x1024xf32, #tpu.memory_space<vmem>>) attributes {dimension_semantics = [#tpu.dimension_semantics<arbitrary>], iteration_bounds = array<i64: 25>, scalar_prefetch = 0 : i64, scratch_operands = 0 : i64, tpu.core_type = #tpu.core_type<tc>, window_params = [{transform_indices = @transform_0, window_bounds = array<i64: 400, 128>}, {transform_indices = @transform_1, window_bounds = array<i64: 400, 128>}, {transform_indices = @transform_2, window_bounds = array<i64: 400, 1>}, {transform_indices = @transform_3, window_bounds = array<i64: 400, 1>}, {pipeline_mode = #tpu.pipeline_mode<synchronous>, transform_indices = @transform_4, window_bounds = array<i64: 128, 1024>}, {pipeline_mode = #tpu.pipeline_mode<synchronous>, transform_indices = @transform_5, window_bounds = array<i64: 1, 1024>}, {transform_indices = @transform_6, window_bounds = array<i64: 400, 1024>}]} {
    %get3A = arith.constant 0 : index
    %get3A_0 = arith.constant 0 : index
    %get3A_1 = vector.load %arg3[%get3A, %get3A_0] : memref<400x1xf32, #tpu.memory_space<vmem>>, vector<400x1xf32>
    %get3A_2 = arith.constant 0 : index
    %get3A_3 = arith.constant 0 : index
    %get3A_4 = vector.load %arg4[%get3A_2, %get3A_3] : memref<400x1xf32, #tpu.memory_space<vmem>>, vector<400x1xf32>
    %add3A = arith.addf %get3A_1, %get3A_4 : vector<400x1xf32>
    %gt3A = arith.constant 0.000000e+00 : f32
    %gt3A_5 = vector.broadcast %gt3A : f32 to vector<400x1xf32>
    %gt3A_6 = arith.cmpf ogt, %add3A, %gt3A_5 : vector<400x1xf32>
    %max3A = arith.constant 9.99999996E-13 : f32
    %max3A_7 = vector.broadcast %max3A : f32 to vector<400x1xf32>
    %max3A_8 = arith.maximumf %add3A, %max3A_7 : vector<400x1xf32>
    %rsqrt3A = math.rsqrt %max3A_8 : vector<400x1xf32>
    %jit3A = arith.constant 0.000000e+00 : f32
    %broadcast_in_dim3A = vector.broadcast %jit3A : f32 to vector<400x1xf32>
    %select_n3A = arith.select %gt3A_6, %rsqrt3A, %broadcast_in_dim3A : vector<400x1xi1>, vector<400x1xf32>
    %get3A_9 = arith.constant 0 : index
    %get3A_10 = arith.constant 0 : index
    %get3A_11 = vector.load %arg1[%get3A_9, %get3A_10] : memref<400x128xbf16, #tpu.memory_space<vmem>>, vector<400x128xbf16>
    %convert_element_type3A = arith.extf %get3A_11 : vector<400x128xbf16> to vector<400x128xf32>
    %get3A_12 = arith.constant 0 : index
    %get3A_13 = arith.constant 0 : index
    %get3A_14 = vector.load %arg2[%get3A_12, %get3A_13] : memref<400x128xbf16, #tpu.memory_space<vmem>>, vector<400x128xbf16>
    %convert_element_type3A_15 = arith.extf %get3A_14 : vector<400x128xbf16> to vector<400x128xf32>
    %add3A_16 = arith.addf %convert_element_type3A, %convert_element_type3A_15 : vector<400x128xf32>
    %mul3A = vector.broadcast %select_n3A : vector<400x1xf32> to vector<400x128xf32>
    %mul3A_17 = arith.mulf %add3A_16, %mul3A : vector<400x128xf32>
    %get3A_18 = arith.constant 0 : index
    %get3A_19 = arith.constant 0 : index
    %get3A_20 = vector.load %arg5[%get3A_18, %get3A_19] : memref<128x1024xf32, #tpu.memory_space<vmem>>, vector<128x1024xf32>
    %dot_general3A = arith.constant dense<0.000000e+00> : vector<400x1024xf32>
    %dot_general3A_21 = tpu.matmul %mul3A_17, %get3A_20, %dot_general3A {dimension_numbers = #tpu.dot_dimension_numbers<[1], [0], [0], [1], [0, 0, 1, 1], [], []>, transpose_lhs_hint = false} : vector<400x128xf32>, vector<128x1024xf32>, vector<400x1024xf32> -> vector<400x1024xf32>
    %get3A_22 = arith.constant 0 : index
    %get3A_23 = arith.constant 0 : index
    %get3A_24 = vector.load %arg6[%get3A_22, %get3A_23] : memref<1x1024xf32, #tpu.memory_space<vmem>>, vector<1x1024xf32>
    %add3A_25 = vector.broadcast %get3A_24 : vector<1x1024xf32> to vector<400x1024xf32>
    %add3A_26 = arith.addf %dot_general3A_21, %add3A_25 : vector<400x1024xf32>
    %logistic3A = arith.negf %add3A_26 : vector<400x1024xf32>
    %logistic3A_27 = math.exp %logistic3A : vector<400x1024xf32>
    %logistic3A_28 = arith.constant 1.000000e+00 : f32
    %logistic3A_29 = vector.broadcast %logistic3A_28 : f32 to vector<400x1024xf32>
    %logistic3A_30 = arith.addf %logistic3A_29, %logistic3A_27 : vector<400x1024xf32>
    %logistic3A_31 = arith.divf %logistic3A_29, %logistic3A_30 : vector<400x1024xf32>
    %swap3A = arith.constant 0 : index
    %swap3A_32 = arith.constant 0 : index
    %swap3A_33 = vector.load %arg7[%swap3A, %swap3A_32] : memref<400x1024xf32, #tpu.memory_space<vmem>>, vector<400x1024xf32>
    tpu.vector_store %arg7[%swap3A, %swap3A_32], %logistic3A_31 {strides = array<i32>} : memref<400x1024xf32, #tpu.memory_space<vmem>>, vector<400x1024xf32>,
    return
  }
  func.func @transform_0(%arg0: i32) -> (i32, i32) {
    %c0_i32 = arith.constant 0 : i32
    %c0_i32_0 = arith.constant 0 : i32
    return %arg0, %c0_i32 : i32, i32
  }
  func.func @transform_1(%arg0: i32) -> (i32, i32) {
    %c0_i32 = arith.constant 0 : i32
    %c0_i32_0 = arith.constant 0 : i32
    return %arg0, %c0_i32 : i32, i32
  }
  func.func @transform_2(%arg0: i32) -> (i32, i32) {
    %c0_i32 = arith.constant 0 : i32
    %c0_i32_0 = arith.constant 0 : i32
    return %arg0, %c0_i32 : i32, i32
  }
  func.func @transform_3(%arg0: i32) -> (i32, i32) {
    %c0_i32 = arith.constant 0 : i32
    %c0_i32_0 = arith.constant 0 : i32
    return %arg0, %c0_i32 : i32, i32
  }
  func.func @transform_4(%arg0: i32) -> (i32, i32) {
    %c0_i32 = arith.constant 0 : i32
    %c0_i32_0 = arith.constant 0 : i32
    %c0_i32_1 = arith.constant 0 : i32
    return %c0_i32, %c0_i32_0 : i32, i32
  }
  func.func @transform_5(%arg0: i32) -> (i32, i32) {
    %c0_i32 = arith.constant 0 : i32
    %c0_i32_0 = arith.constant 0 : i32
    %c0_i32_1 = arith.constant 0 : i32
    return %c0_i32, %c0_i32_0 : i32, i32
  }
  func.func @transform_6(%arg0: i32) -> (i32, i32) {
    %c0_i32 = arith.constant 0 : i32
    %c0_i32_0 = arith.constant 0 : i32
    return %arg0, %c0_i32 : i32, i32
  }
}

</mosaic_0001>

<sc_bundles>
// kernel: kernel.6.cloned.1.call-start
scs
__scs_entry_jumppad:
0x0: {  	(pc) =	sbr.rel $0x88, $3  }
0x1: {  	(tag) =	ssettag $0x0;
	lr =	simm.s32 $0x1  }
0x2: {  	[smem:$0x3F9D] =	sst lr;
	_ =	strace $0xD0000000  }
0x3: {  	_ = 	snop  }
0x4: {  	_ = 	snop  }
0x5: {  	_ = 	snop  }
0x6: {  	_ = 	snop  }
0x7: {  	_ = 	snop  }
__scs_overlays_trampoline_lowered:
0x8: {  	[smem:$0x3FAC] =	sst s0  }
0x9: {  	[smem:$0x3FAD] =	sst s1  }
0xa: {  	[smem:$0x3FAE] =	sst s2  }
0xb: {  	[smem:$0x3FAF] =	sst s3  }
0xc: {  	[smem:$0x3FB0] =	sst s4  }
0xd: {  	[smem:$0x3FB1] =	sst s5  }
0xe: {  	[smem:$0x3FB2] =	sst s6  }
0xf: {  	[smem:$0x3FB3] =	sst s7  }
0x10: {  	[smem:$0x3FB4] =	sst s8  }
0x11: {  	[smem:$0x3FB5] =	sst s9;
	s0 =	simm.s32 @!p0 $0x0  }
0x12: {  	s1 =	sld [smem:$0x3F9B];
	s0 =	simm.s32 @p0 $0x1  }
0x13: {  	[smem:$0x3FB6] =	sst s0;
	s0 =	simm.s32 @!p1 $0x0  }
0x14: {  	s2 =	sld [smem:$0x3F9A];
	s0 =	simm.s32 @p1 $0x1  }
0x15: {  	[smem:$0x3FB7] =	sst s0;
	s0 =	simm.s32 @!p2 $0x0  }
0x16: {  	s3 =	sld [smem:$0x3FDB];
	s0 =	simm.s32 @p2 $0x1  }
0x17: {  	s4 =	simm.s32 $0x1BF5;
	[smem:$0x3FB9] =	sst s0  }
0x18: {  	s0 =	sld [smem:$0x3F9C];
	_ =	swait.ge [sflag:s4], $0x0  }
0x19: {  	s7 =	sld [smem:$0x3F9D]  }
0x1a: {  	s8 =	sadd.s32 $0xFFFFE003, lr  }
0x1b: {  	s9 =	sadd.s32 $0xFFFFFEF7, lr;
	s5 =	simm.s32 $0xFFFFFFFF;
	p2 =	slt.u32 s8, $0xFFFFF086  }
0x1c: {  	p1 =	slt.u32 s9, $0xF7A;
	s5 =	simm.s32 @!p2 $0x0  }
0x1d: {  	s5 =	simm.s32 @p1 $0x1;
	p0 =	seq.s32 s7, s2  }
0x1e: {  	s7 =	smul.u32 @!p0 $0xF7A, s2;
	p2 =	seq.s32 @!p0 s5, $0x0  }
0x1f: {  	s9 =	smul.u32 $0xF7A, s1;
	s8 =	simm.s32 @!p0 $0x1BF5;
	p2 =	por !p2, p0  }
0x20: {  	[sflag:s8] =	ssyncset.s32 @!p0 $0xFFFFF086;
	s6 =	sadd.s32 @!p0 s3, s7;
	s7 =	simm.s32 @!p0 $0x108  }
0x21: {  	s3 =	sadd.s32 s3, s9;
	s6 =	sadd.s32 @!p0 $0x88, s6;
	s7 =	simm.s32 @p2 $0x1082  }
0x22: {  	[simem:s7], [sflag:s8] =	dma.local @!p0 [hbm:s6], $0xF7A  }
0x23: {  	s9 =	sor.u32 $0xD0000000, s2;
	s6 =	simm.s32 $0x108;
	_ =	swait.ge @!p0 [sflag:s8], $0x0  }
0x24: {  	s3 =	sadd.s32 $0x88, s3;
	s6 =	simm.s32 @!p1 $0x1082;
	[sflag:s4] =	ssyncset.s32 $0xFFFFF086  }
0x25: {  	[simem:s6], [sflag:s4] =	dma.local [hbm:s3], $0xF7A  }
0x26: {  	[smem:$0x3F9D] =	sst s1;
	(tag) =	ssettag s2;
	_ =	strace s9  }
0x27: {  	s1 =	sld [smem:$0x3FAD]  }
0x28: {  	s2 =	sld [smem:$0x3FAE]  }
0x29: {  	s4 =	sld [smem:$0x3FB0]  }
0x2a: {  	p0 =	seq.s32 s5, $0x0;
	s5 =	sld [smem:$0x3FB1]  }
0x2b: {  	s6 =	sld [smem:$0x3FB2]  }
0x2c: {  	s7 =	sld [smem:$0x3FB3]  }
0x2d: {  	s3 =	simm.s32 $0x108;
	s8 =	sld [smem:$0x3FB4]  }
0x2e: {  	s3 =	simm.s32 @!p0 $0x1082;
	s9 =	sld [smem:$0x3FB5]  }
0x2f: {  	lr =	sadd.s32 s0, s3;
	s0 =	sld [smem:$0x3FAC]  }
0x30: {  	s3 =	sld [smem:$0x3FAF]  }
0x31: {  	[smem:$0x3FB8] =	sst s10  }
0x32: {  	s10 =	sld [smem:$0x3FB6];
	_ =	sdelay $0x3  }
0x33: {  	p0 =	seq.s32 s10, $0x1;
	s10 =	sld [smem:$0x3FB8];
	_ =	sdelay $0x3  }
0x34: {  	[smem:$0x3FB8] =	sst s10  }
0x35: {  	s10 =	sld [smem:$0x3FB7];
	_ =	sdelay $0x3  }
0x36: {  	p1 =	seq.s32 s10, $0x1;
	s10 =	sld [smem:$0x3FB8];
	_ =	sdelay $0x3  }
0x37: {  	[smem:$0x3FB8] =	sst s10  }
0x38: {  	s10 =	sld [smem:$0x3FB9]  }
0x39: {  	_ = 	snop;
	(pc) =	sbr.ind lr, $3  }
0x3a: {  	_ = 	snop  }
0x3b: {  	_ = 	snop  }
0x3c: {  	p2 =	seq.s32 s10, $0x1;
	s10 =	sld [smem:$0x3FB8]  }
0x3d: {  	_ =	shalt  }
0x3e: {  	_ =	shalt  }
0x3f: {  	_ =	shalt  }
0x40: {  	_ =	shalt  }
0x41: {  	_ =	shalt  }
0x42: {  	_ =	shalt  }
0x43: {  	_ =	shalt  }
0x44: {  	_ =	shalt  }
0x45: {  	_ =	shalt  }
0x46: {  	_ =	shalt  }
0x47: {  	_ =	shalt  }
0x48: {  	_ =	shalt  }
0x49: {  	_ =	shalt  }
0x4a: {  	_ =	shalt  }
0x4b: {  	_ =	shalt  }
0x4c: {  	_ =	shalt  }
0x4d: {  	_ =	shalt  }
0x4e: {  	_ =	shalt  }
0x4f: {  	_ =	shalt  }
0x50: {  	_ =	shalt  }
0x51: {  	_ =	shalt  }
0x52: {  	_ =	shalt  }
0x53: {  	_ =	shalt  }
0x54: {  	_ =	shalt  }
0x55: {  	_ =	shalt  }
0x56: {  	_ =	shalt  }
0x57: {  	_ =	shalt  }
0x58: {  	_ =	shalt  }
0x59: {  	_ =	shalt  }
0x5a: {  	_ =	shalt  }
0x5b: {  	_ =	shalt  }
0x5c: {  	_ =	shalt  }
0x5d: {  	_ =	shalt  }
0x5e: {  	_ =	shalt  }
0x5f: {  	_ =	shalt  }
0x60: {  	_ =	shalt  }
0x61: {  	_ =	shalt  }
0x62: {  	_ =	shalt  }
0x63: {  	_ =	shalt  }
0x64: {  	_ =	shalt  }
0x65: {  	_ =	shalt  }
0x66: {  	_ =	shalt  }
0x67: {  	_ =	shalt  }
0x68: {  	_ =	shalt  }
0x69: {  	_ =	shalt  }
0x6a: {  	_ =	shalt  }
0x6b: {  	_ =	shalt  }
0x6c: {  	_ =	shalt  }
0x6d: {  	_ =	shalt  }
0x6e: {  	_ =	shalt  }
0x6f: {  	_ =	shalt  }
0x70: {  	_ =	shalt  }
0x71: {  	_ =	shalt  }
0x72: {  	_ =	shalt  }
0x73: {  	_ =	shalt  }
0x74: {  	_ =	shalt  }
0x75: {  	_ =	shalt  }
0x76: {  	_ =	shalt  }
0x77: {  	_ =	shalt  }
0x78: {  	_ =	shalt  }
0x79: {  	_ =	shalt  }
0x7a: {  	_ =	shalt  }
0x7b: {  	_ =	shalt  }
0x7c: {  	_ =	shalt  }
0x7d: {  	_ =	shalt  }
0x7e: {  	_ =	shalt  }
0x7f: {  	_ =	shalt  }
0x80: {  	_ =	shalt  }
0x81: {  	_ =	shalt  }
0x82: {  	_ =	shalt  }
0x83: {  	_ =	shalt  }
0x84: {  	_ =	shalt  }
0x85: {  	_ =	shalt  }
0x86: {  	_ =	shalt  }
0x87: {  	_ =	shalt  }
.Lfunc_end0:
.L_simem_size_0:
called_computation_lowered:
.L_overlay_start_0:
0x88: {  	s2 =	sld [smem:$0x3FD9]  }
0x89: {  	s3 =	sld [smem:$0x3FFE];
	_ =	sdelay $0x1  }
0x8a: {  	s1 =	srdreg.scid  }
0x8b: {  	s0 =	sand.u32 $0x1, s1  }
0x8c: {  	s17 =	sshll.u32 s0, $0xA;
	s2 =	sadd.s32 s3, s2  }
0x8d: {  	s2 =	sadd.s32 s2, s17  }
0x8e: {  	[smem:$0x3FC4] =	sst s2  }
0x8f: {  	_ = 	snop  }
0x90: {  	s2 =	sld [smem:$0x3FD0];
	(tm) =	ssettm $0x1  }
0x91: {  	s18 =	sld [smem:$0x3FFB];
	_ =	sdelay $0x3  }
0x92: {  	_ =	strace s18  }
0x93: {  	s3 =	sld [smem:$0x3FFC];
	_ =	sdelay $0x3  }
0x94: {  	_ =	strace s3  }
0x95: {  	s3 =	sld [smem:$0x3FFD];
	_ =	sdelay $0x3  }
0x96: {  	_ =	strace s3  }
0x97: {  	_ =	strace $0x8FFFFFFF  }
0x98: {  	s19 =	sld [smem:$0x3FDB];
	_ =	sdelay $0x1  }
0x99: {  	s4 =	simm.s32 $_scs_section_size  }
0x9a: {  	s5 =	simm.s32 $_size__tile_overlayer_lowered;
	s6 =	simm.s32 $_tile_overlayer_lowered  }
0x9b: {  	s22 =	simm.s32 $0x1BFF;
	s21 =	sshll.u32 s6, $0x1;
	s3 =	sadd.s32 s4, s19  }
0x9c: {  	s7 =	simm.s32 $0x0;
	s20 =	sshll.u32 s5, $0x1;
	s5 =	sadd.s32 s21, s3  }
0x9d: {  	[timem:s7], [sflag:s22] =	dma.local [hbm:s5], s20  }
0x9e: {  	_ =	swait.ge [sflag:s22], s20  }
0x9f: {  	s4 =	ssub.s32 $0x0, s20;
	[sflag:s22] =	ssyncset.done $0x0  }
0xa0: {  	[sflag:s22] =	ssyncadd.s32 s4;
	_ =	sdelay $0x1  }
0xa1: {  	s23 =	simm.s32 $0x1B8B  }
0xa2: {  	_ =	swait.ge [sflag:s23], $0x1  }
0xa3: {  	[sflag:s23] =	ssyncset.done $0x0  }
0xa4: {  	s25 =	simm.s32 $0x1B8E;
	s24 =	sld [smem:$0x3FFE];
	[sflag:s23] =	ssyncadd.s32 $0xFFFFFFFF  }
0xa5: {  	s26 =	simm.s32 $execute0_lowered;
	[smem:$0x3FD2] =	sst s25  }
0xa6: {  	s5 =	sshll.u32 s26, $0x1;
	_ =	strace $0x80000046;
	[dreg:$0x1] =	wrdreg $0xFFFFFFFF  }
0xa7: {  	s28 =	simm.s32 $_size_execute0_lowered;
	s3 =	sadd.s32 s3, s5;
	[dreg:$0x0] =	wrdreg $0x0  }
0xa8: {  	s5 =	sshll.u32 s28, $0x1;
	[dreg:$0x2] =	wrdreg s3  }
0xa9: {  	[dreg:$0x3] =	wrdreg s5  }
0xaa: {  	[dreg:$0x4] =	wrdreg $0xC0  }
0xab: {  	_ =	task [dreg:s7], $0x5FFFF  }
0xac: {  	[dreg:$0x1] =	wrdreg $0xFFFFFFFF  }
0xad: {  	[dreg:$0x0] =	wrdreg $0x60  }
0xae: {  	[dreg:$0x2] =	wrdreg s2  }
0xaf: {  	[dreg:$0x3] =	wrdreg s24  }
0xb0: {  	[dreg:$0x4] =	wrdreg $0x2F000  }
0xb1: {  	[dreg:$0x5] =	wrdreg $0x9  }
0xb2: {  	_ =	task.clear_ibuf [dreg:s7], $0x6FFFF;
	_ =	strace $0x90000046  }
0xb3: {  	s29 =	simm.s32 $0x9;
	_ =	strace $0x80000048  }
0xb4: {  	_ =	swait.ge [sflag:s29], $0x1  }
0xb5: {  	[sflag:s29] =	ssyncadd.s32 $0xFFFFFFFF  }
0xb6: {  	_ =	strace $0x90000048  }
0xb7: {  	_ =	sfence  }
0xb8: {  	s30 =	sld [smem:$0x0];
	_ =	sdelay $0x2  }
0xb9: {  	s31 =	sshll.u32 s1, $0xD;
	s1 =	sshrl.u32 s1, $0x2  }
0xba: {  	s3 =	sand.u32 $0x4000, s31;
	s1 =	sadd.s32 s1, s30  }
0xbb: {  	s0 =	sor.u32 s3, s0;
	s1 =	sshll.u32 s1, $0x11  }
0xbc: {  	s0 =	sor.u32 s1, s0  }
0xbd: {  	s0 =	sadd.s32 $0x8F2B, s0  }
0xbe: {  	[sflag:s0] =	ssyncadd.remote.s32 $0x1  }
0xbf: {  	_ =	sfence.sel $0xFFFF  }
0xc0: {  	[dreg:$0x0] =	wrdreg $0xFFFFFFFF;
	(pc) =	sbr.abs _section_cstart, $3  }
0xc1: {  	[dreg:$0x1] =	wrdreg $0xFFFFFFFF  }
0xc2: {  	_ =	task.clear_ibuf [dreg:s7], $0x2FFFF;
	_ =	strace $0x9FFFFFFF  }
0xc3: {  	(tm) =	ssettm $0x7FFFFFFF  }
tec
execute0_lowered:
.L_overlay_start_1:
0x0: {  	(tag) =	ssettag $0x1  }
0x1: {  	s5 =	rddreg [dreg:$0x0]  }
0x2: {  	s4 =	rddreg [dreg:$0x1]  }
0x3: {  	s2 =	rddreg [dreg:$0x2]  }
0x4: {  	s0 =	rddreg [dreg:$0x3];
	s6 =	srdreg.scid  }
0x5: {  	s1 =	stileid.u32;
	s3 =	simm.s32 $0x0;
	s11 =	simm.s32 $0x2C00  }
0x6: {  	s12 =	simm.s32 $0x100;
	s13 =	simm.s32 $0x180;
	s14 =	simm.s32 $0x1  }
0x7: {  	s15 =	simm.s32 $0x0;
	s6 =	sand.u32 $0x1, s6;
	s7 =	smul.u32 $0x500, s1  }
0x8: {  	[smem:$0x7FF] =	sst s3;
	s9 =	smul.u32 $0xA00, s1;
	s8 =	sshll.u32 s6, $0x7  }
0x9: {  	_ =	strace $0x80000047;
	s30 =	sshll.u32 s6, $0x4;
	s6 =	ssub.s32 $0x2, s6  }
0xa: {  	s7 =	sor.u32 s8, s7;
	s8 =	sor.u32 s1, s30;
	s10 =	sshrl.u32 s6, $0x1  }
0xb: {  	s31 =	sshrl.u32 s9, $0x2;
	s7 =	sshrl.u32 s7, $0x3;
	s8 =	smul.u32 $0x580, s8  }
0xc: {  	s9 =	simm.s32 $0x2;
	s10 =	ssub.s32 s6, s10;
	s7 =	sadd.s32 s7, s4  }
0xd: {  	s4 =	sadd.s32 s31, s2;
	s5 =	sadd.s32 s5, s8;
	s6 =	sadd.s32 $0xBC00, s7  }
0xe: {  	v0 =	vimm.f32 $0.0e+00;
	v1 =	vimm.f32 $1.000000000e+00;
	s7 =	smax.u32 s10, $0x1;
	s8 =	simm.s32 $0x2C80;
	s10 =	simm.s32 $0x80  }
.LBB2_1:
0xf: {  	[tilespmem:$0x2C80] =	vst v0  }
0x10: {  	[tilespmem:$0x2C90] =	vst v0  }
0x11: {  	[tilespmem:$0x2CA0] =	vst v0  }
0x12: {  	[tilespmem:$0x2CB0] =	vst v0  }
0x13: {  	[tilespmem:$0x2CC0] =	vst v0  }
0x14: {  	[tilespmem:$0x2CD0] =	vst v0  }
0x15: {  	[tilespmem:$0x2CE0] =	vst v0  }
0x16: {  	[tilespmem:$0x2CF0] =	vst v0  }
0x17: {  	[tilespmem:$0x2D00] =	vst v0  }
0x18: {  	[tilespmem:$0x2D10] =	vst v0  }
0x19: {  	[tilespmem:$0x2D20] =	vst v0  }
0x1a: {  	[tilespmem:$0x2D30] =	vst v0  }
0x1b: {  	[tilespmem:$0x2D40] =	vst v0  }
0x1c: {  	[tilespmem:$0x2D50] =	vst v0  }
0x1d: {  	[tilespmem:$0x2D60] =	vst v0  }
0x1e: {  	[tilespmem:$0x2D70] =	vst v0  }
0x1f: {  	[tilespmem:$0x2D80] =	vst v0  }
0x20: {  	[tilespmem:$0x2D90] =	vst v0  }
0x21: {  	[tilespmem:$0x2DA0] =	vst v0  }
0x22: {  	[tilespmem:$0x2DB0] =	vst v0  }
0x23: {  	[tilespmem:$0x2DC0] =	vst v0  }
0x24: {  	[tilespmem:$0x2DD0] =	vst v0  }
0x25: {  	[tilespmem:$0x2DE0] =	vst v0  }
0x26: {  	[tilespmem:$0x2DF0] =	vst v0  }
0x27: {  	[tilespmem:$0x2E00] =	vst v0  }
0x28: {  	[tilespmem:$0x2E10] =	vst v0  }
0x29: {  	[tilespmem:$0x2E20] =	vst v0  }
0x2a: {  	[tilespmem:$0x2E30] =	vst v0  }
0x2b: {  	[tilespmem:$0x2E40] =	vst v0  }
0x2c: {  	[tilespmem:$0x2E50] =	vst v0  }
0x2d: {  	[tilespmem:$0x2E60] =	vst v0  }
0x2e: {  	[tilespmem:$0x2E70] =	vst v0  }
0x2f: {  	[tilespmem:$0x2E80] =	vst v0  }
0x30: {  	[tilespmem:$0x2E90] =	vst v0  }
0x31: {  	[tilespmem:$0x2EA0] =	vst v0  }
0x32: {  	[tilespmem:$0x2EB0] =	vst v0  }
0x33: {  	[tilespmem:$0x2EC0] =	vst v0  }
0x34: {  	[tilespmem:$0x2ED0] =	vst v0  }
0x35: {  	[tilespmem:$0x2EE0] =	vst v0  }
0x36: {  	[tilespmem:$0x2EF0] =	vst v0  }
0x37: {  	[tilespmem:$0x2C00] =	vst v1  }
0x38: {  	[tilespmem:$0x2C10] =	vst v1  }
0x39: {  	[tilespmem:$0x2C20] =	vst v1  }
0x3a: {  	[tilespmem:$0x2C30] =	vst v1  }
0x3b: {  	[tilespmem:$0x2C40] =	vst v1  }
0x3c: {  	[tilespmem:$0x2C50] =	vst v1  }
0x3d: {  	[tilespmem:$0x2C60] =	vst v1  }
0x3e: {  	[tilespmem:$0x2C70] =	vst v1  }
0x3f: {  	[spmem:s4] =	stream.linear.scatter [tilespmem:s8], [sflag:$0x2], $0x280, $0x38;
	[tilespmem:$0x3180] =	vst v63  }
0x40: {  	_ =	swait.ge [sflag:s9], $0x280  }
0x41: {  	[sflag:s9] =	ssyncset.done $0x0  }
0x42: {  	[sflag:s9] =	ssyncadd.s32 $0xFFFFFD80  }
0x43: {  	[tilespmem:s3], [sflag:$0x2] =	stream.linear.gather [hbm4b:s5+s3], $0x2A00, $0x38;
	[tilespmem:$0x3180] =	vst v63  }
0x44: {  	_ =	swait.ge [sflag:s9], $0x2A00  }
0x45: {  	[sflag:s9] =	ssyncset.done $0x0  }
0x46: {  	[sflag:s9] =	ssyncadd.s32 $0xFFFFD600  }
0x47: {  	[bflag:$0x0] =	sbarrier.arrive $0xFFFF  }
0x48: {  	[spmem:s2] =	stream.indirect.scatter.add.f32 [tilespmem:s11], [sflag:$0x1], $0x1, s3, s10, $0xb8;
	[tilespmem:$0x3180] =	vst v63  }
0x49: {  	_ = 	snop  }
0x4a: {  	[spmem:s2] =	stream.indirect.scatter.add.f32 [tilespmem:s11], [sflag:$0x1], $0x1, s10, s10, $0xb8;
	[tilespmem:$0x3180] =	vst v63  }
0x4b: {  	_ = 	snop  }
0x4c: {  	[spmem:s2] =	stream.indirect.scatter.add.f32 [tilespmem:s11], [sflag:$0x1], $0x1, s12, s10, $0xb8;
	[tilespmem:$0x3180] =	vst v63  }
0x4d: {  	_ = 	snop  }
0x4e: {  	[spmem:s2] =	stream.indirect.scatter.add.f32 [tilespmem:s11], [sflag:$0x1], $0x1, s13, s10, $0xb8;
	[tilespmem:$0x3180] =	vst v63  }
0x4f: {  	s16 =	simm.s32 $0x200  }
0x50: {  	[spmem:s2] =	stream.indirect.scatter.add.f32 [tilespmem:s11], [sflag:$0x1], $0x1, s16, s10, $0xb8;
	[tilespmem:$0x3180] =	vst v63  }
0x51: {  	_ =	swait.ge [sflag:s14], $0x80  }
0x52: {  	s16 =	simm.s32 $0xA00;
	[sflag:s14] =	ssyncset.done $0x0  }
.LBB2_2:
0x53: {  	s17 =	sshra.s32 s16, $0x2;
	[sflag:s14] =	ssyncadd.s32 $0xFFFFFF80;
	p0 =	sne.s32 s16, $0xA600  }
0x54: {  	[spmem:s2] =	stream.indirect.scatter.add.f32 [tilespmem:s11], [sflag:$0x1], $0x1, s17, s10, $0xb8;
	[tilespmem:$0x3180] =	vst v63  }
.Ltmp0:
0x55: {  	_ = 	snop;
	(pc) =	sbr.rel @p0 .LBB2_2-.Ltmp0, $4  }
0x56: {  	_ = 	snop  }
0x57: {  	s16 =	sadd.s32 $0x200, s16  }
0x58: {  	_ =	swait.ge [sflag:s14], $0x80  }
0x59: {  	[sflag:s14] =	ssyncset.done $0x0  }
0x5a: {  	[sflag:s14] =	ssyncadd.s32 $0xFFFFFF80  }
0x5b: {  	_ =	swait.ge [sflag:s14], $0x80  }
0x5c: {  	[sflag:s14] =	ssyncset.done $0x0  }
0x5d: {  	[sflag:s14] =	ssyncadd.s32 $0xFFFFFF80  }
0x5e: {  	_ =	swait.ge [sflag:s14], $0x80  }
0x5f: {  	[sflag:s14] =	ssyncset.done $0x0  }
0x60: {  	[sflag:s14] =	ssyncadd.s32 $0xFFFFFF80  }
0x61: {  	_ =	swait.ge [sflag:s14], $0x80  }
0x62: {  	[sflag:s14] =	ssyncset.done $0x0  }
0x63: {  	[sflag:s14] =	ssyncadd.s32 $0xFFFFFF80  }
0x64: {  	_ =	swait.ge [sflag:s14], $0x80  }
0x65: {  	[sflag:s14] =	ssyncset.done $0x0  }
0x66: {  	[sflag:s14] =	ssyncadd.s32 $0xFFFFFF80  }
0x67: {  	[bflag:$0x0] =	sbarrier.arrive $0xFFFF  }
0x68: {  	[tilespmem:s8], [sflag:$0x2] =	stream.linear.gather [spmem:s4], $0x280, $0x38;
	[tilespmem:$0x3180] =	vst v63  }
0x69: {  	s15 =	sadd.s32 $0x1, s15;
	_ =	swait.ge [sflag:s9], $0x280  }
0x6a: {  	p0 =	sne.s32 s15, s7;
	[sflag:s9] =	ssyncset.done $0x0  }
.Ltmp1:
0x6b: {  	[sflag:s9] =	ssyncadd.s32 $0xFFFFFD80;
	(pc) =	sbr.rel @p0 .LBB2_1-.Ltmp1, $4  }
0x6c: {  	[hbm4b:s6+s10] =	stream.strided.scatter [tilespmem:s8], [sflag:$0x2], $0x280, s12, s10, $0x38;
	[tilespmem:$0x3180] =	vst v63  }
0x6d: {  	_ =	swait.ge [sflag:s9], $0x280  }
0x6e: {  	[sflag:s9] =	ssyncset.done $0x0  }
0x6f: {  	[sflag:s9] =	ssyncadd.s32 $0xFFFFFD80  }
0x70: {  	_ =	sfence.sel $0x180000  }
0x71: {  	[bflag:$0x0] =	sbarrier.arrive $0xFFFF  }
0x72: {  	p0 =	sne.s32 s1, $0x0;
	_ =	strace $0x90000047  }
0x73: {  	s0 =	sadd.s32 @!p0 $0x100000, s0;
	[bflag:$0x2] =	sbarrier.arrive $0xFFFF  }
0x74: {  	[sflag:s0] =	ssyncadd.tile.s32 @!p0 $0x1;
	_ =	shalt  }
.Lfunc_end2:
_tile_overlayer_lowered:
.L_overlay_start_2:
0x75: {  	(tag) =	ssettag $0x2  }
0x76: {  	s0 =	rddreg [dreg:$0x0];
	s2 =	stileid.u32  }
0x77: {  	s1 =	rddreg [dreg:$0x1];
	p0 =	sne.s32 s2, $0x0  }
0x78: {  	s3 =	rddreg [dreg:$0x2];
	[bflag:$0x3] =	sbarrier.arrive $0xFFFF;
	s2 =	simm.s32 @!p0 $0x1C02  }
0x79: {  	[timem:s3], [sflag:s2] =	dma.local @!p0 [hbm:s0], s1  }
0x7a: {  	s0 =	simm.s32 @!p0 $0x2  }
0x7b: {  	_ =	swait.ge @!p0 [sflag:s0], s1  }
0x7c: {  	s1 =	ssub.s32 @!p0 $0x0, s1;
	[sflag:s0] =	ssyncset.done @!p0 $0x0  }
0x7d: {  	[sflag:s0] =	ssyncadd.s32 @!p0 s1  }
0x7e: {  	[bflag:$0x3] =	sbarrier.arrive $0xFFFF  }
0x7f: {  	_ =	shalt  }

// kernel: kernel.9.cloned.1.call-start
scs
__scs_entry_jumppad:
0x0: {  	(pc) =	sbr.rel $0x88, $3  }
0x1: {  	(tag) =	ssettag $0x0;
	lr =	simm.s32 $0x1  }
0x2: {  	[smem:$0x3F9D] =	sst lr;
	_ =	strace $0xD0000000  }
0x3: {  	_ = 	snop  }
0x4: {  	_ = 	snop  }
0x5: {  	_ = 	snop  }
0x6: {  	_ = 	snop  }
0x7: {  	_ = 	snop  }
__scs_overlays_trampoline_lowered:
0x8: {  	[smem:$0x3FAC] =	sst s0  }
0x9: {  	[smem:$0x3FAD] =	sst s1  }
0xa: {  	[smem:$0x3FAE] =	sst s2  }
0xb: {  	[smem:$0x3FAF] =	sst s3  }
0xc: {  	[smem:$0x3FB0] =	sst s4  }
0xd: {  	[smem:$0x3FB1] =	sst s5  }
0xe: {  	[smem:$0x3FB2] =	sst s6  }
0xf: {  	[smem:$0x3FB3] =	sst s7  }
0x10: {  	[smem:$0x3FB4] =	sst s8  }
0x11: {  	[smem:$0x3FB5] =	sst s9;
	s0 =	simm.s32 @!p0 $0x0  }
0x12: {  	s1 =	sld [smem:$0x3F9B];
	s0 =	simm.s32 @p0 $0x1  }
0x13: {  	[smem:$0x3FB6] =	sst s0;
	s0 =	simm.s32 @!p1 $0x0  }
0x14: {  	s2 =	sld [smem:$0x3F9A];
	s0 =	simm.s32 @p1 $0x1  }
0x15: {  	[smem:$0x3FB7] =	sst s0;
	s0 =	simm.s32 @!p2 $0x0  }
0x16: {  	s3 =	sld [smem:$0x3FDB];
	s0 =	simm.s32 @p2 $0x1  }
0x17: {  	s4 =	simm.s32 $0x1BF5;
	[smem:$0x3FB9] =	sst s0  }
0x18: {  	s0 =	sld [smem:$0x3F9C];
	_ =	swait.ge [sflag:s4], $0x0  }
0x19: {  	s7 =	sld [smem:$0x3F9D]  }
0x1a: {  	s8 =	sadd.s32 $0xFFFFE003, lr  }
0x1b: {  	s9 =	sadd.s32 $0xFFFFFEF7, lr;
	s5 =	simm.s32 $0xFFFFFFFF;
	p2 =	slt.u32 s8, $0xFFFFF086  }
0x1c: {  	p1 =	slt.u32 s9, $0xF7A;
	s5 =	simm.s32 @!p2 $0x0  }
0x1d: {  	s5 =	simm.s32 @p1 $0x1;
	p0 =	seq.s32 s7, s2  }
0x1e: {  	s7 =	smul.u32 @!p0 $0xF7A, s2;
	p2 =	seq.s32 @!p0 s5, $0x0  }
0x1f: {  	s9 =	smul.u32 $0xF7A, s1;
	s8 =	simm.s32 @!p0 $0x1BF5;
	p2 =	por !p2, p0  }
0x20: {  	[sflag:s8] =	ssyncset.s32 @!p0 $0xFFFFF086;
	s6 =	sadd.s32 @!p0 s3, s7;
	s7 =	simm.s32 @!p0 $0x108  }
0x21: {  	s3 =	sadd.s32 s3, s9;
	s6 =	sadd.s32 @!p0 $0x88, s6;
	s7 =	simm.s32 @p2 $0x1082  }
0x22: {  	[simem:s7], [sflag:s8] =	dma.local @!p0 [hbm:s6], $0xF7A  }
0x23: {  	s9 =	sor.u32 $0xD0000000, s2;
	s6 =	simm.s32 $0x108;
	_ =	swait.ge @!p0 [sflag:s8], $0x0  }
0x24: {  	s3 =	sadd.s32 $0x88, s3;
	s6 =	simm.s32 @!p1 $0x1082;
	[sflag:s4] =	ssyncset.s32 $0xFFFFF086  }
0x25: {  	[simem:s6], [sflag:s4] =	dma.local [hbm:s3], $0xF7A  }
0x26: {  	[smem:$0x3F9D] =	sst s1;
	(tag) =	ssettag s2;
	_ =	strace s9  }
0x27: {  	s1 =	sld [smem:$0x3FAD]  }
0x28: {  	s2 =	sld [smem:$0x3FAE]  }
0x29: {  	s4 =	sld [smem:$0x3FB0]  }
0x2a: {  	p0 =	seq.s32 s5, $0x0;
	s5 =	sld [smem:$0x3FB1]  }
0x2b: {  	s6 =	sld [smem:$0x3FB2]  }
0x2c: {  	s7 =	sld [smem:$0x3FB3]  }
0x2d: {  	s3 =	simm.s32 $0x108;
	s8 =	sld [smem:$0x3FB4]  }
0x2e: {  	s3 =	simm.s32 @!p0 $0x1082;
	s9 =	sld [smem:$0x3FB5]  }
0x2f: {  	lr =	sadd.s32 s0, s3;
	s0 =	sld [smem:$0x3FAC]  }
0x30: {  	s3 =	sld [smem:$0x3FAF]  }
0x31: {  	[smem:$0x3FB8] =	sst s10  }
0x32: {  	s10 =	sld [smem:$0x3FB6];
	_ =	sdelay $0x3  }
0x33: {  	p0 =	seq.s32 s10, $0x1;
	s10 =	sld [smem:$0x3FB8];
	_ =	sdelay $0x3  }
0x34: {  	[smem:$0x3FB8] =	sst s10  }
0x35: {  	s10 =	sld [smem:$0x3FB7];
	_ =	sdelay $0x3  }
0x36: {  	p1 =	seq.s32 s10, $0x1;
	s10 =	sld [smem:$0x3FB8];
	_ =	sdelay $0x3  }
0x37: {  	[smem:$0x3FB8] =	sst s10  }
0x38: {  	s10 =	sld [smem:$0x3FB9]  }
0x39: {  	_ = 	snop;
	(pc) =	sbr.ind lr, $3  }
0x3a: {  	_ = 	snop  }
0x3b: {  	_ = 	snop  }
0x3c: {  	p2 =	seq.s32 s10, $0x1;
	s10 =	sld [smem:$0x3FB8]  }
0x3d: {  	_ =	shalt  }
0x3e: {  	_ =	shalt  }
0x3f: {  	_ =	shalt  }
0x40: {  	_ =	shalt  }
0x41: {  	_ =	shalt  }
0x42: {  	_ =	shalt  }
0x43: {  	_ =	shalt  }
0x44: {  	_ =	shalt  }
0x45: {  	_ =	shalt  }
0x46: {  	_ =	shalt  }
0x47: {  	_ =	shalt  }
0x48: {  	_ =	shalt  }
0x49: {  	_ =	shalt  }
0x4a: {  	_ =	shalt  }
0x4b: {  	_ =	shalt  }
0x4c: {  	_ =	shalt  }
0x4d: {  	_ =	shalt  }
0x4e: {  	_ =	shalt  }
0x4f: {  	_ =	shalt  }
0x50: {  	_ =	shalt  }
0x51: {  	_ =	shalt  }
0x52: {  	_ =	shalt  }
0x53: {  	_ =	shalt  }
0x54: {  	_ =	shalt  }
0x55: {  	_ =	shalt  }
0x56: {  	_ =	shalt  }
0x57: {  	_ =	shalt  }
0x58: {  	_ =	shalt  }
0x59: {  	_ =	shalt  }
0x5a: {  	_ =	shalt  }
0x5b: {  	_ =	shalt  }
0x5c: {  	_ =	shalt  }
0x5d: {  	_ =	shalt  }
0x5e: {  	_ =	shalt  }
0x5f: {  	_ =	shalt  }
0x60: {  	_ =	shalt  }
0x61: {  	_ =	shalt  }
0x62: {  	_ =	shalt  }
0x63: {  	_ =	shalt  }
0x64: {  	_ =	shalt  }
0x65: {  	_ =	shalt  }
0x66: {  	_ =	shalt  }
0x67: {  	_ =	shalt  }
0x68: {  	_ =	shalt  }
0x69: {  	_ =	shalt  }
0x6a: {  	_ =	shalt  }
0x6b: {  	_ =	shalt  }
0x6c: {  	_ =	shalt  }
0x6d: {  	_ =	shalt  }
0x6e: {  	_ =	shalt  }
0x6f: {  	_ =	shalt  }
0x70: {  	_ =	shalt  }
0x71: {  	_ =	shalt  }
0x72: {  	_ =	shalt  }
0x73: {  	_ =	shalt  }
0x74: {  	_ =	shalt  }
0x75: {  	_ =	shalt  }
0x76: {  	_ =	shalt  }
0x77: {  	_ =	shalt  }
0x78: {  	_ =	shalt  }
0x79: {  	_ =	shalt  }
0x7a: {  	_ =	shalt  }
0x7b: {  	_ =	shalt  }
0x7c: {  	_ =	shalt  }
0x7d: {  	_ =	shalt  }
0x7e: {  	_ =	shalt  }
0x7f: {  	_ =	shalt  }
0x80: {  	_ =	shalt  }
0x81: {  	_ =	shalt  }
0x82: {  	_ =	shalt  }
0x83: {  	_ =	shalt  }
0x84: {  	_ =	shalt  }
0x85: {  	_ =	shalt  }
0x86: {  	_ =	shalt  }
0x87: {  	_ =	shalt  }
.Lfunc_end0:
.L_simem_size_0:
called_computation.1_lowered:
.L_overlay_start_0:
0x88: {  	s2 =	sld [smem:$0x3FD9]  }
0x89: {  	s3 =	sld [smem:$0x3FFE];
	_ =	sdelay $0x1  }
0x8a: {  	s1 =	srdreg.scid  }
0x8b: {  	s0 =	sand.u32 $0x1, s1  }
0x8c: {  	s17 =	sshll.u32 s0, $0xA;
	s2 =	sadd.s32 s3, s2  }
0x8d: {  	s2 =	sadd.s32 s2, s17  }
0x8e: {  	[smem:$0x3FC4] =	sst s2  }
0x8f: {  	_ = 	snop  }
0x90: {  	s2 =	sld [smem:$0x3FD0];
	(tm) =	ssettm $0x1  }
0x91: {  	s18 =	sld [smem:$0x3FFB];
	_ =	sdelay $0x3  }
0x92: {  	_ =	strace s18  }
0x93: {  	s3 =	sld [smem:$0x3FFC];
	_ =	sdelay $0x3  }
0x94: {  	_ =	strace s3  }
0x95: {  	s3 =	sld [smem:$0x3FFD];
	_ =	sdelay $0x3  }
0x96: {  	_ =	strace s3  }
0x97: {  	_ =	strace $0x8FFFFFFF  }
0x98: {  	s19 =	sld [smem:$0x3FDB];
	_ =	sdelay $0x1  }
0x99: {  	s4 =	simm.s32 $_scs_section_size  }
0x9a: {  	s5 =	simm.s32 $_size__tile_overlayer_lowered;
	s6 =	simm.s32 $_tile_overlayer_lowered  }
0x9b: {  	s22 =	simm.s32 $0x1BFF;
	s21 =	sshll.u32 s6, $0x1;
	s3 =	sadd.s32 s4, s19  }
0x9c: {  	s7 =	simm.s32 $0x0;
	s20 =	sshll.u32 s5, $0x1;
	s5 =	sadd.s32 s21, s3  }
0x9d: {  	[timem:s7], [sflag:s22] =	dma.local [hbm:s5], s20  }
0x9e: {  	_ =	swait.ge [sflag:s22], s20  }
0x9f: {  	s4 =	ssub.s32 $0x0, s20;
	[sflag:s22] =	ssyncset.done $0x0  }
0xa0: {  	[sflag:s22] =	ssyncadd.s32 s4;
	_ =	sdelay $0x1  }
0xa1: {  	s23 =	simm.s32 $0x1B8B  }
0xa2: {  	_ =	swait.ge [sflag:s23], $0x1  }
0xa3: {  	[sflag:s23] =	ssyncset.done $0x0  }
0xa4: {  	s25 =	simm.s32 $0x1B8E;
	s24 =	sld [smem:$0x3FFE];
	[sflag:s23] =	ssyncadd.s32 $0xFFFFFFFF  }
0xa5: {  	s26 =	simm.s32 $execute0_lowered;
	[smem:$0x3FD2] =	sst s25  }
0xa6: {  	s5 =	sshll.u32 s26, $0x1;
	_ =	strace $0x80000049;
	[dreg:$0x1] =	wrdreg $0xFFFFFFFF  }
0xa7: {  	s28 =	simm.s32 $_size_execute0_lowered;
	s3 =	sadd.s32 s3, s5;
	[dreg:$0x0] =	wrdreg $0x0  }
0xa8: {  	s5 =	sshll.u32 s28, $0x1;
	[dreg:$0x2] =	wrdreg s3  }
0xa9: {  	[dreg:$0x3] =	wrdreg s5  }
0xaa: {  	[dreg:$0x4] =	wrdreg $0xC0  }
0xab: {  	_ =	task [dreg:s7], $0x5FFFF  }
0xac: {  	[dreg:$0x1] =	wrdreg $0xFFFFFFFF  }
0xad: {  	[dreg:$0x0] =	wrdreg $0x60  }
0xae: {  	[dreg:$0x2] =	wrdreg s24  }
0xaf: {  	[dreg:$0x3] =	wrdreg s2  }
0xb0: {  	[dreg:$0x4] =	wrdreg $0x6A000  }
0xb1: {  	[dreg:$0x5] =	wrdreg $0x9  }
0xb2: {  	_ =	task.clear_ibuf [dreg:s7], $0x6FFFF;
	_ =	strace $0x90000049  }
0xb3: {  	s29 =	simm.s32 $0x9;
	_ =	strace $0x8000004B  }
0xb4: {  	_ =	swait.ge [sflag:s29], $0x1  }
0xb5: {  	[sflag:s29] =	ssyncadd.s32 $0xFFFFFFFF  }
0xb6: {  	_ =	strace $0x9000004B  }
0xb7: {  	_ =	sfence  }
0xb8: {  	s30 =	sld [smem:$0x0];
	_ =	sdelay $0x2  }
0xb9: {  	s31 =	sshll.u32 s1, $0xD;
	s1 =	sshrl.u32 s1, $0x2  }
0xba: {  	s3 =	sand.u32 $0x4000, s31;
	s1 =	sadd.s32 s1, s30  }
0xbb: {  	s0 =	sor.u32 s3, s0;
	s1 =	sshll.u32 s1, $0x11  }
0xbc: {  	s0 =	sor.u32 s1, s0  }
0xbd: {  	s0 =	sadd.s32 $0x8F2B, s0  }
0xbe: {  	[sflag:s0] =	ssyncadd.remote.s32 $0x1  }
0xbf: {  	_ =	sfence.sel $0xFFFF  }
0xc0: {  	[dreg:$0x0] =	wrdreg $0xFFFFFFFF;
	(pc) =	sbr.abs _section_cstart, $3  }
0xc1: {  	[dreg:$0x1] =	wrdreg $0xFFFFFFFF  }
0xc2: {  	_ =	task.clear_ibuf [dreg:s7], $0x2FFFF;
	_ =	strace $0x9FFFFFFF  }
0xc3: {  	(tm) =	ssettm $0x7FFFFFFF  }
tec
execute0_lowered:
.L_overlay_start_1:
0x0: {  	(tag) =	ssettag $0x1  }
0x1: {  	s0 =	rddreg [dreg:$0x0]  }
0x2: {  	s3 =	rddreg [dreg:$0x1]  }
0x3: {  	s1 =	rddreg [dreg:$0x2];
	s2 =	simm.s32 $0x0;
	s4 =	srdreg.scid  }
0x4: {  	s7 =	stileid.u32;
	s28 =	simm.s32 $0x2;
	s29 =	simm.s32 $0x4  }
0x5: {  	s30 =	simm.s32 $0x2980;
	s31 =	simm.s32 $0x0;
	[smem:$0x7FF] =	sst s2  }
0x6: {  	s9 =	sand.u32 $0x1, s4;
	s4 =	sadd.s32 $0x16E00, s0;
	s12 =	smul.u32 $0x14000, s7  }
0x7: {  	s13 =	sadd.s32 $0xC600, s0;
	s0 =	sadd.s32 $0x1400, s0;
	s5 =	ssub.s32 $0x2, s9  }
0x8: {  	_ =	strace $0x8000004A;
	s17 =	sshll.u32 s9, $0x4;
	s6 =	sshrl.u32 s5, $0x1  }
0x9: {  	s18 =	sshrl.u32 s12, $0x1;
	s14 =	sadd.s32 $0x4000, s12;
	s7 =	sor.u32 s7, s17  }
0xa: {  	s16 =	sadd.s32 $0x8000, s12;
	s17 =	sadd.s32 $0xC000, s12;
	s19 =	ssub.s32 s5, s6  }
0xb: {  	s5 =	sadd.s32 s18, s1;
	s20 =	sshrl.u32 s14, $0x1;
	s8 =	sshrl.u32 s16, $0x1  }
0xc: {  	s10 =	sshrl.u32 s17, $0x1;
	s11 =	smul.u32 $0x2A00, s7;
	s18 =	sadd.s32 $0x10000, s12  }
0xd: {  	s6 =	sadd.s32 s20, s1;
	s7 =	sadd.s32 s8, s1;
	s8 =	sadd.s32 s10, s1  }
0xe: {  	s21 =	sshrl.u32 s18, $0x1;
	s20 =	smul.u32 $0x140000, s9;
	s15 =	sshrl.u32 s11, $0x3  }
0xf: {  	s19 =	smax.u32 s19, $0x1;
	s9 =	sadd.s32 s21, s1;
	s22 =	sadd.s32 s13, s15  }
0x10: {  	s11 =	sadd.s32 s0, s15;
	s15 =	sadd.s32 $0x2A0, s15;
	s21 =	sadd.s32 s12, s20  }
0x11: {  	s14 =	sadd.s32 s20, s14;
	s23 =	sadd.s32 s20, s16;
	s24 =	sadd.s32 s20, s17  }
0x12: {  	s25 =	sadd.s32 s20, s18;
	[dreg:$0x4] =	wrdreg s22;
	s12 =	sadd.s32 s13, s15  }
0x13: {  	s21 =	sshrl.u32 s21, $0x4;
	s22 =	sshrl.u32 s14, $0x4;
	s13 =	sadd.s32 s0, s15  }
0x14: {  	s0 =	sshrl.u32 s23, $0x4;
	s26 =	sshrl.u32 s24, $0x4;
	s20 =	sshrl.u32 s25, $0x4  }
0x15: {  	s23 =	simm.s32 $0x80;
	s24 =	simm.s32 $0x4A00;
	s25 =	simm.s32 $0x1  }
0x16: {  	s14 =	sadd.s32 s3, s21;
	s15 =	sadd.s32 s3, s22;
	s16 =	sadd.s32 s3, s0  }
0x17: {  	s17 =	sadd.s32 s3, s26;
	s18 =	sadd.s32 s3, s20;
	s20 =	simm.s32 $0x2A00  }
0x18: {  	v0 =	vimm.bf16 $0.0e+00;
	s21 =	simm.s32 $0x5;
	s22 =	simm.s32 $0x1500;
	s26 =	simm.s32 $0x3  }
.LBB2_1:
0x19: {  	s0 =	simm.s32 $0x0;
	s3 =	simm.s32 $0x200  }
.LBB2_2:
0x1a: {  	p0 =	sne.s32 s3, $0x7E00;
	[tilespmem:s0+$0x2A78] =	vst.msk $0xff, v0  }
0x1b: {  	[tilespmem:s0+$0x2A00] =	vst.msk $0xff, v0  }
0x1c: {  	[tilespmem:s0+$0x2A40] =	vst.msk $0xff, v0  }
0x1d: {  	[tilespmem:s0+$0x2A08] =	vst.msk $0xff, v0  }
0x1e: {  	[tilespmem:s0+$0x2A48] =	vst.msk $0xff, v0  }
0x1f: {  	[tilespmem:s0+$0x2A10] =	vst.msk $0xff, v0  }
0x20: {  	[tilespmem:s0+$0x2A50] =	vst.msk $0xff, v0  }
0x21: {  	[tilespmem:s0+$0x2A18] =	vst.msk $0xff, v0  }
0x22: {  	[tilespmem:s0+$0x2A58] =	vst.msk $0xff, v0  }
0x23: {  	[tilespmem:s0+$0x2A20] =	vst.msk $0xff, v0  }
0x24: {  	[tilespmem:s0+$0x2A60] =	vst.msk $0xff, v0  }
.Ltmp0:
0x25: {  	[tilespmem:s0+$0x2A28] =	vst.msk $0xff, v0;
	(pc) =	sbr.rel @p0 .LBB2_2-.Ltmp0, $4  }
0x26: {  	[tilespmem:s0+$0x2A68] =	vst.msk $0xff, v0  }
0x27: {  	[tilespmem:s0+$0x2A30] =	vst.msk $0xff, v0  }
0x28: {  	[tilespmem:s0+$0x2A70] =	vst.msk $0xff, v0  }
0x29: {  	[tilespmem:s0+$0x2A38] =	vst.msk $0xff, v0;
	s0 =	sshra.s32 s3, $0x2;
	s3 =	sadd.s32 $0x200, s3  }
0x2a: {  	[tilespmem:s0+$0x2A78] =	vst.msk $0xff, v0  }
0x2b: {  	[tilespmem:s0+$0x2A00] =	vst.msk $0xff, v0  }
0x2c: {  	[tilespmem:s0+$0x2A40] =	vst.msk $0xff, v0  }
0x2d: {  	[tilespmem:s0+$0x2A08] =	vst.msk $0xff, v0  }
0x2e: {  	[tilespmem:s0+$0x2A48] =	vst.msk $0xff, v0  }
0x2f: {  	[tilespmem:s0+$0x2A10] =	vst.msk $0xff, v0  }
0x30: {  	[tilespmem:s0+$0x2A50] =	vst.msk $0xff, v0  }
0x31: {  	[tilespmem:s0+$0x2A18] =	vst.msk $0xff, v0  }
0x32: {  	[tilespmem:s0+$0x2A58] =	vst.msk $0xff, v0  }
0x33: {  	[tilespmem:s0+$0x2A20] =	vst.msk $0xff, v0  }
0x34: {  	[tilespmem:s0+$0x2A60] =	vst.msk $0xff, v0  }
0x35: {  	[tilespmem:s0+$0x2A28] =	vst.msk $0xff, v0  }
0x36: {  	[tilespmem:s0+$0x2A68] =	vst.msk $0xff, v0  }
0x37: {  	[tilespmem:s0+$0x2A30] =	vst.msk $0xff, v0  }
0x38: {  	[tilespmem:s0+$0x2A70] =	vst.msk $0xff, v0  }
0x39: {  	[tilespmem:s0+$0x2A38] =	vst.msk $0xff, v0  }
0x3a: {  	[spmem:s5] =	stream.linear.scatter [tilespmem:s20], [sflag:$0x5], $0x2000, $0x38;
	[tilespmem:$0x10A00] =	vst v63  }
0x3b: {  	_ =	swait.ge [sflag:s21], $0x2000  }
0x3c: {  	[sflag:s21] =	ssyncset.done $0x0  }
0x3d: {  	[sflag:s21] =	ssyncadd.s32 $0xFFFFE000  }
0x3e: {  	[spmem:s6] =	stream.linear.scatter [tilespmem:s20], [sflag:$0x5], $0x2000, $0x38;
	[tilespmem:$0x10A00] =	vst v63  }
0x3f: {  	_ =	swait.ge [sflag:s21], $0x2000  }
0x40: {  	[sflag:s21] =	ssyncset.done $0x0  }
0x41: {  	[sflag:s21] =	ssyncadd.s32 $0xFFFFE000  }
0x42: {  	[spmem:s7] =	stream.linear.scatter [tilespmem:s20], [sflag:$0x5], $0x2000, $0x38;
	[tilespmem:$0x10A00] =	vst v63  }
0x43: {  	_ =	swait.ge [sflag:s21], $0x2000  }
0x44: {  	[sflag:s21] =	ssyncset.done $0x0  }
0x45: {  	[sflag:s21] =	ssyncadd.s32 $0xFFFFE000  }
0x46: {  	[spmem:s8] =	stream.linear.scatter [tilespmem:s20], [sflag:$0x5], $0x2000, $0x38;
	[tilespmem:$0x10A00] =	vst v63  }
0x47: {  	_ =	swait.ge [sflag:s21], $0x2000  }
0x48: {  	[sflag:s21] =	ssyncset.done $0x0  }
0x49: {  	[sflag:s21] =	ssyncadd.s32 $0xFFFFE000  }
0x4a: {  	[spmem:s9] =	stream.linear.scatter [tilespmem:s20], [sflag:$0x5], $0x2000, $0x38;
	[tilespmem:$0x10A00] =	vst v63  }
0x4b: {  	_ =	swait.ge [sflag:s21], $0x2000  }
0x4c: {  	[sflag:s21] =	ssyncset.done $0x0  }
0x4d: {  	[sflag:s21] =	ssyncadd.s32 $0xFFFFE000  }
0x4e: {  	[bflag:$0x0] =	sbarrier.arrive $0xFFFF  }
0x4f: {  	s3 =	rddreg [dreg:$0x4]  }
0x50: {  	[tilespmem:s2], [sflag:$0x5] =	stream.linear.gather [hbm4b:s3+s2], $0x1500, $0x38;
	[tilespmem:$0x10A00] =	vst v63  }
0x51: {  	_ =	swait.ge [sflag:s21], $0x1500  }
0x52: {  	[sflag:s21] =	ssyncset.done $0x0  }
0x53: {  	[sflag:s21] =	ssyncadd.s32 $0xFFFFEB00  }
0x54: {  	[tilespmem:s22], [sflag:$0x5] =	stream.linear.gather [hbm4b:s11+s2], $0x1500, $0x38;
	[tilespmem:$0x10A00] =	vst v63  }
0x55: {  	_ =	swait.ge [sflag:s21], $0x1500  }
0x56: {  	[sflag:s21] =	ssyncset.done $0x0  }
0x57: {  	[sflag:s21] =	ssyncadd.s32 $0xFFFFEB00  }
0x58: {  	[tilespmem:s20], [sflag:$0x1] =	stream.indirect.gather [hbm4b:s4+s23], $0x40, s2, s23, $0xb8;
	[tilespmem:$0x10A00] =	vst v63  }
0x59: {  	_ = 	snop  }
0x5a: {  	[tilespmem:s24], [sflag:$0x2] =	stream.indirect.gather [hbm4b:s4+s23], $0x40, s23, s23, $0xb8;
	[tilespmem:$0x10A00] =	vst v63  }
0x5b: {  	_ =	swait.ge [sflag:s25], $0x2000  }
0x5c: {  	[sflag:s25] =	ssyncset.done $0x0  }
0x5d: {  	[sflag:s25] =	ssyncadd.s32 $0xFFFFE000  }
0x5e: {  	[spmem:s1] =	stream.indirect.scatter.add.bf16 [tilespmem:s20], [sflag:$0x3], $0x40, s22, s23, $0xb8;
	[tilespmem:$0x10A00] =	vst v63  }
0x5f: {  	_ =	swait.ge [sflag:s26], $0x2000  }
0x60: {  	[sflag:s26] =	ssyncset.done $0x0  }
0x61: {  	s10 =	simm.s32 $0x100;
	[sflag:s26] =	ssyncadd.s32 $0xFFFFE000  }
0x62: {  	[tilespmem:s20], [sflag:$0x1] =	stream.indirect.gather [hbm4b:s4+s23], $0x40, s10, s23, $0xb8;
	[tilespmem:$0x10A00] =	vst v63  }
0x63: {  	_ =	swait.ge [sflag:s28], $0x2000  }
0x64: {  	[sflag:s28] =	ssyncset.done $0x0  }
0x65: {  	s3 =	simm.s32 $0x1580;
	[sflag:s28] =	ssyncadd.s32 $0xFFFFE000  }
0x66: {  	[spmem:s1] =	stream.indirect.scatter.add.bf16 [tilespmem:s24], [sflag:$0x4], $0x40, s3, s23, $0xb8;
	[tilespmem:$0x10A00] =	vst v63  }
0x67: {  	_ =	swait.ge [sflag:s29], $0x2000  }
0x68: {  	[sflag:s29] =	ssyncset.done $0x0  }
0x69: {  	s10 =	simm.s32 $0x180;
	[sflag:s29] =	ssyncadd.s32 $0xFFFFE000  }
0x6a: {  	[tilespmem:s24], [sflag:$0x2] =	stream.indirect.gather [hbm4b:s4+s23], $0x40, s10, s23, $0xb8;
	[tilespmem:$0x10A00] =	vst v63  }
0x6b: {  	_ =	swait.ge [sflag:s25], $0x2000  }
0x6c: {  	[sflag:s25] =	ssyncset.done $0x0  }
0x6d: {  	s0 =	simm.s32 $0xFFFFB400;
	s3 =	simm.s32 $0x1600;
	[sflag:s25] =	ssyncadd.s32 $0xFFFFE000  }
.LBB2_4:
0x6e: {  	[spmem:s1] =	stream.indirect.scatter.add.bf16 [tilespmem:s20], [sflag:$0x3], $0x40, s3, s23, $0xb8;
	[tilespmem:$0x10A00] =	vst v63  }
0x6f: {  	s3 =	smov.u32 s0  }
0x70: {  	p0 =	sne.s32 s0, $0xFFFFFC00;
	s0 =	sadd.s32 $0x400, s0;
	_ =	swait.ge [sflag:s26], $0x2000  }
0x71: {  	s3 =	sshra.s32 s3, $0x2;
	[sflag:s26] =	ssyncset.done $0x0  }
0x72: {  	s10 =	sadd.s32 $0x1500, s3;
	[sflag:s26] =	ssyncadd.s32 $0xFFFFE000  }
0x73: {  	[tilespmem:s20], [sflag:$0x1] =	stream.indirect.gather [hbm4b:s4+s23], $0x40, s10, s23, $0xb8;
	[tilespmem:$0x10A00] =	vst v63  }
0x74: {  	_ =	swait.ge [sflag:s28], $0x2000  }
0x75: {  	[sflag:s28] =	ssyncset.done $0x0  }
0x76: {  	s10 =	sadd.s32 $0x2980, s3;
	[sflag:s28] =	ssyncadd.s32 $0xFFFFE000  }
0x77: {  	[spmem:s1] =	stream.indirect.scatter.add.bf16 [tilespmem:s24], [sflag:$0x4], $0x40, s10, s23, $0xb8;
	[tilespmem:$0x10A00] =	vst v63  }
0x78: {  	_ =	swait.ge [sflag:s29], $0x2000  }
0x79: {  	[sflag:s29] =	ssyncset.done $0x0  }
.Ltmp1:
0x7a: {  	s10 =	sadd.s32 $0x1580, s3;
	[sflag:s29] =	ssyncadd.s32 $0xFFFFE000;
	(pc) =	sbr.rel @p0 .LBB2_4-.Ltmp1, $4  }
0x7b: {  	[tilespmem:s24], [sflag:$0x2] =	stream.indirect.gather [hbm4b:s4+s23], $0x40, s10, s23, $0xb8;
	[tilespmem:$0x10A00] =	vst v63  }
0x7c: {  	_ =	swait.ge [sflag:s25], $0x2000  }
0x7d: {  	[sflag:s25] =	ssyncset.done $0x0  }
0x7e: {  	s3 =	sadd.s32 $0x2A00, s3;
	[sflag:s25] =	ssyncadd.s32 $0xFFFFE000  }
0x7f: {  	[spmem:s1] =	stream.indirect.scatter.add.bf16 [tilespmem:s20], [sflag:$0x3], $0x40, s3, s23, $0xb8;
	[tilespmem:$0x10A00] =	vst v63  }
0x80: {  	_ =	swait.ge [sflag:s28], $0x2000  }
0x81: {  	[sflag:s28] =	ssyncset.done $0x0  }
0x82: {  	[sflag:s28] =	ssyncadd.s32 $0xFFFFE000  }
0x83: {  	[spmem:s1] =	stream.indirect.scatter.add.bf16 [tilespmem:s24], [sflag:$0x4], $0x40, s30, s23, $0xb8;
	[tilespmem:$0x10A00] =	vst v63  }
0x84: {  	_ =	swait.ge [sflag:s26], $0x2000  }
0x85: {  	[sflag:s26] =	ssyncset.done $0x0  }
0x86: {  	[sflag:s26] =	ssyncadd.s32 $0xFFFFE000  }
0x87: {  	_ =	swait.ge [sflag:s29], $0x2000  }
0x88: {  	[sflag:s29] =	ssyncset.done $0x0  }
0x89: {  	[sflag:s29] =	ssyncadd.s32 $0xFFFFE000  }
0x8a: {  	[tilespmem:s2], [sflag:$0x5] =	stream.linear.gather [hbm4b:s12+s2], $0x1500, $0x38;
	[tilespmem:$0x10A00] =	vst v63  }
0x8b: {  	_ =	swait.ge [sflag:s21], $0x1500  }
0x8c: {  	[sflag:s21] =	ssyncset.done $0x0  }
0x8d: {  	[sflag:s21] =	ssyncadd.s32 $0xFFFFEB00  }
0x8e: {  	[tilespmem:s22], [sflag:$0x5] =	stream.linear.gather [hbm4b:s13+s2], $0x1500, $0x38;
	[tilespmem:$0x10A00] =	vst v63  }
0x8f: {  	_ =	swait.ge [sflag:s21], $0x1500  }
0x90: {  	[sflag:s21] =	ssyncset.done $0x0  }
0x91: {  	[sflag:s21] =	ssyncadd.s32 $0xFFFFEB00  }
0x92: {  	[tilespmem:s20], [sflag:$0x1] =	stream.indirect.gather [hbm4b:s4+s23], $0x40, s2, s23, $0xb8;
	[tilespmem:$0x10A00] =	vst v63  }
0x93: {  	_ = 	snop  }
0x94: {  	[tilespmem:s24], [sflag:$0x2] =	stream.indirect.gather [hbm4b:s4+s23], $0x40, s23, s23, $0xb8;
	[tilespmem:$0x10A00] =	vst v63  }
0x95: {  	_ =	swait.ge [sflag:s25], $0x2000  }
0x96: {  	[sflag:s25] =	ssyncset.done $0x0  }
0x97: {  	[sflag:s25] =	ssyncadd.s32 $0xFFFFE000  }
0x98: {  	[spmem:s1] =	stream.indirect.scatter.add.bf16 [tilespmem:s20], [sflag:$0x3], $0x40, s22, s23, $0xb8;
	[tilespmem:$0x10A00] =	vst v63  }
0x99: {  	_ =	swait.ge [sflag:s26], $0x2000  }
0x9a: {  	[sflag:s26] =	ssyncset.done $0x0  }
0x9b: {  	s0 =	simm.s32 $0x100;
	[sflag:s26] =	ssyncadd.s32 $0xFFFFE000  }
0x9c: {  	[tilespmem:s20], [sflag:$0x1] =	stream.indirect.gather [hbm4b:s4+s23], $0x40, s0, s23, $0xb8;
	[tilespmem:$0x10A00] =	vst v63  }
0x9d: {  	_ =	swait.ge [sflag:s28], $0x2000  }
0x9e: {  	[sflag:s28] =	ssyncset.done $0x0  }
0x9f: {  	s3 =	simm.s32 $0x1580;
	[sflag:s28] =	ssyncadd.s32 $0xFFFFE000  }
0xa0: {  	[spmem:s1] =	stream.indirect.scatter.add.bf16 [tilespmem:s24], [sflag:$0x4], $0x40, s3, s23, $0xb8;
	[tilespmem:$0x10A00] =	vst v63  }
0xa1: {  	_ =	swait.ge [sflag:s29], $0x2000  }
0xa2: {  	[sflag:s29] =	ssyncset.done $0x0  }
0xa3: {  	s10 =	simm.s32 $0x180;
	[sflag:s29] =	ssyncadd.s32 $0xFFFFE000  }
0xa4: {  	[tilespmem:s24], [sflag:$0x2] =	stream.indirect.gather [hbm4b:s4+s23], $0x40, s10, s23, $0xb8;
	[tilespmem:$0x10A00] =	vst v63  }
0xa5: {  	_ =	swait.ge [sflag:s25], $0x2000  }
0xa6: {  	[sflag:s25] =	ssyncset.done $0x0  }
0xa7: {  	s0 =	simm.s32 $0xFFFFB400;
	s3 =	simm.s32 $0x1600;
	[sflag:s25] =	ssyncadd.s32 $0xFFFFE000  }
.LBB2_6:
0xa8: {  	[spmem:s1] =	stream.indirect.scatter.add.bf16 [tilespmem:s20], [sflag:$0x3], $0x40, s3, s23, $0xb8;
	[tilespmem:$0x10A00] =	vst v63  }
0xa9: {  	s3 =	smov.u32 s0  }
0xaa: {  	p0 =	sne.s32 s0, $0xFFFFFC00;
	s0 =	sadd.s32 $0x400, s0;
	_ =	swait.ge [sflag:s26], $0x2000  }
0xab: {  	s3 =	sshra.s32 s3, $0x2;
	[sflag:s26] =	ssyncset.done $0x0  }
0xac: {  	s10 =	sadd.s32 $0x1500, s3;
	[sflag:s26] =	ssyncadd.s32 $0xFFFFE000  }
0xad: {  	[tilespmem:s20], [sflag:$0x1] =	stream.indirect.gather [hbm4b:s4+s23], $0x40, s10, s23, $0xb8;
	[tilespmem:$0x10A00] =	vst v63  }
0xae: {  	_ =	swait.ge [sflag:s28], $0x2000  }
0xaf: {  	[sflag:s28] =	ssyncset.done $0x0  }
0xb0: {  	s10 =	sadd.s32 $0x2980, s3;
	[sflag:s28] =	ssyncadd.s32 $0xFFFFE000  }
0xb1: {  	[spmem:s1] =	stream.indirect.scatter.add.bf16 [tilespmem:s24], [sflag:$0x4], $0x40, s10, s23, $0xb8;
	[tilespmem:$0x10A00] =	vst v63  }
0xb2: {  	_ =	swait.ge [sflag:s29], $0x2000  }
0xb3: {  	[sflag:s29] =	ssyncset.done $0x0  }
.Ltmp2:
0xb4: {  	s10 =	sadd.s32 $0x1580, s3;
	[sflag:s29] =	ssyncadd.s32 $0xFFFFE000;
	(pc) =	sbr.rel @p0 .LBB2_6-.Ltmp2, $4  }
0xb5: {  	[tilespmem:s24], [sflag:$0x2] =	stream.indirect.gather [hbm4b:s4+s23], $0x40, s10, s23, $0xb8;
	[tilespmem:$0x10A00] =	vst v63  }
0xb6: {  	_ =	swait.ge [sflag:s25], $0x2000  }
0xb7: {  	[sflag:s25] =	ssyncset.done $0x0  }
0xb8: {  	s3 =	sadd.s32 $0x2A00, s3;
	[sflag:s25] =	ssyncadd.s32 $0xFFFFE000  }
0xb9: {  	[spmem:s1] =	stream.indirect.scatter.add.bf16 [tilespmem:s20], [sflag:$0x3], $0x40, s3, s23, $0xb8;
	[tilespmem:$0x10A00] =	vst v63  }
0xba: {  	_ =	swait.ge [sflag:s28], $0x2000  }
0xbb: {  	[sflag:s28] =	ssyncset.done $0x0  }
0xbc: {  	[sflag:s28] =	ssyncadd.s32 $0xFFFFE000  }
0xbd: {  	[spmem:s1] =	stream.indirect.scatter.add.bf16 [tilespmem:s24], [sflag:$0x4], $0x40, s30, s23, $0xb8;
	[tilespmem:$0x10A00] =	vst v63  }
0xbe: {  	_ =	swait.ge [sflag:s26], $0x2000  }
0xbf: {  	[sflag:s26] =	ssyncset.done $0x0  }
0xc0: {  	[sflag:s26] =	ssyncadd.s32 $0xFFFFE000  }
0xc1: {  	_ =	swait.ge [sflag:s29], $0x2000  }
0xc2: {  	[sflag:s29] =	ssyncset.done $0x0  }
0xc3: {  	[sflag:s29] =	ssyncadd.s32 $0xFFFFE000  }
0xc4: {  	[bflag:$0x0] =	sbarrier.arrive $0xFFFF  }
0xc5: {  	[tilespmem:s20], [sflag:$0x5] =	stream.linear.gather [spmem:s5], $0x2000, $0x38;
	[tilespmem:$0x10A00] =	vst v63  }
0xc6: {  	_ =	swait.ge [sflag:s21], $0x2000  }
0xc7: {  	[sflag:s21] =	ssyncset.done $0x0  }
0xc8: {  	[sflag:s21] =	ssyncadd.s32 $0xFFFFE000  }
0xc9: {  	[hbm4b:s14+s2] =	stream.linear.scatter [tilespmem:s20], [sflag:$0x5], $0x2000, $0x38;
	[tilespmem:$0x10A00] =	vst v63  }
0xca: {  	_ =	swait.ge [sflag:s21], $0x2000  }
0xcb: {  	[sflag:s21] =	ssyncset.done $0x0  }
0xcc: {  	[sflag:s21] =	ssyncadd.s32 $0xFFFFE000  }
0xcd: {  	[tilespmem:s20], [sflag:$0x5] =	stream.linear.gather [spmem:s6], $0x2000, $0x38;
	[tilespmem:$0x10A00] =	vst v63  }
0xce: {  	_ =	swait.ge [sflag:s21], $0x2000  }
0xcf: {  	[sflag:s21] =	ssyncset.done $0x0  }
0xd0: {  	[sflag:s21] =	ssyncadd.s32 $0xFFFFE000  }
0xd1: {  	[hbm4b:s15+s2] =	stream.linear.scatter [tilespmem:s20], [sflag:$0x5], $0x2000, $0x38;
	[tilespmem:$0x10A00] =	vst v63  }
0xd2: {  	_ =	swait.ge [sflag:s21], $0x2000  }
0xd3: {  	[sflag:s21] =	ssyncset.done $0x0  }
0xd4: {  	[sflag:s21] =	ssyncadd.s32 $0xFFFFE000  }
0xd5: {  	[tilespmem:s20], [sflag:$0x5] =	stream.linear.gather [spmem:s7], $0x2000, $0x38;
	[tilespmem:$0x10A00] =	vst v63  }
0xd6: {  	_ =	swait.ge [sflag:s21], $0x2000  }
0xd7: {  	[sflag:s21] =	ssyncset.done $0x0  }
0xd8: {  	[sflag:s21] =	ssyncadd.s32 $0xFFFFE000  }
0xd9: {  	[hbm4b:s16+s2] =	stream.linear.scatter [tilespmem:s20], [sflag:$0x5], $0x2000, $0x38;
	[tilespmem:$0x10A00] =	vst v63  }
0xda: {  	_ =	swait.ge [sflag:s21], $0x2000  }
0xdb: {  	[sflag:s21] =	ssyncset.done $0x0  }
0xdc: {  	[sflag:s21] =	ssyncadd.s32 $0xFFFFE000  }
0xdd: {  	[tilespmem:s20], [sflag:$0x5] =	stream.linear.gather [spmem:s8], $0x2000, $0x38;
	[tilespmem:$0x10A00] =	vst v63  }
0xde: {  	_ =	swait.ge [sflag:s21], $0x2000  }
0xdf: {  	[sflag:s21] =	ssyncset.done $0x0  }
0xe0: {  	[sflag:s21] =	ssyncadd.s32 $0xFFFFE000  }
0xe1: {  	[hbm4b:s17+s2] =	stream.linear.scatter [tilespmem:s20], [sflag:$0x5], $0x2000, $0x38;
	[tilespmem:$0x10A00] =	vst v63  }
0xe2: {  	_ =	swait.ge [sflag:s21], $0x2000  }
0xe3: {  	[sflag:s21] =	ssyncset.done $0x0  }
0xe4: {  	[sflag:s21] =	ssyncadd.s32 $0xFFFFE000  }
0xe5: {  	[tilespmem:s20], [sflag:$0x5] =	stream.linear.gather [spmem:s9], $0x2000, $0x38;
	[tilespmem:$0x10A00] =	vst v63  }
0xe6: {  	s31 =	sadd.s32 $0x1, s31;
	_ =	swait.ge [sflag:s21], $0x2000  }
0xe7: {  	p0 =	sne.s32 s31, s19;
	[sflag:s21] =	ssyncset.done $0x0  }
.Ltmp3:
0xe8: {  	[sflag:s21] =	ssyncadd.s32 $0xFFFFE000;
	(pc) =	sbr.rel @p0 .LBB2_1-.Ltmp3, $4  }
0xe9: {  	[hbm4b:s18+s2] =	stream.linear.scatter [tilespmem:s20], [sflag:$0x5], $0x2000, $0x38;
	[tilespmem:$0x10A00] =	vst v63  }
0xea: {  	_ =	swait.ge [sflag:s21], $0x2000  }
0xeb: {  	[sflag:s21] =	ssyncset.done $0x0  }
0xec: {  	[sflag:s21] =	ssyncadd.s32 $0xFFFFE000  }
0xed: {  	_ =	sfence.sel $0x180000  }
0xee: {  	[bflag:$0x0] =	sbarrier.arrive $0xFFFF  }
0xef: {  	_ =	strace $0x9000004A  }
0xf0: {  	s0 =	stileid.u32;
	[bflag:$0x2] =	sbarrier.arrive $0xFFFF  }
0xf1: {  	p0 =	sne.s32 s0, $0x0;
	s0 =	rddreg [dreg:$0x3]  }
0xf2: {  	s0 =	sadd.s32 @!p0 $0x100000, s0  }
0xf3: {  	[sflag:s0] =	ssyncadd.tile.s32 @!p0 $0x1;
	_ =	shalt  }
.Lfunc_end2:
_tile_overlayer_lowered:
.L_overlay_start_2:
0xf4: {  	(tag) =	ssettag $0x2  }
0xf5: {  	s0 =	rddreg [dreg:$0x0];
	s2 =	stileid.u32  }
0xf6: {  	s1 =	rddreg [dreg:$0x1];
	p0 =	sne.s32 s2, $0x0  }
0xf7: {  	s3 =	rddreg [dreg:$0x2];
	[bflag:$0x3] =	sbarrier.arrive $0xFFFF;
	s2 =	simm.s32 @!p0 $0x1C05  }
0xf8: {  	[timem:s3], [sflag:s2] =	dma.local @!p0 [hbm:s0], s1  }
0xf9: {  	s0 =	simm.s32 @!p0 $0x5  }
0xfa: {  	_ =	swait.ge @!p0 [sflag:s0], s1  }
0xfb: {  	s1 =	ssub.s32 @!p0 $0x0, s1;
	[sflag:s0] =	ssyncset.done @!p0 $0x0  }
0xfc: {  	[sflag:s0] =	ssyncadd.s32 @!p0 s1  }
0xfd: {  	[bflag:$0x3] =	sbarrier.arrive $0xFFFF  }
0xfe: {  	_ =	shalt  }

</sc_bundles>
